<compile_context>
chip_gen: v7x
topology: tpu7x:2x2x1
jax: 0.10.2.dev20260603
libtpu: 0.0.44.dev20260713+nightly
codegen_flags: <defaults>
</compile_context>

<pallas_src>
import functools

import jax
import jax.numpy as jnp
from jax import lax
from jax.experimental import pallas as pl
from jax.experimental.pallas import tpu as pltpu
from jax.experimental.pallas import tpu_sc as plsc

N = 10000
E = 160000
D = 256
G = 64
HD = D // 2
NC, NS = 2, 16
CH = 128
NCHUNK = 1280
EPAD = NCHUNK * CH
RPT = NCHUNK // NS
NPAD = 10112
ZPT = NPAD // NS
NBUF = 2
PHASES = 2
PRPT = RPT // PHASES
NG = PRPT // NBUF


def _sc_agg_body(x2_hbm, src3_hbm, dst3_hbm, zeros_hbm, out_hbm,
                 idx_s, idx_d, rows, acc, *sems):
  c = lax.axis_index("c")
  s = lax.axis_index("s")
  pltpu.sync_copy(zeros_hbm.at[pl.ds(s * ZPT, ZPT)], acc.at[pl.ds(s * ZPT, ZPT)])
  base = s * RPT
  plsc.subcore_barrier()

  def gather(j, b):
    pltpu.async_copy(x2_hbm.at[idx_s.at[j]], rows.at[b], sems[b])

  for ph in range(PHASES):
    hbase = base + ph * PRPT
    pltpu.sync_copy(src3_hbm.at[c, pl.ds(hbase, PRPT)], idx_s)
    pltpu.sync_copy(dst3_hbm.at[pl.ds(hbase, PRPT)], idx_d)
    for b in range(NBUF):
      gather(b, b)

    def grp(g, carry):
      for b in range(NBUF):
        j = g * NBUF + b
        pltpu.make_async_copy(x2_hbm.at[idx_s.at[j]], rows.at[b],
                              sems[b]).wait()
        pltpu.sync_copy(rows.at[b], acc.at[idx_d.at[j]], add=True)

        @pl.when(g < NG - 1)
        def _():
          gather(j + NBUF, b)
      return carry

    lax.fori_loop(0, NG, grp, 0)

  plsc.subcore_barrier()
  pltpu.sync_copy(acc.at[pl.ds(s * ZPT, ZPT)], out_hbm.at[c, pl.ds(s * ZPT, ZPT)])


_sc_agg = pl.kernel(
    _sc_agg_body,
    out_type=jax.ShapeDtypeStruct((NC, NPAD, HD), jnp.float32),
    mesh=plsc.VectorSubcoreMesh(core_axis_name="c", subcore_axis_name="s",
                                num_cores=NC, num_subcores=NS),
    scratch_types=[
        pltpu.VMEM((PRPT, CH), jnp.int32),
        pltpu.VMEM((PRPT, CH), jnp.int32),
        pltpu.VMEM((NBUF, CH, HD), jnp.float32),
        pltpu.VMEM_SHARED((NPAD, HD), jnp.float32),
    ] + [pltpu.SemaphoreType.DMA] * NBUF,
)

BN = 1000


def _mlp_core(xa, xb, aa, ab, w1_ref, b1_ref, w2_ref, b2_ref):
  h = jnp.concatenate([xa + aa, xb + ab], axis=1)
  h1 = jnp.dot(h, w1_ref[...], preferred_element_type=jnp.float32) + b1_ref[...]
  h1 = jnp.maximum(h1, 0.0)
  return jnp.dot(h1, w2_ref[...], preferred_element_type=jnp.float32) + b2_ref[...]


def _mlp_body(xa_ref, xb_ref, aa_ref, ab_ref, w1_ref, b1_ref, w2_ref, b2_ref,
              oa_ref, ob_ref):
  o = _mlp_core(xa_ref[...], xb_ref[...], aa_ref[0], ab_ref[0],
                w1_ref, b1_ref, w2_ref, b2_ref)
  o = jnp.maximum(o, 0.0)
  oa_ref[...] = o[:, :HD]
  ob_ref[...] = o[:, HD:]


def _row_specs():
  half = pl.BlockSpec((BN, HD), lambda i: (i, 0))
  agg0 = pl.BlockSpec((1, BN, HD), lambda i: (0, i, 0))
  agg1 = pl.BlockSpec((1, BN, HD), lambda i: (1, i, 0))

  def full(shape):
    return pl.BlockSpec(shape, lambda i: (0, 0))

  return half, agg0, agg1, full


def _make_mlp(first_layer):
  half, agg0, agg1, full = _row_specs()
  if first_layer:
    xa = pl.BlockSpec((BN, HD), lambda i: (i, 0))
    xb = pl.BlockSpec((BN, HD), lambda i: (i, 1))
  else:
    xa, xb = half, half
  return pl.pallas_call(
      _mlp_body,
      grid=(N // BN,),
      in_specs=[xa, xb, agg0, agg1,
                full((D, D)), full((1, D)), full((D, D)), full((1, D))],
      out_specs=[half, half],
      out_shape=[jax.ShapeDtypeStruct((N, HD), jnp.float32)] * 2,
  )


_mlp_first = _make_mlp(True)
_mlp_mid = _make_mlp(False)


def _mlp_pool_body(b_ref, xa_ref, xb_ref, aa_ref, ab_ref,
                   w1_ref, b1_ref, w2_ref, b2_ref, out_ref, acc_ref):
  i = pl.program_id(0)

  @pl.when(i == 0)
  def _():
    acc_ref[...] = jnp.zeros_like(acc_ref)

  o = _mlp_core(xa_ref[...], xb_ref[...], aa_ref[0], ab_ref[0],
                w1_ref, b1_ref, w2_ref, b2_ref)
  oh = (b_ref[...] == lax.broadcasted_iota(jnp.int32, (BN, G), 1)
        ).astype(jnp.float32)
  hx = jnp.concatenate([o, jnp.ones((BN, 128), jnp.float32)], axis=1)
  acc_ref[...] += lax.dot_general(oh, hx, (((0,), (0,)), ((), ())),
                                  preferred_element_type=jnp.float32)

  @pl.when(i == pl.num_programs(0) - 1)
  def _():
    out_ref[...] = acc_ref[:, :D] / jnp.maximum(acc_ref[:, D:D + 1], 1.0)


def _make_mlp_pool():
  half, agg0, agg1, full = _row_specs()
  return pl.pallas_call(
      _mlp_pool_body,
      grid=(N // BN,),
      in_specs=[pl.BlockSpec((BN, 1), lambda i: (i, 0)),
                half, half, agg0, agg1,
                full((D, D)), full((1, D)), full((D, D)), full((1, D))],
      out_specs=pl.BlockSpec((G, D), lambda i: (0, 0)),
      out_shape=jax.ShapeDtypeStruct((G, D), jnp.float32),
      scratch_shapes=[pltpu.VMEM((G, D + 128), jnp.float32)],
  )


_mlp_pool = _make_mlp_pool()


def kernel(x, edge_index, batch, W1_0, b1_0, W2_0, b2_0,
           W1_1, b1_1, W2_1, b2_1, W1_2, b1_2, W2_2, b2_2):
  src = edge_index[0].astype(jnp.int32)
  dst = edge_index[1].astype(jnp.int32)
  srcp = jnp.concatenate([src, jnp.zeros((EPAD - E,), jnp.int32)])
  dstp = jnp.concatenate([dst, jnp.full((EPAD - E,), N, jnp.int32)])
  src3 = jnp.stack([srcp, srcp + N]).reshape(NC, NCHUNK, CH)
  dst3 = dstp.reshape(NCHUNK, CH)
  zeros = jnp.zeros((NPAD, HD), jnp.float32)
  batch2 = batch[:, None].astype(jnp.int32)

  xa, xb = x[:, :HD], x[:, HD:]
  agg = _sc_agg(jnp.concatenate([xa, xb], axis=0), src3, dst3, zeros)
  xa, xb = _mlp_first(x, x, agg, agg,
                      W1_0, b1_0.reshape(1, D), W2_0, b2_0.reshape(1, D))
  agg = _sc_agg(jnp.concatenate([xa, xb], axis=0), src3, dst3, zeros)
  xa, xb = _mlp_mid(xa, xb, agg, agg,
                    W1_1, b1_1.reshape(1, D), W2_1, b2_1.reshape(1, D))
  agg = _sc_agg(jnp.concatenate([xa, xb], axis=0), src3, dst3, zeros)
  return _mlp_pool(batch2, xa, xb, agg, agg,
                   W1_2, b1_2.reshape(1, D), W2_2, b2_2.reshape(1, D))

# --- scband reference (transcript-rebuilt; emitter-appended) ---
"""Pipeline reference for scband-gin-28123445854509 (READ-ONLY COPY).

The authoritative reference and input builder live on the scoring server;
editing this copy changes nothing except your own understanding.
"""

import jax, jax.numpy as jnp
import numpy as np

N = 10000
E = 160000
D = 256
H = 256
O = 256
G = 64


def setup_inputs(seed: int = 0) -> dict:
    key = jax.random.key(seed)
    ks = jax.random.split(key, 16)
    x = jax.random.normal(ks[0], (N, D), dtype=jnp.float32)
    edge_index = jax.random.randint(ks[1], (2, E), 0, N)
    batch = jnp.sort(jax.random.randint(ks[2], (N,), 0, G))
    params = {}
    dims = [(D, H, H), (H, H, H), (H, H, O)]
    i = 3
    for l, (di, dh, do) in enumerate(dims):
        params[f"W1_{l}"] = jax.random.normal(ks[i], (di, dh), dtype=jnp.float32) * (1.0 / np.sqrt(di)); i += 1
        params[f"b1_{l}"] = jnp.zeros((dh,), dtype=jnp.float32)
        params[f"W2_{l}"] = jax.random.normal(ks[i], (dh, do), dtype=jnp.float32) * (1.0 / np.sqrt(dh)); i += 1
        params[f"b2_{l}"] = jnp.zeros((do,), dtype=jnp.float32)
    return {"x": x, "edge_index": edge_index, "batch": batch, **params}


def _gin_conv(x, src, dst, W1, b1, W2, b2, n):
    # GINConv, eps=0: h = MLP((1+eps)*x + sum_{j->i} x_j)
    agg = jax.ops.segment_sum(x[src], dst, num_segments=n)
    h = x + agg
    h = jnp.maximum(h @ W1 + b1, 0.0) @ W2 + b2
    return h


def reference(x, edge_index, batch, W1_0, b1_0, W2_0, b2_0, W1_1, b1_1, W2_1, b2_1, W1_2, b1_2, W2_2, b2_2):
    src, dst = edge_index[0], edge_index[1]
    n = x.shape[0]
    # layer 0 (+ ReLU; dropout is identity in eval mode)
    h = _gin_conv(x, src, dst, W1_0, b1_0, W2_0, b2_0, n)
    h = jnp.maximum(h, 0.0)
    # layer 1
    h = _gin_conv(h, src, dst, W1_1, b1_1, W2_1, b2_1, n)
    h = jnp.maximum(h, 0.0)
    # layer 2 (no activation)
    h = _gin_conv(h, src, dst, W1_2, b1_2, W2_2, b2_2, n)
    # global_mean_pool
    counts = jax.ops.segment_sum(jnp.ones((n,), dtype=jnp.float32), batch, num_segments=G)
    pooled = jax.ops.segment_sum(h, batch, num_segments=G) / jnp.maximum(counts, 1.0)[:, None]
    return pooled

if __name__ == "__main__":
    import jax
    _d = setup_inputs()
    print(jax.jit(kernel)(*tuple(_d.values())))

</pallas_src>

<mosaic_0001>
#map = affine_map<(d0, d1) -> (0, 0)>
#map1 = affine_map<(d0, d1) -> (0, 0, 0)>
module attributes {stable_mosaic.version = 14 : i64} {
  func.func @_sc_agg_body(%arg0: i32, %arg1: i32, %arg2: memref<20000x128xf32, #tpu.memory_space<hbm>>, %arg3: memref<2x1280x128xi32, #tpu.memory_space<hbm>>, %arg4: memref<1280x128xi32, #tpu.memory_space<hbm>>, %arg5: memref<10112x128xf32, #tpu.memory_space<hbm>>, %arg6: memref<2x10112x128xf32, #tpu.memory_space<hbm>>, %arg7: memref<40x128xi32, #tpu.memory_space<vmem>>, %arg8: memref<40x128xi32, #tpu.memory_space<vmem>>, %arg9: memref<2x128x128xf32, #tpu.memory_space<vmem>>, %arg10: memref<10112x128xf32, #tpu.memory_space<vmem_shared>>, %arg11: memref<!tpu.dma_semaphore, #tpu.memory_space<semaphore_mem>>, %arg12: memref<!tpu.dma_semaphore, #tpu.memory_space<semaphore_mem>>) attributes {dimension_semantics = [#tpu.dimension_semantics<core_parallel>, #tpu.dimension_semantics<subcore_parallel>], iteration_bounds = array<i64: 2, 16>, scalar_prefetch = 0 : i64, scratch_operands = 6 : i64, tpu.core_type = #tpu.core_type<sc_vector_subcore>, window_params = [{transform_indices = #map}, {transform_indices = #map1}, {transform_indices = #map}, {transform_indices = #map}, {transform_indices = #map1}]} {
    %mul3A = arith.constant 632 : i32
    %mul3A_0 = arith.muli %arg1, %mul3A : i32
    %mul3A_1 = arith.constant 632 : i32
    %mul3A_2 = arith.muli %arg1, %mul3A_1 : i32
    "tpu.region"() ({
      %run_scoped3A = tpu.sem_alloc : memref<!tpu.dma_semaphore, #tpu.memory_space<semaphore_mem>>
      %dma_start3A_71 = arith.constant 0 : i32
      %dma_start3A_72 = tpu.memref_slice %arg10[%mul3A_2, %dma_start3A_71] : memref<10112x128xf32, #tpu.memory_space<vmem_shared>> -> memref<632x128xf32, #tpu.memory_space<vmem_shared>>
      %dma_start3A_73 = arith.constant 0 : i32
      %dma_start3A_74 = tpu.memref_slice %arg5[%mul3A_0, %dma_start3A_73] : memref<10112x128xf32, #tpu.memory_space<hbm>> -> memref<632x128xf32, #tpu.memory_space<hbm>>
      tpu.enqueue_dma source(%dma_start3A_74 : memref<632x128xf32, #tpu.memory_space<hbm>>) target(%dma_start3A_72 : memref<632x128xf32, #tpu.memory_space<vmem_shared>>) target_semaphore(%run_scoped3A : memref<!tpu.dma_semaphore, #tpu.memory_space<semaphore_mem>>)
      %dma_wait3A = arith.constant 0 : i32
      %dma_wait3A_75 = tpu.memref_slice %arg10[%mul3A_2, %dma_wait3A] : memref<10112x128xf32, #tpu.memory_space<vmem_shared>> -> memref<632x128xf32, #tpu.memory_space<vmem_shared>>
      %dma_wait3A_76 = arith.constant 0 : i32
      %dma_wait3A_77 = tpu.memref_slice %arg5[%mul3A_0, %dma_wait3A_76] : memref<10112x128xf32, #tpu.memory_space<hbm>> -> memref<632x128xf32, #tpu.memory_space<hbm>>
      tpu.wait_dma2 semaphore(%run_scoped3A : memref<!tpu.dma_semaphore, #tpu.memory_space<semaphore_mem>>) src(%dma_wait3A_77 : memref<632x128xf32, #tpu.memory_space<hbm>>) dst(%dma_wait3A_75 : memref<632x128xf32, #tpu.memory_space<vmem_shared>>)
      tpu.yield
    }) : () -> ()
    %mul3A_3 = arith.constant 80 : i32
    %mul3A_4 = arith.muli %arg1, %mul3A_3 : i32
    %barrier3A = arith.constant 0 : index
    tpu.barrier barrier_id(%barrier3A)
    %add3A = arith.constant 0 : i32
    %add3A_5 = arith.addi %mul3A_4, %add3A : i32
    "tpu.region"() ({
      %run_scoped3A = tpu.sem_alloc : memref<!tpu.dma_semaphore, #tpu.memory_space<semaphore_mem>>
      %dma_start3A_71 = arith.constant 0 : i32
      %dma_start3A_72 = tpu.memref_slice %arg3[%arg0, %add3A_5, %dma_start3A_71] : memref<2x1280x128xi32, #tpu.memory_space<hbm>> -> memref<1x40x128xi32, #tpu.memory_space<hbm>>
      %dma_start3A_73 = tpu.memref_squeeze %dma_start3A_72 : memref<1x40x128xi32, #tpu.memory_space<hbm>> -> memref<40x128xi32, #tpu.memory_space<hbm>>
      %dma_start3A_74 = arith.constant 0 : i32
      %dma_start3A_75 = tpu.memref_slice %arg3[%arg0, %add3A_5, %dma_start3A_74] : memref<2x1280x128xi32, #tpu.memory_space<hbm>> -> memref<1x40x128xi32, #tpu.memory_space<hbm>>
      %dma_start3A_76 = tpu.memref_squeeze %dma_start3A_75 : memref<1x40x128xi32, #tpu.memory_space<hbm>> -> memref<40x128xi32, #tpu.memory_space<hbm>>
      tpu.enqueue_dma source(%dma_start3A_76 : memref<40x128xi32, #tpu.memory_space<hbm>>) target(%arg7 : memref<40x128xi32, #tpu.memory_space<vmem>>) target_semaphore(%run_scoped3A : memref<!tpu.dma_semaphore, #tpu.memory_space<semaphore_mem>>)
      %dma_wait3A = arith.constant 0 : i32
      %dma_wait3A_77 = tpu.memref_slice %arg3[%arg0, %add3A_5, %dma_wait3A] : memref<2x1280x128xi32, #tpu.memory_space<hbm>> -> memref<1x40x128xi32, #tpu.memory_space<hbm>>
      %dma_wait3A_78 = tpu.memref_squeeze %dma_wait3A_77 : memref<1x40x128xi32, #tpu.memory_space<hbm>> -> memref<40x128xi32, #tpu.memory_space<hbm>>
      %dma_wait3A_79 = arith.constant 0 : i32
      %dma_wait3A_80 = tpu.memref_slice %arg3[%arg0, %add3A_5, %dma_wait3A_79] : memref<2x1280x128xi32, #tpu.memory_space<hbm>> -> memref<1x40x128xi32, #tpu.memory_space<hbm>>
      %dma_wait3A_81 = tpu.memref_squeeze %dma_wait3A_80 : memref<1x40x128xi32, #tpu.memory_space<hbm>> -> memref<40x128xi32, #tpu.memory_space<hbm>>
      tpu.wait_dma2 semaphore(%run_scoped3A : memref<!tpu.dma_semaphore, #tpu.memory_space<semaphore_mem>>) src(%dma_wait3A_81 : memref<40x128xi32, #tpu.memory_space<hbm>>) dst(%arg7 : memref<40x128xi32, #tpu.memory_space<vmem>>)
      tpu.yield
    }) : () -> ()
    "tpu.region"() ({
      %run_scoped3A = tpu.sem_alloc : memref<!tpu.dma_semaphore, #tpu.memory_space<semaphore_mem>>
      %dma_start3A_71 = arith.constant 0 : i32
      %dma_start3A_72 = tpu.memref_slice %arg4[%add3A_5, %dma_start3A_71] : memref<1280x128xi32, #tpu.memory_space<hbm>> -> memref<40x128xi32, #tpu.memory_space<hbm>>
      %dma_start3A_73 = arith.constant 0 : i32
      %dma_start3A_74 = tpu.memref_slice %arg4[%add3A_5, %dma_start3A_73] : memref<1280x128xi32, #tpu.memory_space<hbm>> -> memref<40x128xi32, #tpu.memory_space<hbm>>
      tpu.enqueue_dma source(%dma_start3A_74 : memref<40x128xi32, #tpu.memory_space<hbm>>) target(%arg8 : memref<40x128xi32, #tpu.memory_space<vmem>>) target_semaphore(%run_scoped3A : memref<!tpu.dma_semaphore, #tpu.memory_space<semaphore_mem>>)
      %dma_wait3A = arith.constant 0 : i32
      %dma_wait3A_75 = tpu.memref_slice %arg4[%add3A_5, %dma_wait3A] : memref<1280x128xi32, #tpu.memory_space<hbm>> -> memref<40x128xi32, #tpu.memory_space<hbm>>
      %dma_wait3A_76 = arith.constant 0 : i32
      %dma_wait3A_77 = tpu.memref_slice %arg4[%add3A_5, %dma_wait3A_76] : memref<1280x128xi32, #tpu.memory_space<hbm>> -> memref<40x128xi32, #tpu.memory_space<hbm>>
      tpu.wait_dma2 semaphore(%run_scoped3A : memref<!tpu.dma_semaphore, #tpu.memory_space<semaphore_mem>>) src(%dma_wait3A_77 : memref<40x128xi32, #tpu.memory_space<hbm>>) dst(%arg8 : memref<40x128xi32, #tpu.memory_space<vmem>>)
      tpu.yield
    }) : () -> ()
    %dma_start3A = arith.constant 0 : i32
    %dma_start3A_6 = arith.constant 0 : i32
    %dma_start3A_7 = arith.constant 0 : i32
    %dma_start3A_8 = arith.constant 0 : i32
    %dma_start3A_9 = tpu.memref_slice %arg9[%dma_start3A_6, %dma_start3A_7, %dma_start3A_8] : memref<2x128x128xf32, #tpu.memory_space<vmem>> -> memref<1x128x128xf32, #tpu.memory_space<vmem>>
    %dma_start3A_10 = tpu.memref_squeeze %dma_start3A_9 : memref<1x128x128xf32, #tpu.memory_space<vmem>> -> memref<128x128xf32, #tpu.memory_space<vmem>>
    %dma_start3A_11 = arith.constant 0 : i32
    %dma_start3A_12 = tpu.memref_slice %arg7[%dma_start3A, %dma_start3A_11] : memref<40x128xi32, #tpu.memory_space<vmem>> -> memref<1x128xi32, #tpu.memory_space<vmem>>
    %dma_start3A_13 = tpu.memref_squeeze %dma_start3A_12 : memref<1x128xi32, #tpu.memory_space<vmem>> -> memref<128xi32, #tpu.memory_space<vmem>>
    %dma_start3A_14 = arith.constant 0 : i32
    %dma_start3A_15 = arith.constant 0 : i32
    %dma_start3A_16 = tpu.memref_slice %arg2[%dma_start3A_14, %dma_start3A_15] : memref<20000x128xf32, #tpu.memory_space<hbm>> -> memref<20000x128xf32, #tpu.memory_space<hbm>>
    tpu.enqueue_indirect_dma source(%dma_start3A_16 : memref<20000x128xf32, #tpu.memory_space<hbm>>) target(%dma_start3A_10 : memref<128x128xf32, #tpu.memory_space<vmem>>) offsets(%dma_start3A_13 : memref<128xi32, #tpu.memory_space<vmem>>) semaphore(%arg11 : memref<!tpu.dma_semaphore, #tpu.memory_space<semaphore_mem>>)
    %dma_start3A_17 = arith.constant 1 : i32
    %dma_start3A_18 = arith.constant 1 : i32
    %dma_start3A_19 = arith.constant 0 : i32
    %dma_start3A_20 = arith.constant 0 : i32
    %dma_start3A_21 = tpu.memref_slice %arg9[%dma_start3A_18, %dma_start3A_19, %dma_start3A_20] : memref<2x128x128xf32, #tpu.memory_space<vmem>> -> memref<1x128x128xf32, #tpu.memory_space<vmem>>
    %dma_start3A_22 = tpu.memref_squeeze %dma_start3A_21 : memref<1x128x128xf32, #tpu.memory_space<vmem>> -> memref<128x128xf32, #tpu.memory_space<vmem>>
    %dma_start3A_23 = arith.constant 0 : i32
    %dma_start3A_24 = tpu.memref_slice %arg7[%dma_start3A_17, %dma_start3A_23] : memref<40x128xi32, #tpu.memory_space<vmem>> -> memref<1x128xi32, #tpu.memory_space<vmem>>
    %dma_start3A_25 = tpu.memref_squeeze %dma_start3A_24 : memref<1x128xi32, #tpu.memory_space<vmem>> -> memref<128xi32, #tpu.memory_space<vmem>>
    %dma_start3A_26 = arith.constant 0 : i32
    %dma_start3A_27 = arith.constant 0 : i32
    %dma_start3A_28 = tpu.memref_slice %arg2[%dma_start3A_26, %dma_start3A_27] : memref<20000x128xf32, #tpu.memory_space<hbm>> -> memref<20000x128xf32, #tpu.memory_space<hbm>>
    tpu.enqueue_indirect_dma source(%dma_start3A_28 : memref<20000x128xf32, #tpu.memory_space<hbm>>) target(%dma_start3A_22 : memref<128x128xf32, #tpu.memory_space<vmem>>) offsets(%dma_start3A_25 : memref<128xi32, #tpu.memory_space<vmem>>) semaphore(%arg12 : memref<!tpu.dma_semaphore, #tpu.memory_space<semaphore_mem>>)
    %scan3A = arith.constant 0 : i32
    %scan3A_29 = arith.constant 0 : i32
    %scan3A_30 = arith.constant 20 : i32
    %scan3A_31 = arith.addi %scan3A_29, %scan3A_30 : i32
    %scan3A_32 = arith.constant 1 : i32
    scf.for %scan3A_71 = %scan3A_29 to %scan3A_31 step %scan3A_32  : i32 {
      %mul3A_72 = arith.constant 2 : i32
      %mul3A_73 = arith.muli %scan3A_71, %mul3A_72 : i32
      %add3A_74 = arith.constant 0 : i32
      %add3A_75 = arith.addi %mul3A_73, %add3A_74 : i32
      %dma_wait3A = arith.constant 0 : i32
      %dma_wait3A_76 = arith.constant 0 : i32
      %dma_wait3A_77 = arith.constant 0 : i32
      %dma_wait3A_78 = tpu.memref_slice %arg9[%dma_wait3A, %dma_wait3A_76, %dma_wait3A_77] : memref<2x128x128xf32, #tpu.memory_space<vmem>> -> memref<1x128x128xf32, #tpu.memory_space<vmem>>
      %dma_wait3A_79 = tpu.memref_squeeze %dma_wait3A_78 : memref<1x128x128xf32, #tpu.memory_space<vmem>> -> memref<128x128xf32, #tpu.memory_space<vmem>>
      %dma_wait3A_80 = arith.constant 0 : i32
      %dma_wait3A_81 = tpu.memref_slice %arg7[%add3A_75, %dma_wait3A_80] : memref<40x128xi32, #tpu.memory_space<vmem>> -> memref<1x128xi32, #tpu.memory_space<vmem>>
      %dma_wait3A_82 = tpu.memref_squeeze %dma_wait3A_81 : memref<1x128xi32, #tpu.memory_space<vmem>> -> memref<128xi32, #tpu.memory_space<vmem>>
      %dma_wait3A_83 = arith.constant 0 : i32
      %dma_wait3A_84 = arith.constant 0 : i32
      %dma_wait3A_85 = tpu.memref_slice %arg2[%dma_wait3A_83, %dma_wait3A_84] : memref<20000x128xf32, #tpu.memory_space<hbm>> -> memref<20000x128xf32, #tpu.memory_space<hbm>>
      tpu.wait_indirect_dma semaphore(%arg11 : memref<!tpu.dma_semaphore, #tpu.memory_space<semaphore_mem>>) src(%dma_wait3A_85 : memref<20000x128xf32, #tpu.memory_space<hbm>>) dst(%dma_wait3A_79 : memref<128x128xf32, #tpu.memory_space<vmem>>)
      %run_scoped3A = arith.constant 0 : i32
      "tpu.region"() ({
        %run_scoped3A_109 = tpu.sem_alloc : memref<!tpu.dma_semaphore, #tpu.memory_space<semaphore_mem>>
        %dma_start3A_110 = arith.constant 0 : i32
        %dma_start3A_111 = arith.constant 0 : i32
        %dma_start3A_112 = tpu.memref_slice %arg9[%run_scoped3A, %dma_start3A_110, %dma_start3A_111] : memref<2x128x128xf32, #tpu.memory_space<vmem>> -> memref<1x128x128xf32, #tpu.memory_space<vmem>>
        %dma_start3A_113 = tpu.memref_squeeze %dma_start3A_112 : memref<1x128x128xf32, #tpu.memory_space<vmem>> -> memref<128x128xf32, #tpu.memory_space<vmem>>
        %dma_start3A_114 = arith.constant 0 : i32
        %dma_start3A_115 = tpu.memref_slice %arg8[%add3A_75, %dma_start3A_114] : memref<40x128xi32, #tpu.memory_space<vmem>> -> memref<1x128xi32, #tpu.memory_space<vmem>>
        %dma_start3A_116 = tpu.memref_squeeze %dma_start3A_115 : memref<1x128xi32, #tpu.memory_space<vmem>> -> memref<128xi32, #tpu.memory_space<vmem>>
        %dma_start3A_117 = arith.constant 0 : i32
        %dma_start3A_118 = arith.constant 0 : i32
        %dma_start3A_119 = tpu.memref_slice %arg10[%dma_start3A_117, %dma_start3A_118] : memref<10112x128xf32, #tpu.memory_space<vmem_shared>> -> memref<10112x128xf32, #tpu.memory_space<vmem_shared>>
        tpu.enqueue_indirect_dma source(%dma_start3A_113 : memref<128x128xf32, #tpu.memory_space<vmem>>) target(%dma_start3A_119 : memref<10112x128xf32, #tpu.memory_space<vmem_shared>>) offsets(%dma_start3A_116 : memref<128xi32, #tpu.memory_space<vmem>>) semaphore(%run_scoped3A_109 : memref<!tpu.dma_semaphore, #tpu.memory_space<semaphore_mem>>) {add = true}
        %dma_wait3A_120 = arith.constant 0 : i32
        %dma_wait3A_121 = arith.constant 0 : i32
        %dma_wait3A_122 = tpu.memref_slice %arg9[%run_scoped3A, %dma_wait3A_120, %dma_wait3A_121] : memref<2x128x128xf32, #tpu.memory_space<vmem>> -> memref<1x128x128xf32, #tpu.memory_space<vmem>>
        %dma_wait3A_123 = tpu.memref_squeeze %dma_wait3A_122 : memref<1x128x128xf32, #tpu.memory_space<vmem>> -> memref<128x128xf32, #tpu.memory_space<vmem>>
        %dma_wait3A_124 = arith.constant 0 : i32
        %dma_wait3A_125 = tpu.memref_slice %arg8[%add3A_75, %dma_wait3A_124] : memref<40x128xi32, #tpu.memory_space<vmem>> -> memref<1x128xi32, #tpu.memory_space<vmem>>
        %dma_wait3A_126 = tpu.memref_squeeze %dma_wait3A_125 : memref<1x128xi32, #tpu.memory_space<vmem>> -> memref<128xi32, #tpu.memory_space<vmem>>
        %dma_wait3A_127 = arith.constant 0 : i32
        %dma_wait3A_128 = arith.constant 0 : i32
        %dma_wait3A_129 = tpu.memref_slice %arg10[%dma_wait3A_127, %dma_wait3A_128] : memref<10112x128xf32, #tpu.memory_space<vmem_shared>> -> memref<10112x128xf32, #tpu.memory_space<vmem_shared>>
        tpu.wait_indirect_dma semaphore(%run_scoped3A_109 : memref<!tpu.dma_semaphore, #tpu.memory_space<semaphore_mem>>) src(%dma_wait3A_123 : memref<128x128xf32, #tpu.memory_space<vmem>>) dst(%dma_wait3A_129 : memref<10112x128xf32, #tpu.memory_space<vmem_shared>>)
        tpu.yield
      }) : () -> ()
      %lt3A = arith.constant 19 : i32
      %lt3A_86 = arith.cmpi slt, %scan3A_71, %lt3A : i32
      %convert_element_type3A = arith.extui %lt3A_86 : i1 to i32
      %cond3A = arith.constant 0 : i32
      %cond3A_87 = arith.cmpi ne, %convert_element_type3A, %cond3A : i32
      scf.if %cond3A_87 {
        %add3A_109 = arith.constant 2 : i32
        %add3A_110 = arith.addi %add3A_75, %add3A_109 : i32
        %dma_start3A_111 = arith.constant 0 : i32
        %dma_start3A_112 = arith.constant 0 : i32
        %dma_start3A_113 = arith.constant 0 : i32
        %dma_start3A_114 = tpu.memref_slice %arg9[%dma_start3A_111, %dma_start3A_112, %dma_start3A_113] : memref<2x128x128xf32, #tpu.memory_space<vmem>> -> memref<1x128x128xf32, #tpu.memory_space<vmem>>
        %dma_start3A_115 = tpu.memref_squeeze %dma_start3A_114 : memref<1x128x128xf32, #tpu.memory_space<vmem>> -> memref<128x128xf32, #tpu.memory_space<vmem>>
        %dma_start3A_116 = arith.constant 0 : i32
        %dma_start3A_117 = tpu.memref_slice %arg7[%add3A_110, %dma_start3A_116] : memref<40x128xi32, #tpu.memory_space<vmem>> -> memref<1x128xi32, #tpu.memory_space<vmem>>
        %dma_start3A_118 = tpu.memref_squeeze %dma_start3A_117 : memref<1x128xi32, #tpu.memory_space<vmem>> -> memref<128xi32, #tpu.memory_space<vmem>>
        %dma_start3A_119 = arith.constant 0 : i32
        %dma_start3A_120 = arith.constant 0 : i32
        %dma_start3A_121 = tpu.memref_slice %arg2[%dma_start3A_119, %dma_start3A_120] : memref<20000x128xf32, #tpu.memory_space<hbm>> -> memref<20000x128xf32, #tpu.memory_space<hbm>>
        tpu.enqueue_indirect_dma source(%dma_start3A_121 : memref<20000x128xf32, #tpu.memory_space<hbm>>) target(%dma_start3A_115 : memref<128x128xf32, #tpu.memory_space<vmem>>) offsets(%dma_start3A_118 : memref<128xi32, #tpu.memory_space<vmem>>) semaphore(%arg11 : memref<!tpu.dma_semaphore, #tpu.memory_space<semaphore_mem>>)
      } else {
      }
      %mul3A_88 = arith.constant 2 : i32
      %mul3A_89 = arith.muli %scan3A_71, %mul3A_88 : i32
      %add3A_90 = arith.constant 1 : i32
      %add3A_91 = arith.addi %mul3A_89, %add3A_90 : i32
      %dma_wait3A_92 = arith.constant 1 : i32
      %dma_wait3A_93 = arith.constant 0 : i32
      %dma_wait3A_94 = arith.constant 0 : i32
      %dma_wait3A_95 = tpu.memref_slice %arg9[%dma_wait3A_92, %dma_wait3A_93, %dma_wait3A_94] : memref<2x128x128xf32, #tpu.memory_space<vmem>> -> memref<1x128x128xf32, #tpu.memory_space<vmem>>
      %dma_wait3A_96 = tpu.memref_squeeze %dma_wait3A_95 : memref<1x128x128xf32, #tpu.memory_space<vmem>> -> memref<128x128xf32, #tpu.memory_space<vmem>>
      %dma_wait3A_97 = arith.constant 0 : i32
      %dma_wait3A_98 = tpu.memref_slice %arg7[%add3A_91, %dma_wait3A_97] : memref<40x128xi32, #tpu.memory_space<vmem>> -> memref<1x128xi32, #tpu.memory_space<vmem>>
      %dma_wait3A_99 = tpu.memref_squeeze %dma_wait3A_98 : memref<1x128xi32, #tpu.memory_space<vmem>> -> memref<128xi32, #tpu.memory_space<vmem>>
      %dma_wait3A_100 = arith.constant 0 : i32
      %dma_wait3A_101 = arith.constant 0 : i32
      %dma_wait3A_102 = tpu.memref_slice %arg2[%dma_wait3A_100, %dma_wait3A_101] : memref<20000x128xf32, #tpu.memory_space<hbm>> -> memref<20000x128xf32, #tpu.memory_space<hbm>>
      tpu.wait_indirect_dma semaphore(%arg12 : memref<!tpu.dma_semaphore, #tpu.memory_space<semaphore_mem>>) src(%dma_wait3A_102 : memref<20000x128xf32, #tpu.memory_space<hbm>>) dst(%dma_wait3A_96 : memref<128x128xf32, #tpu.memory_space<vmem>>)
      %run_scoped3A_103 = arith.constant 1 : i32
      "tpu.region"() ({
        %run_scoped3A_109 = tpu.sem_alloc : memref<!tpu.dma_semaphore, #tpu.memory_space<semaphore_mem>>
        %dma_start3A_110 = arith.constant 0 : i32
        %dma_start3A_111 = arith.constant 0 : i32
        %dma_start3A_112 = tpu.memref_slice %arg9[%run_scoped3A_103, %dma_start3A_110, %dma_start3A_111] : memref<2x128x128xf32, #tpu.memory_space<vmem>> -> memref<1x128x128xf32, #tpu.memory_space<vmem>>
        %dma_start3A_113 = tpu.memref_squeeze %dma_start3A_112 : memref<1x128x128xf32, #tpu.memory_space<vmem>> -> memref<128x128xf32, #tpu.memory_space<vmem>>
        %dma_start3A_114 = arith.constant 0 : i32
        %dma_start3A_115 = tpu.memref_slice %arg8[%add3A_91, %dma_start3A_114] : memref<40x128xi32, #tpu.memory_space<vmem>> -> memref<1x128xi32, #tpu.memory_space<vmem>>
        %dma_start3A_116 = tpu.memref_squeeze %dma_start3A_115 : memref<1x128xi32, #tpu.memory_space<vmem>> -> memref<128xi32, #tpu.memory_space<vmem>>
        %dma_start3A_117 = arith.constant 0 : i32
        %dma_start3A_118 = arith.constant 0 : i32
        %dma_start3A_119 = tpu.memref_slice %arg10[%dma_start3A_117, %dma_start3A_118] : memref<10112x128xf32, #tpu.memory_space<vmem_shared>> -> memref<10112x128xf32, #tpu.memory_space<vmem_shared>>
        tpu.enqueue_indirect_dma source(%dma_start3A_113 : memref<128x128xf32, #tpu.memory_space<vmem>>) target(%dma_start3A_119 : memref<10112x128xf32, #tpu.memory_space<vmem_shared>>) offsets(%dma_start3A_116 : memref<128xi32, #tpu.memory_space<vmem>>) semaphore(%run_scoped3A_109 : memref<!tpu.dma_semaphore, #tpu.memory_space<semaphore_mem>>) {add = true}
        %dma_wait3A_120 = arith.constant 0 : i32
        %dma_wait3A_121 = arith.constant 0 : i32
        %dma_wait3A_122 = tpu.memref_slice %arg9[%run_scoped3A_103, %dma_wait3A_120, %dma_wait3A_121] : memref<2x128x128xf32, #tpu.memory_space<vmem>> -> memref<1x128x128xf32, #tpu.memory_space<vmem>>
        %dma_wait3A_123 = tpu.memref_squeeze %dma_wait3A_122 : memref<1x128x128xf32, #tpu.memory_space<vmem>> -> memref<128x128xf32, #tpu.memory_space<vmem>>
        %dma_wait3A_124 = arith.constant 0 : i32
        %dma_wait3A_125 = tpu.memref_slice %arg8[%add3A_91, %dma_wait3A_124] : memref<40x128xi32, #tpu.memory_space<vmem>> -> memref<1x128xi32, #tpu.memory_space<vmem>>
        %dma_wait3A_126 = tpu.memref_squeeze %dma_wait3A_125 : memref<1x128xi32, #tpu.memory_space<vmem>> -> memref<128xi32, #tpu.memory_space<vmem>>
        %dma_wait3A_127 = arith.constant 0 : i32
        %dma_wait3A_128 = arith.constant 0 : i32
        %dma_wait3A_129 = tpu.memref_slice %arg10[%dma_wait3A_127, %dma_wait3A_128] : memref<10112x128xf32, #tpu.memory_space<vmem_shared>> -> memref<10112x128xf32, #tpu.memory_space<vmem_shared>>
        tpu.wait_indirect_dma semaphore(%run_scoped3A_109 : memref<!tpu.dma_semaphore, #tpu.memory_space<semaphore_mem>>) src(%dma_wait3A_123 : memref<128x128xf32, #tpu.memory_space<vmem>>) dst(%dma_wait3A_129 : memref<10112x128xf32, #tpu.memory_space<vmem_shared>>)
        tpu.yield
      }) : () -> ()
      %lt3A_104 = arith.constant 19 : i32
      %lt3A_105 = arith.cmpi slt, %scan3A_71, %lt3A_104 : i32
      %convert_element_type3A_106 = arith.extui %lt3A_105 : i1 to i32
      %cond3A_107 = arith.constant 0 : i32
      %cond3A_108 = arith.cmpi ne, %convert_element_type3A_106, %cond3A_107 : i32
      scf.if %cond3A_108 {
        %add3A_109 = arith.constant 2 : i32
        %add3A_110 = arith.addi %add3A_91, %add3A_109 : i32
        %dma_start3A_111 = arith.constant 1 : i32
        %dma_start3A_112 = arith.constant 0 : i32
        %dma_start3A_113 = arith.constant 0 : i32
        %dma_start3A_114 = tpu.memref_slice %arg9[%dma_start3A_111, %dma_start3A_112, %dma_start3A_113] : memref<2x128x128xf32, #tpu.memory_space<vmem>> -> memref<1x128x128xf32, #tpu.memory_space<vmem>>
        %dma_start3A_115 = tpu.memref_squeeze %dma_start3A_114 : memref<1x128x128xf32, #tpu.memory_space<vmem>> -> memref<128x128xf32, #tpu.memory_space<vmem>>
        %dma_start3A_116 = arith.constant 0 : i32
        %dma_start3A_117 = tpu.memref_slice %arg7[%add3A_110, %dma_start3A_116] : memref<40x128xi32, #tpu.memory_space<vmem>> -> memref<1x128xi32, #tpu.memory_space<vmem>>
        %dma_start3A_118 = tpu.memref_squeeze %dma_start3A_117 : memref<1x128xi32, #tpu.memory_space<vmem>> -> memref<128xi32, #tpu.memory_space<vmem>>
        %dma_start3A_119 = arith.constant 0 : i32
        %dma_start3A_120 = arith.constant 0 : i32
        %dma_start3A_121 = tpu.memref_slice %arg2[%dma_start3A_119, %dma_start3A_120] : memref<20000x128xf32, #tpu.memory_space<hbm>> -> memref<20000x128xf32, #tpu.memory_space<hbm>>
        tpu.enqueue_indirect_dma source(%dma_start3A_121 : memref<20000x128xf32, #tpu.memory_space<hbm>>) target(%dma_start3A_115 : memref<128x128xf32, #tpu.memory_space<vmem>>) offsets(%dma_start3A_118 : memref<128xi32, #tpu.memory_space<vmem>>) semaphore(%arg12 : memref<!tpu.dma_semaphore, #tpu.memory_space<semaphore_mem>>)
      } else {
      }
    }
    %scan3A_33 = arith.constant 20 : i32
    %add3A_34 = arith.constant 40 : i32
    %add3A_35 = arith.addi %mul3A_4, %add3A_34 : i32
    "tpu.region"() ({
      %run_scoped3A = tpu.sem_alloc : memref<!tpu.dma_semaphore, #tpu.memory_space<semaphore_mem>>
      %dma_start3A_71 = arith.constant 0 : i32
      %dma_start3A_72 = tpu.memref_slice %arg3[%arg0, %add3A_35, %dma_start3A_71] : memref<2x1280x128xi32, #tpu.memory_space<hbm>> -> memref<1x40x128xi32, #tpu.memory_space<hbm>>
      %dma_start3A_73 = tpu.memref_squeeze %dma_start3A_72 : memref<1x40x128xi32, #tpu.memory_space<hbm>> -> memref<40x128xi32, #tpu.memory_space<hbm>>
      %dma_start3A_74 = arith.constant 0 : i32
      %dma_start3A_75 = tpu.memref_slice %arg3[%arg0, %add3A_35, %dma_start3A_74] : memref<2x1280x128xi32, #tpu.memory_space<hbm>> -> memref<1x40x128xi32, #tpu.memory_space<hbm>>
      %dma_start3A_76 = tpu.memref_squeeze %dma_start3A_75 : memref<1x40x128xi32, #tpu.memory_space<hbm>> -> memref<40x128xi32, #tpu.memory_space<hbm>>
      tpu.enqueue_dma source(%dma_start3A_76 : memref<40x128xi32, #tpu.memory_space<hbm>>) target(%arg7 : memref<40x128xi32, #tpu.memory_space<vmem>>) target_semaphore(%run_scoped3A : memref<!tpu.dma_semaphore, #tpu.memory_space<semaphore_mem>>)
      %dma_wait3A = arith.constant 0 : i32
      %dma_wait3A_77 = tpu.memref_slice %arg3[%arg0, %add3A_35, %dma_wait3A] : memref<2x1280x128xi32, #tpu.memory_space<hbm>> -> memref<1x40x128xi32, #tpu.memory_space<hbm>>
      %dma_wait3A_78 = tpu.memref_squeeze %dma_wait3A_77 : memref<1x40x128xi32, #tpu.memory_space<hbm>> -> memref<40x128xi32, #tpu.memory_space<hbm>>
      %dma_wait3A_79 = arith.constant 0 : i32
      %dma_wait3A_80 = tpu.memref_slice %arg3[%arg0, %add3A_35, %dma_wait3A_79] : memref<2x1280x128xi32, #tpu.memory_space<hbm>> -> memref<1x40x128xi32, #tpu.memory_space<hbm>>
      %dma_wait3A_81 = tpu.memref_squeeze %dma_wait3A_80 : memref<1x40x128xi32, #tpu.memory_space<hbm>> -> memref<40x128xi32, #tpu.memory_space<hbm>>
      tpu.wait_dma2 semaphore(%run_scoped3A : memref<!tpu.dma_semaphore, #tpu.memory_space<semaphore_mem>>) src(%dma_wait3A_81 : memref<40x128xi32, #tpu.memory_space<hbm>>) dst(%arg7 : memref<40x128xi32, #tpu.memory_space<vmem>>)
      tpu.yield
    }) : () -> ()
    "tpu.region"() ({
      %run_scoped3A = tpu.sem_alloc : memref<!tpu.dma_semaphore, #tpu.memory_space<semaphore_mem>>
      %dma_start3A_71 = arith.constant 0 : i32
      %dma_start3A_72 = tpu.memref_slice %arg4[%add3A_35, %dma_start3A_71] : memref<1280x128xi32, #tpu.memory_space<hbm>> -> memref<40x128xi32, #tpu.memory_space<hbm>>
      %dma_start3A_73 = arith.constant 0 : i32
      %dma_start3A_74 = tpu.memref_slice %arg4[%add3A_35, %dma_start3A_73] : memref<1280x128xi32, #tpu.memory_space<hbm>> -> memref<40x128xi32, #tpu.memory_space<hbm>>
      tpu.enqueue_dma source(%dma_start3A_74 : memref<40x128xi32, #tpu.memory_space<hbm>>) target(%arg8 : memref<40x128xi32, #tpu.memory_space<vmem>>) target_semaphore(%run_scoped3A : memref<!tpu.dma_semaphore, #tpu.memory_space<semaphore_mem>>)
      %dma_wait3A = arith.constant 0 : i32
      %dma_wait3A_75 = tpu.memref_slice %arg4[%add3A_35, %dma_wait3A] : memref<1280x128xi32, #tpu.memory_space<hbm>> -> memref<40x128xi32, #tpu.memory_space<hbm>>
      %dma_wait3A_76 = arith.constant 0 : i32
      %dma_wait3A_77 = tpu.memref_slice %arg4[%add3A_35, %dma_wait3A_76] : memref<1280x128xi32, #tpu.memory_space<hbm>> -> memref<40x128xi32, #tpu.memory_space<hbm>>
      tpu.wait_dma2 semaphore(%run_scoped3A : memref<!tpu.dma_semaphore, #tpu.memory_space<semaphore_mem>>) src(%dma_wait3A_77 : memref<40x128xi32, #tpu.memory_space<hbm>>) dst(%arg8 : memref<40x128xi32, #tpu.memory_space<vmem>>)
      tpu.yield
    }) : () -> ()
    %dma_start3A_36 = arith.constant 0 : i32
    %dma_start3A_37 = arith.constant 0 : i32
    %dma_start3A_38 = arith.constant 0 : i32
    %dma_start3A_39 = arith.constant 0 : i32
    %dma_start3A_40 = tpu.memref_slice %arg9[%dma_start3A_37, %dma_start3A_38, %dma_start3A_39] : memref<2x128x128xf32, #tpu.memory_space<vmem>> -> memref<1x128x128xf32, #tpu.memory_space<vmem>>
    %dma_start3A_41 = tpu.memref_squeeze %dma_start3A_40 : memref<1x128x128xf32, #tpu.memory_space<vmem>> -> memref<128x128xf32, #tpu.memory_space<vmem>>
    %dma_start3A_42 = arith.constant 0 : i32
    %dma_start3A_43 = tpu.memref_slice %arg7[%dma_start3A_36, %dma_start3A_42] : memref<40x128xi32, #tpu.memory_space<vmem>> -> memref<1x128xi32, #tpu.memory_space<vmem>>
    %dma_start3A_44 = tpu.memref_squeeze %dma_start3A_43 : memref<1x128xi32, #tpu.memory_space<vmem>> -> memref<128xi32, #tpu.memory_space<vmem>>
    %dma_start3A_45 = arith.constant 0 : i32
    %dma_start3A_46 = arith.constant 0 : i32
    %dma_start3A_47 = tpu.memref_slice %arg2[%dma_start3A_45, %dma_start3A_46] : memref<20000x128xf32, #tpu.memory_space<hbm>> -> memref<20000x128xf32, #tpu.memory_space<hbm>>
    tpu.enqueue_indirect_dma source(%dma_start3A_47 : memref<20000x128xf32, #tpu.memory_space<hbm>>) target(%dma_start3A_41 : memref<128x128xf32, #tpu.memory_space<vmem>>) offsets(%dma_start3A_44 : memref<128xi32, #tpu.memory_space<vmem>>) semaphore(%arg11 : memref<!tpu.dma_semaphore, #tpu.memory_space<semaphore_mem>>)
    %dma_start3A_48 = arith.constant 1 : i32
    %dma_start3A_49 = arith.constant 1 : i32
    %dma_start3A_50 = arith.constant 0 : i32
    %dma_start3A_51 = arith.constant 0 : i32
    %dma_start3A_52 = tpu.memref_slice %arg9[%dma_start3A_49, %dma_start3A_50, %dma_start3A_51] : memref<2x128x128xf32, #tpu.memory_space<vmem>> -> memref<1x128x128xf32, #tpu.memory_space<vmem>>
    %dma_start3A_53 = tpu.memref_squeeze %dma_start3A_52 : memref<1x128x128xf32, #tpu.memory_space<vmem>> -> memref<128x128xf32, #tpu.memory_space<vmem>>
    %dma_start3A_54 = arith.constant 0 : i32
    %dma_start3A_55 = tpu.memref_slice %arg7[%dma_start3A_48, %dma_start3A_54] : memref<40x128xi32, #tpu.memory_space<vmem>> -> memref<1x128xi32, #tpu.memory_space<vmem>>
    %dma_start3A_56 = tpu.memref_squeeze %dma_start3A_55 : memref<1x128xi32, #tpu.memory_space<vmem>> -> memref<128xi32, #tpu.memory_space<vmem>>
    %dma_start3A_57 = arith.constant 0 : i32
    %dma_start3A_58 = arith.constant 0 : i32
    %dma_start3A_59 = tpu.memref_slice %arg2[%dma_start3A_57, %dma_start3A_58] : memref<20000x128xf32, #tpu.memory_space<hbm>> -> memref<20000x128xf32, #tpu.memory_space<hbm>>
    tpu.enqueue_indirect_dma source(%dma_start3A_59 : memref<20000x128xf32, #tpu.memory_space<hbm>>) target(%dma_start3A_53 : memref<128x128xf32, #tpu.memory_space<vmem>>) offsets(%dma_start3A_56 : memref<128xi32, #tpu.memory_space<vmem>>) semaphore(%arg12 : memref<!tpu.dma_semaphore, #tpu.memory_space<semaphore_mem>>)
    %scan3A_60 = arith.constant 0 : i32
    %scan3A_61 = arith.constant 0 : i32
    %scan3A_62 = arith.constant 20 : i32
    %scan3A_63 = arith.addi %scan3A_61, %scan3A_62 : i32
    %scan3A_64 = arith.constant 1 : i32
    scf.for %scan3A_71 = %scan3A_61 to %scan3A_63 step %scan3A_64  : i32 {
      %mul3A_72 = arith.constant 2 : i32
      %mul3A_73 = arith.muli %scan3A_71, %mul3A_72 : i32
      %add3A_74 = arith.constant 0 : i32
      %add3A_75 = arith.addi %mul3A_73, %add3A_74 : i32
      %dma_wait3A = arith.constant 0 : i32
      %dma_wait3A_76 = arith.constant 0 : i32
      %dma_wait3A_77 = arith.constant 0 : i32
      %dma_wait3A_78 = tpu.memref_slice %arg9[%dma_wait3A, %dma_wait3A_76, %dma_wait3A_77] : memref<2x128x128xf32, #tpu.memory_space<vmem>> -> memref<1x128x128xf32, #tpu.memory_space<vmem>>
      %dma_wait3A_79 = tpu.memref_squeeze %dma_wait3A_78 : memref<1x128x128xf32, #tpu.memory_space<vmem>> -> memref<128x128xf32, #tpu.memory_space<vmem>>
      %dma_wait3A_80 = arith.constant 0 : i32
      %dma_wait3A_81 = tpu.memref_slice %arg7[%add3A_75, %dma_wait3A_80] : memref<40x128xi32, #tpu.memory_space<vmem>> -> memref<1x128xi32, #tpu.memory_space<vmem>>
      %dma_wait3A_82 = tpu.memref_squeeze %dma_wait3A_81 : memref<1x128xi32, #tpu.memory_space<vmem>> -> memref<128xi32, #tpu.memory_space<vmem>>
      %dma_wait3A_83 = arith.constant 0 : i32
      %dma_wait3A_84 = arith.constant 0 : i32
      %dma_wait3A_85 = tpu.memref_slice %arg2[%dma_wait3A_83, %dma_wait3A_84] : memref<20000x128xf32, #tpu.memory_space<hbm>> -> memref<20000x128xf32, #tpu.memory_space<hbm>>
      tpu.wait_indirect_dma semaphore(%arg11 : memref<!tpu.dma_semaphore, #tpu.memory_space<semaphore_mem>>) src(%dma_wait3A_85 : memref<20000x128xf32, #tpu.memory_space<hbm>>) dst(%dma_wait3A_79 : memref<128x128xf32, #tpu.memory_space<vmem>>)
      %run_scoped3A = arith.constant 0 : i32
      "tpu.region"() ({
        %run_scoped3A_109 = tpu.sem_alloc : memref<!tpu.dma_semaphore, #tpu.memory_space<semaphore_mem>>
        %dma_start3A_110 = arith.constant 0 : i32
        %dma_start3A_111 = arith.constant 0 : i32
        %dma_start3A_112 = tpu.memref_slice %arg9[%run_scoped3A, %dma_start3A_110, %dma_start3A_111] : memref<2x128x128xf32, #tpu.memory_space<vmem>> -> memref<1x128x128xf32, #tpu.memory_space<vmem>>
        %dma_start3A_113 = tpu.memref_squeeze %dma_start3A_112 : memref<1x128x128xf32, #tpu.memory_space<vmem>> -> memref<128x128xf32, #tpu.memory_space<vmem>>
        %dma_start3A_114 = arith.constant 0 : i32
        %dma_start3A_115 = tpu.memref_slice %arg8[%add3A_75, %dma_start3A_114] : memref<40x128xi32, #tpu.memory_space<vmem>> -> memref<1x128xi32, #tpu.memory_space<vmem>>
        %dma_start3A_116 = tpu.memref_squeeze %dma_start3A_115 : memref<1x128xi32, #tpu.memory_space<vmem>> -> memref<128xi32, #tpu.memory_space<vmem>>
        %dma_start3A_117 = arith.constant 0 : i32
        %dma_start3A_118 = arith.constant 0 : i32
        %dma_start3A_119 = tpu.memref_slice %arg10[%dma_start3A_117, %dma_start3A_118] : memref<10112x128xf32, #tpu.memory_space<vmem_shared>> -> memref<10112x128xf32, #tpu.memory_space<vmem_shared>>
        tpu.enqueue_indirect_dma source(%dma_start3A_113 : memref<128x128xf32, #tpu.memory_space<vmem>>) target(%dma_start3A_119 : memref<10112x128xf32, #tpu.memory_space<vmem_shared>>) offsets(%dma_start3A_116 : memref<128xi32, #tpu.memory_space<vmem>>) semaphore(%run_scoped3A_109 : memref<!tpu.dma_semaphore, #tpu.memory_space<semaphore_mem>>) {add = true}
        %dma_wait3A_120 = arith.constant 0 : i32
        %dma_wait3A_121 = arith.constant 0 : i32
        %dma_wait3A_122 = tpu.memref_slice %arg9[%run_scoped3A, %dma_wait3A_120, %dma_wait3A_121] : memref<2x128x128xf32, #tpu.memory_space<vmem>> -> memref<1x128x128xf32, #tpu.memory_space<vmem>>
        %dma_wait3A_123 = tpu.memref_squeeze %dma_wait3A_122 : memref<1x128x128xf32, #tpu.memory_space<vmem>> -> memref<128x128xf32, #tpu.memory_space<vmem>>
        %dma_wait3A_124 = arith.constant 0 : i32
        %dma_wait3A_125 = tpu.memref_slice %arg8[%add3A_75, %dma_wait3A_124] : memref<40x128xi32, #tpu.memory_space<vmem>> -> memref<1x128xi32, #tpu.memory_space<vmem>>
        %dma_wait3A_126 = tpu.memref_squeeze %dma_wait3A_125 : memref<1x128xi32, #tpu.memory_space<vmem>> -> memref<128xi32, #tpu.memory_space<vmem>>
        %dma_wait3A_127 = arith.constant 0 : i32
        %dma_wait3A_128 = arith.constant 0 : i32
        %dma_wait3A_129 = tpu.memref_slice %arg10[%dma_wait3A_127, %dma_wait3A_128] : memref<10112x128xf32, #tpu.memory_space<vmem_shared>> -> memref<10112x128xf32, #tpu.memory_space<vmem_shared>>
        tpu.wait_indirect_dma semaphore(%run_scoped3A_109 : memref<!tpu.dma_semaphore, #tpu.memory_space<semaphore_mem>>) src(%dma_wait3A_123 : memref<128x128xf32, #tpu.memory_space<vmem>>) dst(%dma_wait3A_129 : memref<10112x128xf32, #tpu.memory_space<vmem_shared>>)
        tpu.yield
      }) : () -> ()
      %lt3A = arith.constant 19 : i32
      %lt3A_86 = arith.cmpi slt, %scan3A_71, %lt3A : i32
      %convert_element_type3A = arith.extui %lt3A_86 : i1 to i32
      %cond3A = arith.constant 0 : i32
      %cond3A_87 = arith.cmpi ne, %convert_element_type3A, %cond3A : i32
      scf.if %cond3A_87 {
        %add3A_109 = arith.constant 2 : i32
        %add3A_110 = arith.addi %add3A_75, %add3A_109 : i32
        %dma_start3A_111 = arith.constant 0 : i32
        %dma_start3A_112 = arith.constant 0 : i32
        %dma_start3A_113 = arith.constant 0 : i32
        %dma_start3A_114 = tpu.memref_slice %arg9[%dma_start3A_111, %dma_start3A_112, %dma_start3A_113] : memref<2x128x128xf32, #tpu.memory_space<vmem>> -> memref<1x128x128xf32, #tpu.memory_space<vmem>>
        %dma_start3A_115 = tpu.memref_squeeze %dma_start3A_114 : memref<1x128x128xf32, #tpu.memory_space<vmem>> -> memref<128x128xf32, #tpu.memory_space<vmem>>
        %dma_start3A_116 = arith.constant 0 : i32
        %dma_start3A_117 = tpu.memref_slice %arg7[%add3A_110, %dma_start3A_116] : memref<40x128xi32, #tpu.memory_space<vmem>> -> memref<1x128xi32, #tpu.memory_space<vmem>>
        %dma_start3A_118 = tpu.memref_squeeze %dma_start3A_117 : memref<1x128xi32, #tpu.memory_space<vmem>> -> memref<128xi32, #tpu.memory_space<vmem>>
        %dma_start3A_119 = arith.constant 0 : i32
        %dma_start3A_120 = arith.constant 0 : i32
        %dma_start3A_121 = tpu.memref_slice %arg2[%dma_start3A_119, %dma_start3A_120] : memref<20000x128xf32, #tpu.memory_space<hbm>> -> memref<20000x128xf32, #tpu.memory_space<hbm>>
        tpu.enqueue_indirect_dma source(%dma_start3A_121 : memref<20000x128xf32, #tpu.memory_space<hbm>>) target(%dma_start3A_115 : memref<128x128xf32, #tpu.memory_space<vmem>>) offsets(%dma_start3A_118 : memref<128xi32, #tpu.memory_space<vmem>>) semaphore(%arg11 : memref<!tpu.dma_semaphore, #tpu.memory_space<semaphore_mem>>)
      } else {
      }
      %mul3A_88 = arith.constant 2 : i32
      %mul3A_89 = arith.muli %scan3A_71, %mul3A_88 : i32
      %add3A_90 = arith.constant 1 : i32
      %add3A_91 = arith.addi %mul3A_89, %add3A_90 : i32
      %dma_wait3A_92 = arith.constant 1 : i32
      %dma_wait3A_93 = arith.constant 0 : i32
      %dma_wait3A_94 = arith.constant 0 : i32
      %dma_wait3A_95 = tpu.memref_slice %arg9[%dma_wait3A_92, %dma_wait3A_93, %dma_wait3A_94] : memref<2x128x128xf32, #tpu.memory_space<vmem>> -> memref<1x128x128xf32, #tpu.memory_space<vmem>>
      %dma_wait3A_96 = tpu.memref_squeeze %dma_wait3A_95 : memref<1x128x128xf32, #tpu.memory_space<vmem>> -> memref<128x128xf32, #tpu.memory_space<vmem>>
      %dma_wait3A_97 = arith.constant 0 : i32
      %dma_wait3A_98 = tpu.memref_slice %arg7[%add3A_91, %dma_wait3A_97] : memref<40x128xi32, #tpu.memory_space<vmem>> -> memref<1x128xi32, #tpu.memory_space<vmem>>
      %dma_wait3A_99 = tpu.memref_squeeze %dma_wait3A_98 : memref<1x128xi32, #tpu.memory_space<vmem>> -> memref<128xi32, #tpu.memory_space<vmem>>
      %dma_wait3A_100 = arith.constant 0 : i32
      %dma_wait3A_101 = arith.constant 0 : i32
      %dma_wait3A_102 = tpu.memref_slice %arg2[%dma_wait3A_100, %dma_wait3A_101] : memref<20000x128xf32, #tpu.memory_space<hbm>> -> memref<20000x128xf32, #tpu.memory_space<hbm>>
      tpu.wait_indirect_dma semaphore(%arg12 : memref<!tpu.dma_semaphore, #tpu.memory_space<semaphore_mem>>) src(%dma_wait3A_102 : memref<20000x128xf32, #tpu.memory_space<hbm>>) dst(%dma_wait3A_96 : memref<128x128xf32, #tpu.memory_space<vmem>>)
      %run_scoped3A_103 = arith.constant 1 : i32
      "tpu.region"() ({
        %run_scoped3A_109 = tpu.sem_alloc : memref<!tpu.dma_semaphore, #tpu.memory_space<semaphore_mem>>
        %dma_start3A_110 = arith.constant 0 : i32
        %dma_start3A_111 = arith.constant 0 : i32
        %dma_start3A_112 = tpu.memref_slice %arg9[%run_scoped3A_103, %dma_start3A_110, %dma_start3A_111] : memref<2x128x128xf32, #tpu.memory_space<vmem>> -> memref<1x128x128xf32, #tpu.memory_space<vmem>>
        %dma_start3A_113 = tpu.memref_squeeze %dma_start3A_112 : memref<1x128x128xf32, #tpu.memory_space<vmem>> -> memref<128x128xf32, #tpu.memory_space<vmem>>
        %dma_start3A_114 = arith.constant 0 : i32
        %dma_start3A_115 = tpu.memref_slice %arg8[%add3A_91, %dma_start3A_114] : memref<40x128xi32, #tpu.memory_space<vmem>> -> memref<1x128xi32, #tpu.memory_space<vmem>>
        %dma_start3A_116 = tpu.memref_squeeze %dma_start3A_115 : memref<1x128xi32, #tpu.memory_space<vmem>> -> memref<128xi32, #tpu.memory_space<vmem>>
        %dma_start3A_117 = arith.constant 0 : i32
        %dma_start3A_118 = arith.constant 0 : i32
        %dma_start3A_119 = tpu.memref_slice %arg10[%dma_start3A_117, %dma_start3A_118] : memref<10112x128xf32, #tpu.memory_space<vmem_shared>> -> memref<10112x128xf32, #tpu.memory_space<vmem_shared>>
        tpu.enqueue_indirect_dma source(%dma_start3A_113 : memref<128x128xf32, #tpu.memory_space<vmem>>) target(%dma_start3A_119 : memref<10112x128xf32, #tpu.memory_space<vmem_shared>>) offsets(%dma_start3A_116 : memref<128xi32, #tpu.memory_space<vmem>>) semaphore(%run_scoped3A_109 : memref<!tpu.dma_semaphore, #tpu.memory_space<semaphore_mem>>) {add = true}
        %dma_wait3A_120 = arith.constant 0 : i32
        %dma_wait3A_121 = arith.constant 0 : i32
        %dma_wait3A_122 = tpu.memref_slice %arg9[%run_scoped3A_103, %dma_wait3A_120, %dma_wait3A_121] : memref<2x128x128xf32, #tpu.memory_space<vmem>> -> memref<1x128x128xf32, #tpu.memory_space<vmem>>
        %dma_wait3A_123 = tpu.memref_squeeze %dma_wait3A_122 : memref<1x128x128xf32, #tpu.memory_space<vmem>> -> memref<128x128xf32, #tpu.memory_space<vmem>>
        %dma_wait3A_124 = arith.constant 0 : i32
        %dma_wait3A_125 = tpu.memref_slice %arg8[%add3A_91, %dma_wait3A_124] : memref<40x128xi32, #tpu.memory_space<vmem>> -> memref<1x128xi32, #tpu.memory_space<vmem>>
        %dma_wait3A_126 = tpu.memref_squeeze %dma_wait3A_125 : memref<1x128xi32, #tpu.memory_space<vmem>> -> memref<128xi32, #tpu.memory_space<vmem>>
        %dma_wait3A_127 = arith.constant 0 : i32
        %dma_wait3A_128 = arith.constant 0 : i32
        %dma_wait3A_129 = tpu.memref_slice %arg10[%dma_wait3A_127, %dma_wait3A_128] : memref<10112x128xf32, #tpu.memory_space<vmem_shared>> -> memref<10112x128xf32, #tpu.memory_space<vmem_shared>>
        tpu.wait_indirect_dma semaphore(%run_scoped3A_109 : memref<!tpu.dma_semaphore, #tpu.memory_space<semaphore_mem>>) src(%dma_wait3A_123 : memref<128x128xf32, #tpu.memory_space<vmem>>) dst(%dma_wait3A_129 : memref<10112x128xf32, #tpu.memory_space<vmem_shared>>)
        tpu.yield
      }) : () -> ()
      %lt3A_104 = arith.constant 19 : i32
      %lt3A_105 = arith.cmpi slt, %scan3A_71, %lt3A_104 : i32
      %convert_element_type3A_106 = arith.extui %lt3A_105 : i1 to i32
      %cond3A_107 = arith.constant 0 : i32
      %cond3A_108 = arith.cmpi ne, %convert_element_type3A_106, %cond3A_107 : i32
      scf.if %cond3A_108 {
        %add3A_109 = arith.constant 2 : i32
        %add3A_110 = arith.addi %add3A_91, %add3A_109 : i32
        %dma_start3A_111 = arith.constant 1 : i32
        %dma_start3A_112 = arith.constant 0 : i32
        %dma_start3A_113 = arith.constant 0 : i32
        %dma_start3A_114 = tpu.memref_slice %arg9[%dma_start3A_111, %dma_start3A_112, %dma_start3A_113] : memref<2x128x128xf32, #tpu.memory_space<vmem>> -> memref<1x128x128xf32, #tpu.memory_space<vmem>>
        %dma_start3A_115 = tpu.memref_squeeze %dma_start3A_114 : memref<1x128x128xf32, #tpu.memory_space<vmem>> -> memref<128x128xf32, #tpu.memory_space<vmem>>
        %dma_start3A_116 = arith.constant 0 : i32
        %dma_start3A_117 = tpu.memref_slice %arg7[%add3A_110, %dma_start3A_116] : memref<40x128xi32, #tpu.memory_space<vmem>> -> memref<1x128xi32, #tpu.memory_space<vmem>>
        %dma_start3A_118 = tpu.memref_squeeze %dma_start3A_117 : memref<1x128xi32, #tpu.memory_space<vmem>> -> memref<128xi32, #tpu.memory_space<vmem>>
        %dma_start3A_119 = arith.constant 0 : i32
        %dma_start3A_120 = arith.constant 0 : i32
        %dma_start3A_121 = tpu.memref_slice %arg2[%dma_start3A_119, %dma_start3A_120] : memref<20000x128xf32, #tpu.memory_space<hbm>> -> memref<20000x128xf32, #tpu.memory_space<hbm>>
        tpu.enqueue_indirect_dma source(%dma_start3A_121 : memref<20000x128xf32, #tpu.memory_space<hbm>>) target(%dma_start3A_115 : memref<128x128xf32, #tpu.memory_space<vmem>>) offsets(%dma_start3A_118 : memref<128xi32, #tpu.memory_space<vmem>>) semaphore(%arg12 : memref<!tpu.dma_semaphore, #tpu.memory_space<semaphore_mem>>)
      } else {
      }
    }
    %scan3A_65 = arith.constant 20 : i32
    %barrier3A_66 = arith.constant 0 : index
    tpu.barrier barrier_id(%barrier3A_66)
    %mul3A_67 = arith.constant 632 : i32
    %mul3A_68 = arith.muli %arg1, %mul3A_67 : i32
    %mul3A_69 = arith.constant 632 : i32
    %mul3A_70 = arith.muli %arg1, %mul3A_69 : i32
    "tpu.region"() ({
      %run_scoped3A = tpu.sem_alloc : memref<!tpu.dma_semaphore, #tpu.memory_space<semaphore_mem>>
      %dma_start3A_71 = arith.constant 0 : i32
      %dma_start3A_72 = tpu.memref_slice %arg6[%arg0, %mul3A_70, %dma_start3A_71] : memref<2x10112x128xf32, #tpu.memory_space<hbm>> -> memref<1x632x128xf32, #tpu.memory_space<hbm>>
      %dma_start3A_73 = tpu.memref_squeeze %dma_start3A_72 : memref<1x632x128xf32, #tpu.memory_space<hbm>> -> memref<632x128xf32, #tpu.memory_space<hbm>>
      %dma_start3A_74 = arith.constant 0 : i32
      %dma_start3A_75 = tpu.memref_slice %arg10[%mul3A_68, %dma_start3A_74] : memref<10112x128xf32, #tpu.memory_space<vmem_shared>> -> memref<632x128xf32, #tpu.memory_space<vmem_shared>>
      tpu.enqueue_dma source(%dma_start3A_75 : memref<632x128xf32, #tpu.memory_space<vmem_shared>>) target(%dma_start3A_73 : memref<632x128xf32, #tpu.memory_space<hbm>>) target_semaphore(%run_scoped3A : memref<!tpu.dma_semaphore, #tpu.memory_space<semaphore_mem>>)
      %dma_wait3A = arith.constant 0 : i32
      %dma_wait3A_76 = tpu.memref_slice %arg6[%arg0, %mul3A_70, %dma_wait3A] : memref<2x10112x128xf32, #tpu.memory_space<hbm>> -> memref<1x632x128xf32, #tpu.memory_space<hbm>>
      %dma_wait3A_77 = tpu.memref_squeeze %dma_wait3A_76 : memref<1x632x128xf32, #tpu.memory_space<hbm>> -> memref<632x128xf32, #tpu.memory_space<hbm>>
      %dma_wait3A_78 = arith.constant 0 : i32
      %dma_wait3A_79 = tpu.memref_slice %arg10[%mul3A_68, %dma_wait3A_78] : memref<10112x128xf32, #tpu.memory_space<vmem_shared>> -> memref<632x128xf32, #tpu.memory_space<vmem_shared>>
      tpu.wait_dma2 semaphore(%run_scoped3A : memref<!tpu.dma_semaphore, #tpu.memory_space<semaphore_mem>>) src(%dma_wait3A_79 : memref<632x128xf32, #tpu.memory_space<vmem_shared>>) dst(%dma_wait3A_77 : memref<632x128xf32, #tpu.memory_space<hbm>>)
      tpu.yield
    }) : () -> ()
    return
  }
}

#map = affine_map<(d0, d1) -> (0, 0)>
#map1 = affine_map<(d0, d1) -> (0, 0, 0)>
module attributes {stable_mosaic.version = 14 : i64} {
  func.func @_sc_agg_body(%arg0: i32, %arg1: i32, %arg2: memref<20000x128xf32, #tpu.memory_space<hbm>>, %arg3: memref<2x1280x128xi32, #tpu.memory_space<hbm>>, %arg4: memref<1280x128xi32, #tpu.memory_space<hbm>>, %arg5: memref<10112x128xf32, #tpu.memory_space<hbm>>, %arg6: memref<2x10112x128xf32, #tpu.memory_space<hbm>>, %arg7: memref<40x128xi32, #tpu.memory_space<vmem>>, %arg8: memref<40x128xi32, #tpu.memory_space<vmem>>, %arg9: memref<2x128x128xf32, #tpu.memory_space<vmem>>, %arg10: memref<10112x128xf32, #tpu.memory_space<vmem_shared>>, %arg11: memref<!tpu.dma_semaphore, #tpu.memory_space<semaphore_mem>>, %arg12: memref<!tpu.dma_semaphore, #tpu.memory_space<semaphore_mem>>) attributes {dimension_semantics = [#tpu.dimension_semantics<core_parallel>, #tpu.dimension_semantics<subcore_parallel>], iteration_bounds = array<i64: 2, 16>, scalar_prefetch = 0 : i64, scratch_operands = 6 : i64, tpu.core_type = #tpu.core_type<sc_vector_subcore>, window_params = [{transform_indices = #map}, {transform_indices = #map1}, {transform_indices = #map}, {transform_indices = #map}, {transform_indices = #map1}]} {
    %mul3A = arith.constant 632 : i32
    %mul3A_0 = arith.muli %arg1, %mul3A : i32
    %mul3A_1 = arith.constant 632 : i32
    %mul3A_2 = arith.muli %arg1, %mul3A_1 : i32
    "tpu.region"() ({
      %run_scoped3A = tpu.sem_alloc : memref<!tpu.dma_semaphore, #tpu.memory_space<semaphore_mem>>
      %dma_start3A_71 = arith.constant 0 : i32
      %dma_start3A_72 = tpu.memref_slice %arg10[%mul3A_2, %dma_start3A_71] : memref<10112x128xf32, #tpu.memory_space<vmem_shared>> -> memref<632x128xf32, #tpu.memory_space<vmem_shared>>
      %dma_start3A_73 = arith.constant 0 : i32
      %dma_start3A_74 = tpu.memref_slice %arg5[%mul3A_0, %dma_start3A_73] : memref<10112x128xf32, #tpu.memory_space<hbm>> -> memref<632x128xf32, #tpu.memory_space<hbm>>
      tpu.enqueue_dma source(%dma_start3A_74 : memref<632x128xf32, #tpu.memory_space<hbm>>) target(%dma_start3A_72 : memref<632x128xf32, #tpu.memory_space<vmem_shared>>) target_semaphore(%run_scoped3A : memref<!tpu.dma_semaphore, #tpu.memory_space<semaphore_mem>>)
      %dma_wait3A = arith.constant 0 : i32
      %dma_wait3A_75 = tpu.memref_slice %arg10[%mul3A_2, %dma_wait3A] : memref<10112x128xf32, #tpu.memory_space<vmem_shared>> -> memref<632x128xf32, #tpu.memory_space<vmem_shared>>
      %dma_wait3A_76 = arith.constant 0 : i32
      %dma_wait3A_77 = tpu.memref_slice %arg5[%mul3A_0, %dma_wait3A_76] : memref<10112x128xf32, #tpu.memory_space<hbm>> -> memref<632x128xf32, #tpu.memory_space<hbm>>
      tpu.wait_dma2 semaphore(%run_scoped3A : memref<!tpu.dma_semaphore, #tpu.memory_space<semaphore_mem>>) src(%dma_wait3A_77 : memref<632x128xf32, #tpu.memory_space<hbm>>) dst(%dma_wait3A_75 : memref<632x128xf32, #tpu.memory_space<vmem_shared>>)
      tpu.yield
    }) : () -> ()
    %mul3A_3 = arith.constant 80 : i32
    %mul3A_4 = arith.muli %arg1, %mul3A_3 : i32
    %barrier3A = arith.constant 0 : index
    tpu.barrier barrier_id(%barrier3A)
    %add3A = arith.constant 0 : i32
    %add3A_5 = arith.addi %mul3A_4, %add3A : i32
    "tpu.region"() ({
      %run_scoped3A = tpu.sem_alloc : memref<!tpu.dma_semaphore, #tpu.memory_space<semaphore_mem>>
      %dma_start3A_71 = arith.constant 0 : i32
      %dma_start3A_72 = tpu.memref_slice %arg3[%arg0, %add3A_5, %dma_start3A_71] : memref<2x1280x128xi32, #tpu.memory_space<hbm>> -> memref<1x40x128xi32, #tpu.memory_space<hbm>>
      %dma_start3A_73 = tpu.memref_squeeze %dma_start3A_72 : memref<1x40x128xi32, #tpu.memory_space<hbm>> -> memref<40x128xi32, #tpu.memory_space<hbm>>
      %dma_start3A_74 = arith.constant 0 : i32
      %dma_start3A_75 = tpu.memref_slice %arg3[%arg0, %add3A_5, %dma_start3A_74] : memref<2x1280x128xi32, #tpu.memory_space<hbm>> -> memref<1x40x128xi32, #tpu.memory_space<hbm>>
      %dma_start3A_76 = tpu.memref_squeeze %dma_start3A_75 : memref<1x40x128xi32, #tpu.memory_space<hbm>> -> memref<40x128xi32, #tpu.memory_space<hbm>>
      tpu.enqueue_dma source(%dma_start3A_76 : memref<40x128xi32, #tpu.memory_space<hbm>>) target(%arg7 : memref<40x128xi32, #tpu.memory_space<vmem>>) target_semaphore(%run_scoped3A : memref<!tpu.dma_semaphore, #tpu.memory_space<semaphore_mem>>)
      %dma_wait3A = arith.constant 0 : i32
      %dma_wait3A_77 = tpu.memref_slice %arg3[%arg0, %add3A_5, %dma_wait3A] : memref<2x1280x128xi32, #tpu.memory_space<hbm>> -> memref<1x40x128xi32, #tpu.memory_space<hbm>>
      %dma_wait3A_78 = tpu.memref_squeeze %dma_wait3A_77 : memref<1x40x128xi32, #tpu.memory_space<hbm>> -> memref<40x128xi32, #tpu.memory_space<hbm>>
      %dma_wait3A_79 = arith.constant 0 : i32
      %dma_wait3A_80 = tpu.memref_slice %arg3[%arg0, %add3A_5, %dma_wait3A_79] : memref<2x1280x128xi32, #tpu.memory_space<hbm>> -> memref<1x40x128xi32, #tpu.memory_space<hbm>>
      %dma_wait3A_81 = tpu.memref_squeeze %dma_wait3A_80 : memref<1x40x128xi32, #tpu.memory_space<hbm>> -> memref<40x128xi32, #tpu.memory_space<hbm>>
      tpu.wait_dma2 semaphore(%run_scoped3A : memref<!tpu.dma_semaphore, #tpu.memory_space<semaphore_mem>>) src(%dma_wait3A_81 : memref<40x128xi32, #tpu.memory_space<hbm>>) dst(%arg7 : memref<40x128xi32, #tpu.memory_space<vmem>>)
      tpu.yield
    }) : () -> ()
    "tpu.region"() ({
      %run_scoped3A = tpu.sem_alloc : memref<!tpu.dma_semaphore, #tpu.memory_space<semaphore_mem>>
      %dma_start3A_71 = arith.constant 0 : i32
      %dma_start3A_72 = tpu.memref_slice %arg4[%add3A_5, %dma_start3A_71] : memref<1280x128xi32, #tpu.memory_space<hbm>> -> memref<40x128xi32, #tpu.memory_space<hbm>>
      %dma_start3A_73 = arith.constant 0 : i32
      %dma_start3A_74 = tpu.memref_slice %arg4[%add3A_5, %dma_start3A_73] : memref<1280x128xi32, #tpu.memory_space<hbm>> -> memref<40x128xi32, #tpu.memory_space<hbm>>
      tpu.enqueue_dma source(%dma_start3A_74 : memref<40x128xi32, #tpu.memory_space<hbm>>) target(%arg8 : memref<40x128xi32, #tpu.memory_space<vmem>>) target_semaphore(%run_scoped3A : memref<!tpu.dma_semaphore, #tpu.memory_space<semaphore_mem>>)
      %dma_wait3A = arith.constant 0 : i32
      %dma_wait3A_75 = tpu.memref_slice %arg4[%add3A_5, %dma_wait3A] : memref<1280x128xi32, #tpu.memory_space<hbm>> -> memref<40x128xi32, #tpu.memory_space<hbm>>
      %dma_wait3A_76 = arith.constant 0 : i32
      %dma_wait3A_77 = tpu.memref_slice %arg4[%add3A_5, %dma_wait3A_76] : memref<1280x128xi32, #tpu.memory_space<hbm>> -> memref<40x128xi32, #tpu.memory_space<hbm>>
      tpu.wait_dma2 semaphore(%run_scoped3A : memref<!tpu.dma_semaphore, #tpu.memory_space<semaphore_mem>>) src(%dma_wait3A_77 : memref<40x128xi32, #tpu.memory_space<hbm>>) dst(%arg8 : memref<40x128xi32, #tpu.memory_space<vmem>>)
      tpu.yield
    }) : () -> ()
    %dma_start3A = arith.constant 0 : i32
    %dma_start3A_6 = arith.constant 0 : i32
    %dma_start3A_7 = arith.constant 0 : i32
    %dma_start3A_8 = arith.constant 0 : i32
    %dma_start3A_9 = tpu.memref_slice %arg9[%dma_start3A_6, %dma_start3A_7, %dma_start3A_8] : memref<2x128x128xf32, #tpu.memory_space<vmem>> -> memref<1x128x128xf32, #tpu.memory_space<vmem>>
    %dma_start3A_10 = tpu.memref_squeeze %dma_start3A_9 : memref<1x128x128xf32, #tpu.memory_space<vmem>> -> memref<128x128xf32, #tpu.memory_space<vmem>>
    %dma_start3A_11 = arith.constant 0 : i32
    %dma_start3A_12 = tpu.memref_slice %arg7[%dma_start3A, %dma_start3A_11] : memref<40x128xi32, #tpu.memory_space<vmem>> -> memref<1x128xi32, #tpu.memory_space<vmem>>
    %dma_start3A_13 = tpu.memref_squeeze %dma_start3A_12 : memref<1x128xi32, #tpu.memory_space<vmem>> -> memref<128xi32, #tpu.memory_space<vmem>>
    %dma_start3A_14 = arith.constant 0 : i32
    %dma_start3A_15 = arith.constant 0 : i32
    %dma_start3A_16 = tpu.memref_slice %arg2[%dma_start3A_14, %dma_start3A_15] : memref<20000x128xf32, #tpu.memory_space<hbm>> -> memref<20000x128xf32, #tpu.memory_space<hbm>>
    tpu.enqueue_indirect_dma source(%dma_start3A_16 : memref<20000x128xf32, #tpu.memory_space<hbm>>) target(%dma_start3A_10 : memref<128x128xf32, #tpu.memory_space<vmem>>) offsets(%dma_start3A_13 : memref<128xi32, #tpu.memory_space<vmem>>) semaphore(%arg11 : memref<!tpu.dma_semaphore, #tpu.memory_space<semaphore_mem>>)
    %dma_start3A_17 = arith.constant 1 : i32
    %dma_start3A_18 = arith.constant 1 : i32
    %dma_start3A_19 = arith.constant 0 : i32
    %dma_start3A_20 = arith.constant 0 : i32
    %dma_start3A_21 = tpu.memref_slice %arg9[%dma_start3A_18, %dma_start3A_19, %dma_start3A_20] : memref<2x128x128xf32, #tpu.memory_space<vmem>> -> memref<1x128x128xf32, #tpu.memory_space<vmem>>
    %dma_start3A_22 = tpu.memref_squeeze %dma_start3A_21 : memref<1x128x128xf32, #tpu.memory_space<vmem>> -> memref<128x128xf32, #tpu.memory_space<vmem>>
    %dma_start3A_23 = arith.constant 0 : i32
    %dma_start3A_24 = tpu.memref_slice %arg7[%dma_start3A_17, %dma_start3A_23] : memref<40x128xi32, #tpu.memory_space<vmem>> -> memref<1x128xi32, #tpu.memory_space<vmem>>
    %dma_start3A_25 = tpu.memref_squeeze %dma_start3A_24 : memref<1x128xi32, #tpu.memory_space<vmem>> -> memref<128xi32, #tpu.memory_space<vmem>>
    %dma_start3A_26 = arith.constant 0 : i32
    %dma_start3A_27 = arith.constant 0 : i32
    %dma_start3A_28 = tpu.memref_slice %arg2[%dma_start3A_26, %dma_start3A_27] : memref<20000x128xf32, #tpu.memory_space<hbm>> -> memref<20000x128xf32, #tpu.memory_space<hbm>>
    tpu.enqueue_indirect_dma source(%dma_start3A_28 : memref<20000x128xf32, #tpu.memory_space<hbm>>) target(%dma_start3A_22 : memref<128x128xf32, #tpu.memory_space<vmem>>) offsets(%dma_start3A_25 : memref<128xi32, #tpu.memory_space<vmem>>) semaphore(%arg12 : memref<!tpu.dma_semaphore, #tpu.memory_space<semaphore_mem>>)
    %scan3A = arith.constant 0 : i32
    %scan3A_29 = arith.constant 0 : i32
    %scan3A_30 = arith.constant 20 : i32
    %scan3A_31 = arith.addi %scan3A_29, %scan3A_30 : i32
    %scan3A_32 = arith.constant 1 : i32
    scf.for %scan3A_71 = %scan3A_29 to %scan3A_31 step %scan3A_32  : i32 {
      %mul3A_72 = arith.constant 2 : i32
      %mul3A_73 = arith.muli %scan3A_71, %mul3A_72 : i32
      %add3A_74 = arith.constant 0 : i32
      %add3A_75 = arith.addi %mul3A_73, %add3A_74 : i32
      %dma_wait3A = arith.constant 0 : i32
      %dma_wait3A_76 = arith.constant 0 : i32
      %dma_wait3A_77 = arith.constant 0 : i32
      %dma_wait3A_78 = tpu.memref_slice %arg9[%dma_wait3A, %dma_wait3A_76, %dma_wait3A_77] : memref<2x128x128xf32, #tpu.memory_space<vmem>> -> memref<1x128x128xf32, #tpu.memory_space<vmem>>
      %dma_wait3A_79 = tpu.memref_squeeze %dma_wait3A_78 : memref<1x128x128xf32, #tpu.memory_space<vmem>> -> memref<128x128xf32, #tpu.memory_space<vmem>>
      %dma_wait3A_80 = arith.constant 0 : i32
      %dma_wait3A_81 = tpu.memref_slice %arg7[%add3A_75, %dma_wait3A_80] : memref<40x128xi32, #tpu.memory_space<vmem>> -> memref<1x128xi32, #tpu.memory_space<vmem>>
      %dma_wait3A_82 = tpu.memref_squeeze %dma_wait3A_81 : memref<1x128xi32, #tpu.memory_space<vmem>> -> memref<128xi32, #tpu.memory_space<vmem>>
      %dma_wait3A_83 = arith.constant 0 : i32
      %dma_wait3A_84 = arith.constant 0 : i32
      %dma_wait3A_85 = tpu.memref_slice %arg2[%dma_wait3A_83, %dma_wait3A_84] : memref<20000x128xf32, #tpu.memory_space<hbm>> -> memref<20000x128xf32, #tpu.memory_space<hbm>>
      tpu.wait_indirect_dma semaphore(%arg11 : memref<!tpu.dma_semaphore, #tpu.memory_space<semaphore_mem>>) src(%dma_wait3A_85 : memref<20000x128xf32, #tpu.memory_space<hbm>>) dst(%dma_wait3A_79 : memref<128x128xf32, #tpu.memory_space<vmem>>)
      %run_scoped3A = arith.constant 0 : i32
      "tpu.region"() ({
        %run_scoped3A_109 = tpu.sem_alloc : memref<!tpu.dma_semaphore, #tpu.memory_space<semaphore_mem>>
        %dma_start3A_110 = arith.constant 0 : i32
        %dma_start3A_111 = arith.constant 0 : i32
        %dma_start3A_112 = tpu.memref_slice %arg9[%run_scoped3A, %dma_start3A_110, %dma_start3A_111] : memref<2x128x128xf32, #tpu.memory_space<vmem>> -> memref<1x128x128xf32, #tpu.memory_space<vmem>>
        %dma_start3A_113 = tpu.memref_squeeze %dma_start3A_112 : memref<1x128x128xf32, #tpu.memory_space<vmem>> -> memref<128x128xf32, #tpu.memory_space<vmem>>
        %dma_start3A_114 = arith.constant 0 : i32
        %dma_start3A_115 = tpu.memref_slice %arg8[%add3A_75, %dma_start3A_114] : memref<40x128xi32, #tpu.memory_space<vmem>> -> memref<1x128xi32, #tpu.memory_space<vmem>>
        %dma_start3A_116 = tpu.memref_squeeze %dma_start3A_115 : memref<1x128xi32, #tpu.memory_space<vmem>> -> memref<128xi32, #tpu.memory_space<vmem>>
        %dma_start3A_117 = arith.constant 0 : i32
        %dma_start3A_118 = arith.constant 0 : i32
        %dma_start3A_119 = tpu.memref_slice %arg10[%dma_start3A_117, %dma_start3A_118] : memref<10112x128xf32, #tpu.memory_space<vmem_shared>> -> memref<10112x128xf32, #tpu.memory_space<vmem_shared>>
        tpu.enqueue_indirect_dma source(%dma_start3A_113 : memref<128x128xf32, #tpu.memory_space<vmem>>) target(%dma_start3A_119 : memref<10112x128xf32, #tpu.memory_space<vmem_shared>>) offsets(%dma_start3A_116 : memref<128xi32, #tpu.memory_space<vmem>>) semaphore(%run_scoped3A_109 : memref<!tpu.dma_semaphore, #tpu.memory_space<semaphore_mem>>) {add = true}
        %dma_wait3A_120 = arith.constant 0 : i32
        %dma_wait3A_121 = arith.constant 0 : i32
        %dma_wait3A_122 = tpu.memref_slice %arg9[%run_scoped3A, %dma_wait3A_120, %dma_wait3A_121] : memref<2x128x128xf32, #tpu.memory_space<vmem>> -> memref<1x128x128xf32, #tpu.memory_space<vmem>>
        %dma_wait3A_123 = tpu.memref_squeeze %dma_wait3A_122 : memref<1x128x128xf32, #tpu.memory_space<vmem>> -> memref<128x128xf32, #tpu.memory_space<vmem>>
        %dma_wait3A_124 = arith.constant 0 : i32
        %dma_wait3A_125 = tpu.memref_slice %arg8[%add3A_75, %dma_wait3A_124] : memref<40x128xi32, #tpu.memory_space<vmem>> -> memref<1x128xi32, #tpu.memory_space<vmem>>
        %dma_wait3A_126 = tpu.memref_squeeze %dma_wait3A_125 : memref<1x128xi32, #tpu.memory_space<vmem>> -> memref<128xi32, #tpu.memory_space<vmem>>
        %dma_wait3A_127 = arith.constant 0 : i32
        %dma_wait3A_128 = arith.constant 0 : i32
        %dma_wait3A_129 = tpu.memref_slice %arg10[%dma_wait3A_127, %dma_wait3A_128] : memref<10112x128xf32, #tpu.memory_space<vmem_shared>> -> memref<10112x128xf32, #tpu.memory_space<vmem_shared>>
        tpu.wait_indirect_dma semaphore(%run_scoped3A_109 : memref<!tpu.dma_semaphore, #tpu.memory_space<semaphore_mem>>) src(%dma_wait3A_123 : memref<128x128xf32, #tpu.memory_space<vmem>>) dst(%dma_wait3A_129 : memref<10112x128xf32, #tpu.memory_space<vmem_shared>>)
        tpu.yield
      }) : () -> ()
      %lt3A = arith.constant 19 : i32
      %lt3A_86 = arith.cmpi slt, %scan3A_71, %lt3A : i32
      %convert_element_type3A = arith.extui %lt3A_86 : i1 to i32
      %cond3A = arith.constant 0 : i32
      %cond3A_87 = arith.cmpi ne, %convert_element_type3A, %cond3A : i32
      scf.if %cond3A_87 {
        %add3A_109 = arith.constant 2 : i32
        %add3A_110 = arith.addi %add3A_75, %add3A_109 : i32
        %dma_start3A_111 = arith.constant 0 : i32
        %dma_start3A_112 = arith.constant 0 : i32
        %dma_start3A_113 = arith.constant 0 : i32
        %dma_start3A_114 = tpu.memref_slice %arg9[%dma_start3A_111, %dma_start3A_112, %dma_start3A_113] : memref<2x128x128xf32, #tpu.memory_space<vmem>> -> memref<1x128x128xf32, #tpu.memory_space<vmem>>
        %dma_start3A_115 = tpu.memref_squeeze %dma_start3A_114 : memref<1x128x128xf32, #tpu.memory_space<vmem>> -> memref<128x128xf32, #tpu.memory_space<vmem>>
        %dma_start3A_116 = arith.constant 0 : i32
        %dma_start3A_117 = tpu.memref_slice %arg7[%add3A_110, %dma_start3A_116] : memref<40x128xi32, #tpu.memory_space<vmem>> -> memref<1x128xi32, #tpu.memory_space<vmem>>
        %dma_start3A_118 = tpu.memref_squeeze %dma_start3A_117 : memref<1x128xi32, #tpu.memory_space<vmem>> -> memref<128xi32, #tpu.memory_space<vmem>>
        %dma_start3A_119 = arith.constant 0 : i32
        %dma_start3A_120 = arith.constant 0 : i32
        %dma_start3A_121 = tpu.memref_slice %arg2[%dma_start3A_119, %dma_start3A_120] : memref<20000x128xf32, #tpu.memory_space<hbm>> -> memref<20000x128xf32, #tpu.memory_space<hbm>>
        tpu.enqueue_indirect_dma source(%dma_start3A_121 : memref<20000x128xf32, #tpu.memory_space<hbm>>) target(%dma_start3A_115 : memref<128x128xf32, #tpu.memory_space<vmem>>) offsets(%dma_start3A_118 : memref<128xi32, #tpu.memory_space<vmem>>) semaphore(%arg11 : memref<!tpu.dma_semaphore, #tpu.memory_space<semaphore_mem>>)
      } else {
      }
      %mul3A_88 = arith.constant 2 : i32
      %mul3A_89 = arith.muli %scan3A_71, %mul3A_88 : i32
      %add3A_90 = arith.constant 1 : i32
      %add3A_91 = arith.addi %mul3A_89, %add3A_90 : i32
      %dma_wait3A_92 = arith.constant 1 : i32
      %dma_wait3A_93 = arith.constant 0 : i32
      %dma_wait3A_94 = arith.constant 0 : i32
      %dma_wait3A_95 = tpu.memref_slice %arg9[%dma_wait3A_92, %dma_wait3A_93, %dma_wait3A_94] : memref<2x128x128xf32, #tpu.memory_space<vmem>> -> memref<1x128x128xf32, #tpu.memory_space<vmem>>
      %dma_wait3A_96 = tpu.memref_squeeze %dma_wait3A_95 : memref<1x128x128xf32, #tpu.memory_space<vmem>> -> memref<128x128xf32, #tpu.memory_space<vmem>>
      %dma_wait3A_97 = arith.constant 0 : i32
      %dma_wait3A_98 = tpu.memref_slice %arg7[%add3A_91, %dma_wait3A_97] : memref<40x128xi32, #tpu.memory_space<vmem>> -> memref<1x128xi32, #tpu.memory_space<vmem>>
      %dma_wait3A_99 = tpu.memref_squeeze %dma_wait3A_98 : memref<1x128xi32, #tpu.memory_space<vmem>> -> memref<128xi32, #tpu.memory_space<vmem>>
      %dma_wait3A_100 = arith.constant 0 : i32
      %dma_wait3A_101 = arith.constant 0 : i32
      %dma_wait3A_102 = tpu.memref_slice %arg2[%dma_wait3A_100, %dma_wait3A_101] : memref<20000x128xf32, #tpu.memory_space<hbm>> -> memref<20000x128xf32, #tpu.memory_space<hbm>>
      tpu.wait_indirect_dma semaphore(%arg12 : memref<!tpu.dma_semaphore, #tpu.memory_space<semaphore_mem>>) src(%dma_wait3A_102 : memref<20000x128xf32, #tpu.memory_space<hbm>>) dst(%dma_wait3A_96 : memref<128x128xf32, #tpu.memory_space<vmem>>)
      %run_scoped3A_103 = arith.constant 1 : i32
      "tpu.region"() ({
        %run_scoped3A_109 = tpu.sem_alloc : memref<!tpu.dma_semaphore, #tpu.memory_space<semaphore_mem>>
        %dma_start3A_110 = arith.constant 0 : i32
        %dma_start3A_111 = arith.constant 0 : i32
        %dma_start3A_112 = tpu.memref_slice %arg9[%run_scoped3A_103, %dma_start3A_110, %dma_start3A_111] : memref<2x128x128xf32, #tpu.memory_space<vmem>> -> memref<1x128x128xf32, #tpu.memory_space<vmem>>
        %dma_start3A_113 = tpu.memref_squeeze %dma_start3A_112 : memref<1x128x128xf32, #tpu.memory_space<vmem>> -> memref<128x128xf32, #tpu.memory_space<vmem>>
        %dma_start3A_114 = arith.constant 0 : i32
        %dma_start3A_115 = tpu.memref_slice %arg8[%add3A_91, %dma_start3A_114] : memref<40x128xi32, #tpu.memory_space<vmem>> -> memref<1x128xi32, #tpu.memory_space<vmem>>
        %dma_start3A_116 = tpu.memref_squeeze %dma_start3A_115 : memref<1x128xi32, #tpu.memory_space<vmem>> -> memref<128xi32, #tpu.memory_space<vmem>>
        %dma_start3A_117 = arith.constant 0 : i32
        %dma_start3A_118 = arith.constant 0 : i32
        %dma_start3A_119 = tpu.memref_slice %arg10[%dma_start3A_117, %dma_start3A_118] : memref<10112x128xf32, #tpu.memory_space<vmem_shared>> -> memref<10112x128xf32, #tpu.memory_space<vmem_shared>>
        tpu.enqueue_indirect_dma source(%dma_start3A_113 : memref<128x128xf32, #tpu.memory_space<vmem>>) target(%dma_start3A_119 : memref<10112x128xf32, #tpu.memory_space<vmem_shared>>) offsets(%dma_start3A_116 : memref<128xi32, #tpu.memory_space<vmem>>) semaphore(%run_scoped3A_109 : memref<!tpu.dma_semaphore, #tpu.memory_space<semaphore_mem>>) {add = true}
        %dma_wait3A_120 = arith.constant 0 : i32
        %dma_wait3A_121 = arith.constant 0 : i32
        %dma_wait3A_122 = tpu.memref_slice %arg9[%run_scoped3A_103, %dma_wait3A_120, %dma_wait3A_121] : memref<2x128x128xf32, #tpu.memory_space<vmem>> -> memref<1x128x128xf32, #tpu.memory_space<vmem>>
        %dma_wait3A_123 = tpu.memref_squeeze %dma_wait3A_122 : memref<1x128x128xf32, #tpu.memory_space<vmem>> -> memref<128x128xf32, #tpu.memory_space<vmem>>
        %dma_wait3A_124 = arith.constant 0 : i32
        %dma_wait3A_125 = tpu.memref_slice %arg8[%add3A_91, %dma_wait3A_124] : memref<40x128xi32, #tpu.memory_space<vmem>> -> memref<1x128xi32, #tpu.memory_space<vmem>>
        %dma_wait3A_126 = tpu.memref_squeeze %dma_wait3A_125 : memref<1x128xi32, #tpu.memory_space<vmem>> -> memref<128xi32, #tpu.memory_space<vmem>>
        %dma_wait3A_127 = arith.constant 0 : i32
        %dma_wait3A_128 = arith.constant 0 : i32
        %dma_wait3A_129 = tpu.memref_slice %arg10[%dma_wait3A_127, %dma_wait3A_128] : memref<10112x128xf32, #tpu.memory_space<vmem_shared>> -> memref<10112x128xf32, #tpu.memory_space<vmem_shared>>
        tpu.wait_indirect_dma semaphore(%run_scoped3A_109 : memref<!tpu.dma_semaphore, #tpu.memory_space<semaphore_mem>>) src(%dma_wait3A_123 : memref<128x128xf32, #tpu.memory_space<vmem>>) dst(%dma_wait3A_129 : memref<10112x128xf32, #tpu.memory_space<vmem_shared>>)
        tpu.yield
      }) : () -> ()
      %lt3A_104 = arith.constant 19 : i32
      %lt3A_105 = arith.cmpi slt, %scan3A_71, %lt3A_104 : i32
      %convert_element_type3A_106 = arith.extui %lt3A_105 : i1 to i32
      %cond3A_107 = arith.constant 0 : i32
      %cond3A_108 = arith.cmpi ne, %convert_element_type3A_106, %cond3A_107 : i32
      scf.if %cond3A_108 {
        %add3A_109 = arith.constant 2 : i32
        %add3A_110 = arith.addi %add3A_91, %add3A_109 : i32
        %dma_start3A_111 = arith.constant 1 : i32
        %dma_start3A_112 = arith.constant 0 : i32
        %dma_start3A_113 = arith.constant 0 : i32
        %dma_start3A_114 = tpu.memref_slice %arg9[%dma_start3A_111, %dma_start3A_112, %dma_start3A_113] : memref<2x128x128xf32, #tpu.memory_space<vmem>> -> memref<1x128x128xf32, #tpu.memory_space<vmem>>
        %dma_start3A_115 = tpu.memref_squeeze %dma_start3A_114 : memref<1x128x128xf32, #tpu.memory_space<vmem>> -> memref<128x128xf32, #tpu.memory_space<vmem>>
        %dma_start3A_116 = arith.constant 0 : i32
        %dma_start3A_117 = tpu.memref_slice %arg7[%add3A_110, %dma_start3A_116] : memref<40x128xi32, #tpu.memory_space<vmem>> -> memref<1x128xi32, #tpu.memory_space<vmem>>
        %dma_start3A_118 = tpu.memref_squeeze %dma_start3A_117 : memref<1x128xi32, #tpu.memory_space<vmem>> -> memref<128xi32, #tpu.memory_space<vmem>>
        %dma_start3A_119 = arith.constant 0 : i32
        %dma_start3A_120 = arith.constant 0 : i32
        %dma_start3A_121 = tpu.memref_slice %arg2[%dma_start3A_119, %dma_start3A_120] : memref<20000x128xf32, #tpu.memory_space<hbm>> -> memref<20000x128xf32, #tpu.memory_space<hbm>>
        tpu.enqueue_indirect_dma source(%dma_start3A_121 : memref<20000x128xf32, #tpu.memory_space<hbm>>) target(%dma_start3A_115 : memref<128x128xf32, #tpu.memory_space<vmem>>) offsets(%dma_start3A_118 : memref<128xi32, #tpu.memory_space<vmem>>) semaphore(%arg12 : memref<!tpu.dma_semaphore, #tpu.memory_space<semaphore_mem>>)
      } else {
      }
    }
    %scan3A_33 = arith.constant 20 : i32
    %add3A_34 = arith.constant 40 : i32
    %add3A_35 = arith.addi %mul3A_4, %add3A_34 : i32
    "tpu.region"() ({
      %run_scoped3A = tpu.sem_alloc : memref<!tpu.dma_semaphore, #tpu.memory_space<semaphore_mem>>
      %dma_start3A_71 = arith.constant 0 : i32
      %dma_start3A_72 = tpu.memref_slice %arg3[%arg0, %add3A_35, %dma_start3A_71] : memref<2x1280x128xi32, #tpu.memory_space<hbm>> -> memref<1x40x128xi32, #tpu.memory_space<hbm>>
      %dma_start3A_73 = tpu.memref_squeeze %dma_start3A_72 : memref<1x40x128xi32, #tpu.memory_space<hbm>> -> memref<40x128xi32, #tpu.memory_space<hbm>>
      %dma_start3A_74 = arith.constant 0 : i32
      %dma_start3A_75 = tpu.memref_slice %arg3[%arg0, %add3A_35, %dma_start3A_74] : memref<2x1280x128xi32, #tpu.memory_space<hbm>> -> memref<1x40x128xi32, #tpu.memory_space<hbm>>
      %dma_start3A_76 = tpu.memref_squeeze %dma_start3A_75 : memref<1x40x128xi32, #tpu.memory_space<hbm>> -> memref<40x128xi32, #tpu.memory_space<hbm>>
      tpu.enqueue_dma source(%dma_start3A_76 : memref<40x128xi32, #tpu.memory_space<hbm>>) target(%arg7 : memref<40x128xi32, #tpu.memory_space<vmem>>) target_semaphore(%run_scoped3A : memref<!tpu.dma_semaphore, #tpu.memory_space<semaphore_mem>>)
      %dma_wait3A = arith.constant 0 : i32
      %dma_wait3A_77 = tpu.memref_slice %arg3[%arg0, %add3A_35, %dma_wait3A] : memref<2x1280x128xi32, #tpu.memory_space<hbm>> -> memref<1x40x128xi32, #tpu.memory_space<hbm>>
      %dma_wait3A_78 = tpu.memref_squeeze %dma_wait3A_77 : memref<1x40x128xi32, #tpu.memory_space<hbm>> -> memref<40x128xi32, #tpu.memory_space<hbm>>
      %dma_wait3A_79 = arith.constant 0 : i32
      %dma_wait3A_80 = tpu.memref_slice %arg3[%arg0, %add3A_35, %dma_wait3A_79] : memref<2x1280x128xi32, #tpu.memory_space<hbm>> -> memref<1x40x128xi32, #tpu.memory_space<hbm>>
      %dma_wait3A_81 = tpu.memref_squeeze %dma_wait3A_80 : memref<1x40x128xi32, #tpu.memory_space<hbm>> -> memref<40x128xi32, #tpu.memory_space<hbm>>
      tpu.wait_dma2 semaphore(%run_scoped3A : memref<!tpu.dma_semaphore, #tpu.memory_space<semaphore_mem>>) src(%dma_wait3A_81 : memref<40x128xi32, #tpu.memory_space<hbm>>) dst(%arg7 : memref<40x128xi32, #tpu.memory_space<vmem>>)
      tpu.yield
    }) : () -> ()
    "tpu.region"() ({
      %run_scoped3A = tpu.sem_alloc : memref<!tpu.dma_semaphore, #tpu.memory_space<semaphore_mem>>
      %dma_start3A_71 = arith.constant 0 : i32
      %dma_start3A_72 = tpu.memref_slice %arg4[%add3A_35, %dma_start3A_71] : memref<1280x128xi32, #tpu.memory_space<hbm>> -> memref<40x128xi32, #tpu.memory_space<hbm>>
      %dma_start3A_73 = arith.constant 0 : i32
      %dma_start3A_74 = tpu.memref_slice %arg4[%add3A_35, %dma_start3A_73] : memref<1280x128xi32, #tpu.memory_space<hbm>> -> memref<40x128xi32, #tpu.memory_space<hbm>>
      tpu.enqueue_dma source(%dma_start3A_74 : memref<40x128xi32, #tpu.memory_space<hbm>>) target(%arg8 : memref<40x128xi32, #tpu.memory_space<vmem>>) target_semaphore(%run_scoped3A : memref<!tpu.dma_semaphore, #tpu.memory_space<semaphore_mem>>)
      %dma_wait3A = arith.constant 0 : i32
      %dma_wait3A_75 = tpu.memref_slice %arg4[%add3A_35, %dma_wait3A] : memref<1280x128xi32, #tpu.memory_space<hbm>> -> memref<40x128xi32, #tpu.memory_space<hbm>>
      %dma_wait3A_76 = arith.constant 0 : i32
      %dma_wait3A_77 = tpu.memref_slice %arg4[%add3A_35, %dma_wait3A_76] : memref<1280x128xi32, #tpu.memory_space<hbm>> -> memref<40x128xi32, #tpu.memory_space<hbm>>
      tpu.wait_dma2 semaphore(%run_scoped3A : memref<!tpu.dma_semaphore, #tpu.memory_space<semaphore_mem>>) src(%dma_wait3A_77 : memref<40x128xi32, #tpu.memory_space<hbm>>) dst(%arg8 : memref<40x128xi32, #tpu.memory_space<vmem>>)
      tpu.yield
    }) : () -> ()
    %dma_start3A_36 = arith.constant 0 : i32
    %dma_start3A_37 = arith.constant 0 : i32
    %dma_start3A_38 = arith.constant 0 : i32
    %dma_start3A_39 = arith.constant 0 : i32
    %dma_start3A_40 = tpu.memref_slice %arg9[%dma_start3A_37, %dma_start3A_38, %dma_start3A_39] : memref<2x128x128xf32, #tpu.memory_space<vmem>> -> memref<1x128x128xf32, #tpu.memory_space<vmem>>
    %dma_start3A_41 = tpu.memref_squeeze %dma_start3A_40 : memref<1x128x128xf32, #tpu.memory_space<vmem>> -> memref<128x128xf32, #tpu.memory_space<vmem>>
    %dma_start3A_42 = arith.constant 0 : i32
    %dma_start3A_43 = tpu.memref_slice %arg7[%dma_start3A_36, %dma_start3A_42] : memref<40x128xi32, #tpu.memory_space<vmem>> -> memref<1x128xi32, #tpu.memory_space<vmem>>
    %dma_start3A_44 = tpu.memref_squeeze %dma_start3A_43 : memref<1x128xi32, #tpu.memory_space<vmem>> -> memref<128xi32, #tpu.memory_space<vmem>>
    %dma_start3A_45 = arith.constant 0 : i32
    %dma_start3A_46 = arith.constant 0 : i32
    %dma_start3A_47 = tpu.memref_slice %arg2[%dma_start3A_45, %dma_start3A_46] : memref<20000x128xf32, #tpu.memory_space<hbm>> -> memref<20000x128xf32, #tpu.memory_space<hbm>>
    tpu.enqueue_indirect_dma source(%dma_start3A_47 : memref<20000x128xf32, #tpu.memory_space<hbm>>) target(%dma_start3A_41 : memref<128x128xf32, #tpu.memory_space<vmem>>) offsets(%dma_start3A_44 : memref<128xi32, #tpu.memory_space<vmem>>) semaphore(%arg11 : memref<!tpu.dma_semaphore, #tpu.memory_space<semaphore_mem>>)
    %dma_start3A_48 = arith.constant 1 : i32
    %dma_start3A_49 = arith.constant 1 : i32
    %dma_start3A_50 = arith.constant 0 : i32
    %dma_start3A_51 = arith.constant 0 : i32
    %dma_start3A_52 = tpu.memref_slice %arg9[%dma_start3A_49, %dma_start3A_50, %dma_start3A_51] : memref<2x128x128xf32, #tpu.memory_space<vmem>> -> memref<1x128x128xf32, #tpu.memory_space<vmem>>
    %dma_start3A_53 = tpu.memref_squeeze %dma_start3A_52 : memref<1x128x128xf32, #tpu.memory_space<vmem>> -> memref<128x128xf32, #tpu.memory_space<vmem>>
    %dma_start3A_54 = arith.constant 0 : i32
    %dma_start3A_55 = tpu.memref_slice %arg7[%dma_start3A_48, %dma_start3A_54] : memref<40x128xi32, #tpu.memory_space<vmem>> -> memref<1x128xi32, #tpu.memory_space<vmem>>
    %dma_start3A_56 = tpu.memref_squeeze %dma_start3A_55 : memref<1x128xi32, #tpu.memory_space<vmem>> -> memref<128xi32, #tpu.memory_space<vmem>>
    %dma_start3A_57 = arith.constant 0 : i32
    %dma_start3A_58 = arith.constant 0 : i32
    %dma_start3A_59 = tpu.memref_slice %arg2[%dma_start3A_57, %dma_start3A_58] : memref<20000x128xf32, #tpu.memory_space<hbm>> -> memref<20000x128xf32, #tpu.memory_space<hbm>>
    tpu.enqueue_indirect_dma source(%dma_start3A_59 : memref<20000x128xf32, #tpu.memory_space<hbm>>) target(%dma_start3A_53 : memref<128x128xf32, #tpu.memory_space<vmem>>) offsets(%dma_start3A_56 : memref<128xi32, #tpu.memory_space<vmem>>) semaphore(%arg12 : memref<!tpu.dma_semaphore, #tpu.memory_space<semaphore_mem>>)
    %scan3A_60 = arith.constant 0 : i32
    %scan3A_61 = arith.constant 0 : i32
    %scan3A_62 = arith.constant 20 : i32
    %scan3A_63 = arith.addi %scan3A_61, %scan3A_62 : i32
    %scan3A_64 = arith.constant 1 : i32
    scf.for %scan3A_71 = %scan3A_61 to %scan3A_63 step %scan3A_64  : i32 {
      %mul3A_72 = arith.constant 2 : i32
      %mul3A_73 = arith.muli %scan3A_71, %mul3A_72 : i32
      %add3A_74 = arith.constant 0 : i32
      %add3A_75 = arith.addi %mul3A_73, %add3A_74 : i32
      %dma_wait3A = arith.constant 0 : i32
      %dma_wait3A_76 = arith.constant 0 : i32
      %dma_wait3A_77 = arith.constant 0 : i32
      %dma_wait3A_78 = tpu.memref_slice %arg9[%dma_wait3A, %dma_wait3A_76, %dma_wait3A_77] : memref<2x128x128xf32, #tpu.memory_space<vmem>> -> memref<1x128x128xf32, #tpu.memory_space<vmem>>
      %dma_wait3A_79 = tpu.memref_squeeze %dma_wait3A_78 : memref<1x128x128xf32, #tpu.memory_space<vmem>> -> memref<128x128xf32, #tpu.memory_space<vmem>>
      %dma_wait3A_80 = arith.constant 0 : i32
      %dma_wait3A_81 = tpu.memref_slice %arg7[%add3A_75, %dma_wait3A_80] : memref<40x128xi32, #tpu.memory_space<vmem>> -> memref<1x128xi32, #tpu.memory_space<vmem>>
      %dma_wait3A_82 = tpu.memref_squeeze %dma_wait3A_81 : memref<1x128xi32, #tpu.memory_space<vmem>> -> memref<128xi32, #tpu.memory_space<vmem>>
      %dma_wait3A_83 = arith.constant 0 : i32
      %dma_wait3A_84 = arith.constant 0 : i32
      %dma_wait3A_85 = tpu.memref_slice %arg2[%dma_wait3A_83, %dma_wait3A_84] : memref<20000x128xf32, #tpu.memory_space<hbm>> -> memref<20000x128xf32, #tpu.memory_space<hbm>>
      tpu.wait_indirect_dma semaphore(%arg11 : memref<!tpu.dma_semaphore, #tpu.memory_space<semaphore_mem>>) src(%dma_wait3A_85 : memref<20000x128xf32, #tpu.memory_space<hbm>>) dst(%dma_wait3A_79 : memref<128x128xf32, #tpu.memory_space<vmem>>)
      %run_scoped3A = arith.constant 0 : i32
      "tpu.region"() ({
        %run_scoped3A_109 = tpu.sem_alloc : memref<!tpu.dma_semaphore, #tpu.memory_space<semaphore_mem>>
        %dma_start3A_110 = arith.constant 0 : i32
        %dma_start3A_111 = arith.constant 0 : i32
        %dma_start3A_112 = tpu.memref_slice %arg9[%run_scoped3A, %dma_start3A_110, %dma_start3A_111] : memref<2x128x128xf32, #tpu.memory_space<vmem>> -> memref<1x128x128xf32, #tpu.memory_space<vmem>>
        %dma_start3A_113 = tpu.memref_squeeze %dma_start3A_112 : memref<1x128x128xf32, #tpu.memory_space<vmem>> -> memref<128x128xf32, #tpu.memory_space<vmem>>
        %dma_start3A_114 = arith.constant 0 : i32
        %dma_start3A_115 = tpu.memref_slice %arg8[%add3A_75, %dma_start3A_114] : memref<40x128xi32, #tpu.memory_space<vmem>> -> memref<1x128xi32, #tpu.memory_space<vmem>>
        %dma_start3A_116 = tpu.memref_squeeze %dma_start3A_115 : memref<1x128xi32, #tpu.memory_space<vmem>> -> memref<128xi32, #tpu.memory_space<vmem>>
        %dma_start3A_117 = arith.constant 0 : i32
        %dma_start3A_118 = arith.constant 0 : i32
        %dma_start3A_119 = tpu.memref_slice %arg10[%dma_start3A_117, %dma_start3A_118] : memref<10112x128xf32, #tpu.memory_space<vmem_shared>> -> memref<10112x128xf32, #tpu.memory_space<vmem_shared>>
        tpu.enqueue_indirect_dma source(%dma_start3A_113 : memref<128x128xf32, #tpu.memory_space<vmem>>) target(%dma_start3A_119 : memref<10112x128xf32, #tpu.memory_space<vmem_shared>>) offsets(%dma_start3A_116 : memref<128xi32, #tpu.memory_space<vmem>>) semaphore(%run_scoped3A_109 : memref<!tpu.dma_semaphore, #tpu.memory_space<semaphore_mem>>) {add = true}
        %dma_wait3A_120 = arith.constant 0 : i32
        %dma_wait3A_121 = arith.constant 0 : i32
        %dma_wait3A_122 = tpu.memref_slice %arg9[%run_scoped3A, %dma_wait3A_120, %dma_wait3A_121] : memref<2x128x128xf32, #tpu.memory_space<vmem>> -> memref<1x128x128xf32, #tpu.memory_space<vmem>>
        %dma_wait3A_123 = tpu.memref_squeeze %dma_wait3A_122 : memref<1x128x128xf32, #tpu.memory_space<vmem>> -> memref<128x128xf32, #tpu.memory_space<vmem>>
        %dma_wait3A_124 = arith.constant 0 : i32
        %dma_wait3A_125 = tpu.memref_slice %arg8[%add3A_75, %dma_wait3A_124] : memref<40x128xi32, #tpu.memory_space<vmem>> -> memref<1x128xi32, #tpu.memory_space<vmem>>
        %dma_wait3A_126 = tpu.memref_squeeze %dma_wait3A_125 : memref<1x128xi32, #tpu.memory_space<vmem>> -> memref<128xi32, #tpu.memory_space<vmem>>
        %dma_wait3A_127 = arith.constant 0 : i32
        %dma_wait3A_128 = arith.constant 0 : i32
        %dma_wait3A_129 = tpu.memref_slice %arg10[%dma_wait3A_127, %dma_wait3A_128] : memref<10112x128xf32, #tpu.memory_space<vmem_shared>> -> memref<10112x128xf32, #tpu.memory_space<vmem_shared>>
        tpu.wait_indirect_dma semaphore(%run_scoped3A_109 : memref<!tpu.dma_semaphore, #tpu.memory_space<semaphore_mem>>) src(%dma_wait3A_123 : memref<128x128xf32, #tpu.memory_space<vmem>>) dst(%dma_wait3A_129 : memref<10112x128xf32, #tpu.memory_space<vmem_shared>>)
        tpu.yield
      }) : () -> ()
      %lt3A = arith.constant 19 : i32
      %lt3A_86 = arith.cmpi slt, %scan3A_71, %lt3A : i32
      %convert_element_type3A = arith.extui %lt3A_86 : i1 to i32
      %cond3A = arith.constant 0 : i32
      %cond3A_87 = arith.cmpi ne, %convert_element_type3A, %cond3A : i32
      scf.if %cond3A_87 {
        %add3A_109 = arith.constant 2 : i32
        %add3A_110 = arith.addi %add3A_75, %add3A_109 : i32
        %dma_start3A_111 = arith.constant 0 : i32
        %dma_start3A_112 = arith.constant 0 : i32
        %dma_start3A_113 = arith.constant 0 : i32
        %dma_start3A_114 = tpu.memref_slice %arg9[%dma_start3A_111, %dma_start3A_112, %dma_start3A_113] : memref<2x128x128xf32, #tpu.memory_space<vmem>> -> memref<1x128x128xf32, #tpu.memory_space<vmem>>
        %dma_start3A_115 = tpu.memref_squeeze %dma_start3A_114 : memref<1x128x128xf32, #tpu.memory_space<vmem>> -> memref<128x128xf32, #tpu.memory_space<vmem>>
        %dma_start3A_116 = arith.constant 0 : i32
        %dma_start3A_117 = tpu.memref_slice %arg7[%add3A_110, %dma_start3A_116] : memref<40x128xi32, #tpu.memory_space<vmem>> -> memref<1x128xi32, #tpu.memory_space<vmem>>
        %dma_start3A_118 = tpu.memref_squeeze %dma_start3A_117 : memref<1x128xi32, #tpu.memory_space<vmem>> -> memref<128xi32, #tpu.memory_space<vmem>>
        %dma_start3A_119 = arith.constant 0 : i32
        %dma_start3A_120 = arith.constant 0 : i32
        %dma_start3A_121 = tpu.memref_slice %arg2[%dma_start3A_119, %dma_start3A_120] : memref<20000x128xf32, #tpu.memory_space<hbm>> -> memref<20000x128xf32, #tpu.memory_space<hbm>>
        tpu.enqueue_indirect_dma source(%dma_start3A_121 : memref<20000x128xf32, #tpu.memory_space<hbm>>) target(%dma_start3A_115 : memref<128x128xf32, #tpu.memory_space<vmem>>) offsets(%dma_start3A_118 : memref<128xi32, #tpu.memory_space<vmem>>) semaphore(%arg11 : memref<!tpu.dma_semaphore, #tpu.memory_space<semaphore_mem>>)
      } else {
      }
      %mul3A_88 = arith.constant 2 : i32
      %mul3A_89 = arith.muli %scan3A_71, %mul3A_88 : i32
      %add3A_90 = arith.constant 1 : i32
      %add3A_91 = arith.addi %mul3A_89, %add3A_90 : i32
      %dma_wait3A_92 = arith.constant 1 : i32
      %dma_wait3A_93 = arith.constant 0 : i32
      %dma_wait3A_94 = arith.constant 0 : i32
      %dma_wait3A_95 = tpu.memref_slice %arg9[%dma_wait3A_92, %dma_wait3A_93, %dma_wait3A_94] : memref<2x128x128xf32, #tpu.memory_space<vmem>> -> memref<1x128x128xf32, #tpu.memory_space<vmem>>
      %dma_wait3A_96 = tpu.memref_squeeze %dma_wait3A_95 : memref<1x128x128xf32, #tpu.memory_space<vmem>> -> memref<128x128xf32, #tpu.memory_space<vmem>>
      %dma_wait3A_97 = arith.constant 0 : i32
      %dma_wait3A_98 = tpu.memref_slice %arg7[%add3A_91, %dma_wait3A_97] : memref<40x128xi32, #tpu.memory_space<vmem>> -> memref<1x128xi32, #tpu.memory_space<vmem>>
      %dma_wait3A_99 = tpu.memref_squeeze %dma_wait3A_98 : memref<1x128xi32, #tpu.memory_space<vmem>> -> memref<128xi32, #tpu.memory_space<vmem>>
      %dma_wait3A_100 = arith.constant 0 : i32
      %dma_wait3A_101 = arith.constant 0 : i32
      %dma_wait3A_102 = tpu.memref_slice %arg2[%dma_wait3A_100, %dma_wait3A_101] : memref<20000x128xf32, #tpu.memory_space<hbm>> -> memref<20000x128xf32, #tpu.memory_space<hbm>>
      tpu.wait_indirect_dma semaphore(%arg12 : memref<!tpu.dma_semaphore, #tpu.memory_space<semaphore_mem>>) src(%dma_wait3A_102 : memref<20000x128xf32, #tpu.memory_space<hbm>>) dst(%dma_wait3A_96 : memref<128x128xf32, #tpu.memory_space<vmem>>)
      %run_scoped3A_103 = arith.constant 1 : i32
      "tpu.region"() ({
        %run_scoped3A_109 = tpu.sem_alloc : memref<!tpu.dma_semaphore, #tpu.memory_space<semaphore_mem>>
        %dma_start3A_110 = arith.constant 0 : i32
        %dma_start3A_111 = arith.constant 0 : i32
        %dma_start3A_112 = tpu.memref_slice %arg9[%run_scoped3A_103, %dma_start3A_110, %dma_start3A_111] : memref<2x128x128xf32, #tpu.memory_space<vmem>> -> memref<1x128x128xf32, #tpu.memory_space<vmem>>
        %dma_start3A_113 = tpu.memref_squeeze %dma_start3A_112 : memref<1x128x128xf32, #tpu.memory_space<vmem>> -> memref<128x128xf32, #tpu.memory_space<vmem>>
        %dma_start3A_114 = arith.constant 0 : i32
        %dma_start3A_115 = tpu.memref_slice %arg8[%add3A_91, %dma_start3A_114] : memref<40x128xi32, #tpu.memory_space<vmem>> -> memref<1x128xi32, #tpu.memory_space<vmem>>
        %dma_start3A_116 = tpu.memref_squeeze %dma_start3A_115 : memref<1x128xi32, #tpu.memory_space<vmem>> -> memref<128xi32, #tpu.memory_space<vmem>>
        %dma_start3A_117 = arith.constant 0 : i32
        %dma_start3A_118 = arith.constant 0 : i32
        %dma_start3A_119 = tpu.memref_slice %arg10[%dma_start3A_117, %dma_start3A_118] : memref<10112x128xf32, #tpu.memory_space<vmem_shared>> -> memref<10112x128xf32, #tpu.memory_space<vmem_shared>>
        tpu.enqueue_indirect_dma source(%dma_start3A_113 : memref<128x128xf32, #tpu.memory_space<vmem>>) target(%dma_start3A_119 : memref<10112x128xf32, #tpu.memory_space<vmem_shared>>) offsets(%dma_start3A_116 : memref<128xi32, #tpu.memory_space<vmem>>) semaphore(%run_scoped3A_109 : memref<!tpu.dma_semaphore, #tpu.memory_space<semaphore_mem>>) {add = true}
        %dma_wait3A_120 = arith.constant 0 : i32
        %dma_wait3A_121 = arith.constant 0 : i32
        %dma_wait3A_122 = tpu.memref_slice %arg9[%run_scoped3A_103, %dma_wait3A_120, %dma_wait3A_121] : memref<2x128x128xf32, #tpu.memory_space<vmem>> -> memref<1x128x128xf32, #tpu.memory_space<vmem>>
        %dma_wait3A_123 = tpu.memref_squeeze %dma_wait3A_122 : memref<1x128x128xf32, #tpu.memory_space<vmem>> -> memref<128x128xf32, #tpu.memory_space<vmem>>
        %dma_wait3A_124 = arith.constant 0 : i32
        %dma_wait3A_125 = tpu.memref_slice %arg8[%add3A_91, %dma_wait3A_124] : memref<40x128xi32, #tpu.memory_space<vmem>> -> memref<1x128xi32, #tpu.memory_space<vmem>>
        %dma_wait3A_126 = tpu.memref_squeeze %dma_wait3A_125 : memref<1x128xi32, #tpu.memory_space<vmem>> -> memref<128xi32, #tpu.memory_space<vmem>>
        %dma_wait3A_127 = arith.constant 0 : i32
        %dma_wait3A_128 = arith.constant 0 : i32
        %dma_wait3A_129 = tpu.memref_slice %arg10[%dma_wait3A_127, %dma_wait3A_128] : memref<10112x128xf32, #tpu.memory_space<vmem_shared>> -> memref<10112x128xf32, #tpu.memory_space<vmem_shared>>
        tpu.wait_indirect_dma semaphore(%run_scoped3A_109 : memref<!tpu.dma_semaphore, #tpu.memory_space<semaphore_mem>>) src(%dma_wait3A_123 : memref<128x128xf32, #tpu.memory_space<vmem>>) dst(%dma_wait3A_129 : memref<10112x128xf32, #tpu.memory_space<vmem_shared>>)
        tpu.yield
      }) : () -> ()
      %lt3A_104 = arith.constant 19 : i32
      %lt3A_105 = arith.cmpi slt, %scan3A_71, %lt3A_104 : i32
      %convert_element_type3A_106 = arith.extui %lt3A_105 : i1 to i32
      %cond3A_107 = arith.constant 0 : i32
      %cond3A_108 = arith.cmpi ne, %convert_element_type3A_106, %cond3A_107 : i32
      scf.if %cond3A_108 {
        %add3A_109 = arith.constant 2 : i32
        %add3A_110 = arith.addi %add3A_91, %add3A_109 : i32
        %dma_start3A_111 = arith.constant 1 : i32
        %dma_start3A_112 = arith.constant 0 : i32
        %dma_start3A_113 = arith.constant 0 : i32
        %dma_start3A_114 = tpu.memref_slice %arg9[%dma_start3A_111, %dma_start3A_112, %dma_start3A_113] : memref<2x128x128xf32, #tpu.memory_space<vmem>> -> memref<1x128x128xf32, #tpu.memory_space<vmem>>
        %dma_start3A_115 = tpu.memref_squeeze %dma_start3A_114 : memref<1x128x128xf32, #tpu.memory_space<vmem>> -> memref<128x128xf32, #tpu.memory_space<vmem>>
        %dma_start3A_116 = arith.constant 0 : i32
        %dma_start3A_117 = tpu.memref_slice %arg7[%add3A_110, %dma_start3A_116] : memref<40x128xi32, #tpu.memory_space<vmem>> -> memref<1x128xi32, #tpu.memory_space<vmem>>
        %dma_start3A_118 = tpu.memref_squeeze %dma_start3A_117 : memref<1x128xi32, #tpu.memory_space<vmem>> -> memref<128xi32, #tpu.memory_space<vmem>>
        %dma_start3A_119 = arith.constant 0 : i32
        %dma_start3A_120 = arith.constant 0 : i32
        %dma_start3A_121 = tpu.memref_slice %arg2[%dma_start3A_119, %dma_start3A_120] : memref<20000x128xf32, #tpu.memory_space<hbm>> -> memref<20000x128xf32, #tpu.memory_space<hbm>>
        tpu.enqueue_indirect_dma source(%dma_start3A_121 : memref<20000x128xf32, #tpu.memory_space<hbm>>) target(%dma_start3A_115 : memref<128x128xf32, #tpu.memory_space<vmem>>) offsets(%dma_start3A_118 : memref<128xi32, #tpu.memory_space<vmem>>) semaphore(%arg12 : memref<!tpu.dma_semaphore, #tpu.memory_space<semaphore_mem>>)
      } else {
      }
    }
    %scan3A_65 = arith.constant 20 : i32
    %barrier3A_66 = arith.constant 0 : index
    tpu.barrier barrier_id(%barrier3A_66)
    %mul3A_67 = arith.constant 632 : i32
    %mul3A_68 = arith.muli %arg1, %mul3A_67 : i32
    %mul3A_69 = arith.constant 632 : i32
    %mul3A_70 = arith.muli %arg1, %mul3A_69 : i32
    "tpu.region"() ({
      %run_scoped3A = tpu.sem_alloc : memref<!tpu.dma_semaphore, #tpu.memory_space<semaphore_mem>>
      %dma_start3A_71 = arith.constant 0 : i32
      %dma_start3A_72 = tpu.memref_slice %arg6[%arg0, %mul3A_70, %dma_start3A_71] : memref<2x10112x128xf32, #tpu.memory_space<hbm>> -> memref<1x632x128xf32, #tpu.memory_space<hbm>>
      %dma_start3A_73 = tpu.memref_squeeze %dma_start3A_72 : memref<1x632x128xf32, #tpu.memory_space<hbm>> -> memref<632x128xf32, #tpu.memory_space<hbm>>
      %dma_start3A_74 = arith.constant 0 : i32
      %dma_start3A_75 = tpu.memref_slice %arg10[%mul3A_68, %dma_start3A_74] : memref<10112x128xf32, #tpu.memory_space<vmem_shared>> -> memref<632x128xf32, #tpu.memory_space<vmem_shared>>
      tpu.enqueue_dma source(%dma_start3A_75 : memref<632x128xf32, #tpu.memory_space<vmem_shared>>) target(%dma_start3A_73 : memref<632x128xf32, #tpu.memory_space<hbm>>) target_semaphore(%run_scoped3A : memref<!tpu.dma_semaphore, #tpu.memory_space<semaphore_mem>>)
      %dma_wait3A = arith.constant 0 : i32
      %dma_wait3A_76 = tpu.memref_slice %arg6[%arg0, %mul3A_70, %dma_wait3A] : memref<2x10112x128xf32, #tpu.memory_space<hbm>> -> memref<1x632x128xf32, #tpu.memory_space<hbm>>
      %dma_wait3A_77 = tpu.memref_squeeze %dma_wait3A_76 : memref<1x632x128xf32, #tpu.memory_space<hbm>> -> memref<632x128xf32, #tpu.memory_space<hbm>>
      %dma_wait3A_78 = arith.constant 0 : i32
      %dma_wait3A_79 = tpu.memref_slice %arg10[%mul3A_68, %dma_wait3A_78] : memref<10112x128xf32, #tpu.memory_space<vmem_shared>> -> memref<632x128xf32, #tpu.memory_space<vmem_shared>>
      tpu.wait_dma2 semaphore(%run_scoped3A : memref<!tpu.dma_semaphore, #tpu.memory_space<semaphore_mem>>) src(%dma_wait3A_79 : memref<632x128xf32, #tpu.memory_space<vmem_shared>>) dst(%dma_wait3A_77 : memref<632x128xf32, #tpu.memory_space<hbm>>)
      tpu.yield
    }) : () -> ()
    return
  }
}

#map = affine_map<(d0, d1) -> (0, 0)>
#map1 = affine_map<(d0, d1) -> (0, 0, 0)>
module attributes {stable_mosaic.version = 14 : i64} {
  func.func @_sc_agg_body(%arg0: i32, %arg1: i32, %arg2: memref<20000x128xf32, #tpu.memory_space<hbm>>, %arg3: memref<2x1280x128xi32, #tpu.memory_space<hbm>>, %arg4: memref<1280x128xi32, #tpu.memory_space<hbm>>, %arg5: memref<10112x128xf32, #tpu.memory_space<hbm>>, %arg6: memref<2x10112x128xf32, #tpu.memory_space<hbm>>, %arg7: memref<40x128xi32, #tpu.memory_space<vmem>>, %arg8: memref<40x128xi32, #tpu.memory_space<vmem>>, %arg9: memref<2x128x128xf32, #tpu.memory_space<vmem>>, %arg10: memref<10112x128xf32, #tpu.memory_space<vmem_shared>>, %arg11: memref<!tpu.dma_semaphore, #tpu.memory_space<semaphore_mem>>, %arg12: memref<!tpu.dma_semaphore, #tpu.memory_space<semaphore_mem>>) attributes {dimension_semantics = [#tpu.dimension_semantics<core_parallel>, #tpu.dimension_semantics<subcore_parallel>], iteration_bounds = array<i64: 2, 16>, scalar_prefetch = 0 : i64, scratch_operands = 6 : i64, tpu.core_type = #tpu.core_type<sc_vector_subcore>, window_params = [{transform_indices = #map}, {transform_indices = #map1}, {transform_indices = #map}, {transform_indices = #map}, {transform_indices = #map1}]} {
    %mul3A = arith.constant 632 : i32
    %mul3A_0 = arith.muli %arg1, %mul3A : i32
    %mul3A_1 = arith.constant 632 : i32
    %mul3A_2 = arith.muli %arg1, %mul3A_1 : i32
    "tpu.region"() ({
      %run_scoped3A = tpu.sem_alloc : memref<!tpu.dma_semaphore, #tpu.memory_space<semaphore_mem>>
      %dma_start3A_71 = arith.constant 0 : i32
      %dma_start3A_72 = tpu.memref_slice %arg10[%mul3A_2, %dma_start3A_71] : memref<10112x128xf32, #tpu.memory_space<vmem_shared>> -> memref<632x128xf32, #tpu.memory_space<vmem_shared>>
      %dma_start3A_73 = arith.constant 0 : i32
      %dma_start3A_74 = tpu.memref_slice %arg5[%mul3A_0, %dma_start3A_73] : memref<10112x128xf32, #tpu.memory_space<hbm>> -> memref<632x128xf32, #tpu.memory_space<hbm>>
      tpu.enqueue_dma source(%dma_start3A_74 : memref<632x128xf32, #tpu.memory_space<hbm>>) target(%dma_start3A_72 : memref<632x128xf32, #tpu.memory_space<vmem_shared>>) target_semaphore(%run_scoped3A : memref<!tpu.dma_semaphore, #tpu.memory_space<semaphore_mem>>)
      %dma_wait3A = arith.constant 0 : i32
      %dma_wait3A_75 = tpu.memref_slice %arg10[%mul3A_2, %dma_wait3A] : memref<10112x128xf32, #tpu.memory_space<vmem_shared>> -> memref<632x128xf32, #tpu.memory_space<vmem_shared>>
      %dma_wait3A_76 = arith.constant 0 : i32
      %dma_wait3A_77 = tpu.memref_slice %arg5[%mul3A_0, %dma_wait3A_76] : memref<10112x128xf32, #tpu.memory_space<hbm>> -> memref<632x128xf32, #tpu.memory_space<hbm>>
      tpu.wait_dma2 semaphore(%run_scoped3A : memref<!tpu.dma_semaphore, #tpu.memory_space<semaphore_mem>>) src(%dma_wait3A_77 : memref<632x128xf32, #tpu.memory_space<hbm>>) dst(%dma_wait3A_75 : memref<632x128xf32, #tpu.memory_space<vmem_shared>>)
      tpu.yield
    }) : () -> ()
    %mul3A_3 = arith.constant 80 : i32
    %mul3A_4 = arith.muli %arg1, %mul3A_3 : i32
    %barrier3A = arith.constant 0 : index
    tpu.barrier barrier_id(%barrier3A)
    %add3A = arith.constant 0 : i32
    %add3A_5 = arith.addi %mul3A_4, %add3A : i32
    "tpu.region"() ({
      %run_scoped3A = tpu.sem_alloc : memref<!tpu.dma_semaphore, #tpu.memory_space<semaphore_mem>>
      %dma_start3A_71 = arith.constant 0 : i32
      %dma_start3A_72 = tpu.memref_slice %arg3[%arg0, %add3A_5, %dma_start3A_71] : memref<2x1280x128xi32, #tpu.memory_space<hbm>> -> memref<1x40x128xi32, #tpu.memory_space<hbm>>
      %dma_start3A_73 = tpu.memref_squeeze %dma_start3A_72 : memref<1x40x128xi32, #tpu.memory_space<hbm>> -> memref<40x128xi32, #tpu.memory_space<hbm>>
      %dma_start3A_74 = arith.constant 0 : i32
      %dma_start3A_75 = tpu.memref_slice %arg3[%arg0, %add3A_5, %dma_start3A_74] : memref<2x1280x128xi32, #tpu.memory_space<hbm>> -> memref<1x40x128xi32, #tpu.memory_space<hbm>>
      %dma_start3A_76 = tpu.memref_squeeze %dma_start3A_75 : memref<1x40x128xi32, #tpu.memory_space<hbm>> -> memref<40x128xi32, #tpu.memory_space<hbm>>
      tpu.enqueue_dma source(%dma_start3A_76 : memref<40x128xi32, #tpu.memory_space<hbm>>) target(%arg7 : memref<40x128xi32, #tpu.memory_space<vmem>>) target_semaphore(%run_scoped3A : memref<!tpu.dma_semaphore, #tpu.memory_space<semaphore_mem>>)
      %dma_wait3A = arith.constant 0 : i32
      %dma_wait3A_77 = tpu.memref_slice %arg3[%arg0, %add3A_5, %dma_wait3A] : memref<2x1280x128xi32, #tpu.memory_space<hbm>> -> memref<1x40x128xi32, #tpu.memory_space<hbm>>
      %dma_wait3A_78 = tpu.memref_squeeze %dma_wait3A_77 : memref<1x40x128xi32, #tpu.memory_space<hbm>> -> memref<40x128xi32, #tpu.memory_space<hbm>>
      %dma_wait3A_79 = arith.constant 0 : i32
      %dma_wait3A_80 = tpu.memref_slice %arg3[%arg0, %add3A_5, %dma_wait3A_79] : memref<2x1280x128xi32, #tpu.memory_space<hbm>> -> memref<1x40x128xi32, #tpu.memory_space<hbm>>
      %dma_wait3A_81 = tpu.memref_squeeze %dma_wait3A_80 : memref<1x40x128xi32, #tpu.memory_space<hbm>> -> memref<40x128xi32, #tpu.memory_space<hbm>>
      tpu.wait_dma2 semaphore(%run_scoped3A : memref<!tpu.dma_semaphore, #tpu.memory_space<semaphore_mem>>) src(%dma_wait3A_81 : memref<40x128xi32, #tpu.memory_space<hbm>>) dst(%arg7 : memref<40x128xi32, #tpu.memory_space<vmem>>)
      tpu.yield
    }) : () -> ()
    "tpu.region"() ({
      %run_scoped3A = tpu.sem_alloc : memref<!tpu.dma_semaphore, #tpu.memory_space<semaphore_mem>>
      %dma_start3A_71 = arith.constant 0 : i32
      %dma_start3A_72 = tpu.memref_slice %arg4[%add3A_5, %dma_start3A_71] : memref<1280x128xi32, #tpu.memory_space<hbm>> -> memref<40x128xi32, #tpu.memory_space<hbm>>
      %dma_start3A_73 = arith.constant 0 : i32
      %dma_start3A_74 = tpu.memref_slice %arg4[%add3A_5, %dma_start3A_73] : memref<1280x128xi32, #tpu.memory_space<hbm>> -> memref<40x128xi32, #tpu.memory_space<hbm>>
      tpu.enqueue_dma source(%dma_start3A_74 : memref<40x128xi32, #tpu.memory_space<hbm>>) target(%arg8 : memref<40x128xi32, #tpu.memory_space<vmem>>) target_semaphore(%run_scoped3A : memref<!tpu.dma_semaphore, #tpu.memory_space<semaphore_mem>>)
      %dma_wait3A = arith.constant 0 : i32
      %dma_wait3A_75 = tpu.memref_slice %arg4[%add3A_5, %dma_wait3A] : memref<1280x128xi32, #tpu.memory_space<hbm>> -> memref<40x128xi32, #tpu.memory_space<hbm>>
      %dma_wait3A_76 = arith.constant 0 : i32
      %dma_wait3A_77 = tpu.memref_slice %arg4[%add3A_5, %dma_wait3A_76] : memref<1280x128xi32, #tpu.memory_space<hbm>> -> memref<40x128xi32, #tpu.memory_space<hbm>>
      tpu.wait_dma2 semaphore(%run_scoped3A : memref<!tpu.dma_semaphore, #tpu.memory_space<semaphore_mem>>) src(%dma_wait3A_77 : memref<40x128xi32, #tpu.memory_space<hbm>>) dst(%arg8 : memref<40x128xi32, #tpu.memory_space<vmem>>)
      tpu.yield
    }) : () -> ()
    %dma_start3A = arith.constant 0 : i32
    %dma_start3A_6 = arith.constant 0 : i32
    %dma_start3A_7 = arith.constant 0 : i32
    %dma_start3A_8 = arith.constant 0 : i32
    %dma_start3A_9 = tpu.memref_slice %arg9[%dma_start3A_6, %dma_start3A_7, %dma_start3A_8] : memref<2x128x128xf32, #tpu.memory_space<vmem>> -> memref<1x128x128xf32, #tpu.memory_space<vmem>>
    %dma_start3A_10 = tpu.memref_squeeze %dma_start3A_9 : memref<1x128x128xf32, #tpu.memory_space<vmem>> -> memref<128x128xf32, #tpu.memory_space<vmem>>
    %dma_start3A_11 = arith.constant 0 : i32
    %dma_start3A_12 = tpu.memref_slice %arg7[%dma_start3A, %dma_start3A_11] : memref<40x128xi32, #tpu.memory_space<vmem>> -> memref<1x128xi32, #tpu.memory_space<vmem>>
    %dma_start3A_13 = tpu.memref_squeeze %dma_start3A_12 : memref<1x128xi32, #tpu.memory_space<vmem>> -> memref<128xi32, #tpu.memory_space<vmem>>
    %dma_start3A_14 = arith.constant 0 : i32
    %dma_start3A_15 = arith.constant 0 : i32
    %dma_start3A_16 = tpu.memref_slice %arg2[%dma_start3A_14, %dma_start3A_15] : memref<20000x128xf32, #tpu.memory_space<hbm>> -> memref<20000x128xf32, #tpu.memory_space<hbm>>
    tpu.enqueue_indirect_dma source(%dma_start3A_16 : memref<20000x128xf32, #tpu.memory_space<hbm>>) target(%dma_start3A_10 : memref<128x128xf32, #tpu.memory_space<vmem>>) offsets(%dma_start3A_13 : memref<128xi32, #tpu.memory_space<vmem>>) semaphore(%arg11 : memref<!tpu.dma_semaphore, #tpu.memory_space<semaphore_mem>>)
    %dma_start3A_17 = arith.constant 1 : i32
    %dma_start3A_18 = arith.constant 1 : i32
    %dma_start3A_19 = arith.constant 0 : i32
    %dma_start3A_20 = arith.constant 0 : i32
    %dma_start3A_21 = tpu.memref_slice %arg9[%dma_start3A_18, %dma_start3A_19, %dma_start3A_20] : memref<2x128x128xf32, #tpu.memory_space<vmem>> -> memref<1x128x128xf32, #tpu.memory_space<vmem>>
    %dma_start3A_22 = tpu.memref_squeeze %dma_start3A_21 : memref<1x128x128xf32, #tpu.memory_space<vmem>> -> memref<128x128xf32, #tpu.memory_space<vmem>>
    %dma_start3A_23 = arith.constant 0 : i32
    %dma_start3A_24 = tpu.memref_slice %arg7[%dma_start3A_17, %dma_start3A_23] : memref<40x128xi32, #tpu.memory_space<vmem>> -> memref<1x128xi32, #tpu.memory_space<vmem>>
    %dma_start3A_25 = tpu.memref_squeeze %dma_start3A_24 : memref<1x128xi32, #tpu.memory_space<vmem>> -> memref<128xi32, #tpu.memory_space<vmem>>
    %dma_start3A_26 = arith.constant 0 : i32
    %dma_start3A_27 = arith.constant 0 : i32
    %dma_start3A_28 = tpu.memref_slice %arg2[%dma_start3A_26, %dma_start3A_27] : memref<20000x128xf32, #tpu.memory_space<hbm>> -> memref<20000x128xf32, #tpu.memory_space<hbm>>
    tpu.enqueue_indirect_dma source(%dma_start3A_28 : memref<20000x128xf32, #tpu.memory_space<hbm>>) target(%dma_start3A_22 : memref<128x128xf32, #tpu.memory_space<vmem>>) offsets(%dma_start3A_25 : memref<128xi32, #tpu.memory_space<vmem>>) semaphore(%arg12 : memref<!tpu.dma_semaphore, #tpu.memory_space<semaphore_mem>>)
    %scan3A = arith.constant 0 : i32
    %scan3A_29 = arith.constant 0 : i32
    %scan3A_30 = arith.constant 20 : i32
    %scan3A_31 = arith.addi %scan3A_29, %scan3A_30 : i32
    %scan3A_32 = arith.constant 1 : i32
    scf.for %scan3A_71 = %scan3A_29 to %scan3A_31 step %scan3A_32  : i32 {
      %mul3A_72 = arith.constant 2 : i32
      %mul3A_73 = arith.muli %scan3A_71, %mul3A_72 : i32
      %add3A_74 = arith.constant 0 : i32
      %add3A_75 = arith.addi %mul3A_73, %add3A_74 : i32
      %dma_wait3A = arith.constant 0 : i32
      %dma_wait3A_76 = arith.constant 0 : i32
      %dma_wait3A_77 = arith.constant 0 : i32
      %dma_wait3A_78 = tpu.memref_slice %arg9[%dma_wait3A, %dma_wait3A_76, %dma_wait3A_77] : memref<2x128x128xf32, #tpu.memory_space<vmem>> -> memref<1x128x128xf32, #tpu.memory_space<vmem>>
      %dma_wait3A_79 = tpu.memref_squeeze %dma_wait3A_78 : memref<1x128x128xf32, #tpu.memory_space<vmem>> -> memref<128x128xf32, #tpu.memory_space<vmem>>
      %dma_wait3A_80 = arith.constant 0 : i32
      %dma_wait3A_81 = tpu.memref_slice %arg7[%add3A_75, %dma_wait3A_80] : memref<40x128xi32, #tpu.memory_space<vmem>> -> memref<1x128xi32, #tpu.memory_space<vmem>>
      %dma_wait3A_82 = tpu.memref_squeeze %dma_wait3A_81 : memref<1x128xi32, #tpu.memory_space<vmem>> -> memref<128xi32, #tpu.memory_space<vmem>>
      %dma_wait3A_83 = arith.constant 0 : i32
      %dma_wait3A_84 = arith.constant 0 : i32
      %dma_wait3A_85 = tpu.memref_slice %arg2[%dma_wait3A_83, %dma_wait3A_84] : memref<20000x128xf32, #tpu.memory_space<hbm>> -> memref<20000x128xf32, #tpu.memory_space<hbm>>
      tpu.wait_indirect_dma semaphore(%arg11 : memref<!tpu.dma_semaphore, #tpu.memory_space<semaphore_mem>>) src(%dma_wait3A_85 : memref<20000x128xf32, #tpu.memory_space<hbm>>) dst(%dma_wait3A_79 : memref<128x128xf32, #tpu.memory_space<vmem>>)
      %run_scoped3A = arith.constant 0 : i32
      "tpu.region"() ({
        %run_scoped3A_109 = tpu.sem_alloc : memref<!tpu.dma_semaphore, #tpu.memory_space<semaphore_mem>>
        %dma_start3A_110 = arith.constant 0 : i32
        %dma_start3A_111 = arith.constant 0 : i32
        %dma_start3A_112 = tpu.memref_slice %arg9[%run_scoped3A, %dma_start3A_110, %dma_start3A_111] : memref<2x128x128xf32, #tpu.memory_space<vmem>> -> memref<1x128x128xf32, #tpu.memory_space<vmem>>
        %dma_start3A_113 = tpu.memref_squeeze %dma_start3A_112 : memref<1x128x128xf32, #tpu.memory_space<vmem>> -> memref<128x128xf32, #tpu.memory_space<vmem>>
        %dma_start3A_114 = arith.constant 0 : i32
        %dma_start3A_115 = tpu.memref_slice %arg8[%add3A_75, %dma_start3A_114] : memref<40x128xi32, #tpu.memory_space<vmem>> -> memref<1x128xi32, #tpu.memory_space<vmem>>
        %dma_start3A_116 = tpu.memref_squeeze %dma_start3A_115 : memref<1x128xi32, #tpu.memory_space<vmem>> -> memref<128xi32, #tpu.memory_space<vmem>>
        %dma_start3A_117 = arith.constant 0 : i32
        %dma_start3A_118 = arith.constant 0 : i32
        %dma_start3A_119 = tpu.memref_slice %arg10[%dma_start3A_117, %dma_start3A_118] : memref<10112x128xf32, #tpu.memory_space<vmem_shared>> -> memref<10112x128xf32, #tpu.memory_space<vmem_shared>>
        tpu.enqueue_indirect_dma source(%dma_start3A_113 : memref<128x128xf32, #tpu.memory_space<vmem>>) target(%dma_start3A_119 : memref<10112x128xf32, #tpu.memory_space<vmem_shared>>) offsets(%dma_start3A_116 : memref<128xi32, #tpu.memory_space<vmem>>) semaphore(%run_scoped3A_109 : memref<!tpu.dma_semaphore, #tpu.memory_space<semaphore_mem>>) {add = true}
        %dma_wait3A_120 = arith.constant 0 : i32
        %dma_wait3A_121 = arith.constant 0 : i32
        %dma_wait3A_122 = tpu.memref_slice %arg9[%run_scoped3A, %dma_wait3A_120, %dma_wait3A_121] : memref<2x128x128xf32, #tpu.memory_space<vmem>> -> memref<1x128x128xf32, #tpu.memory_space<vmem>>
        %dma_wait3A_123 = tpu.memref_squeeze %dma_wait3A_122 : memref<1x128x128xf32, #tpu.memory_space<vmem>> -> memref<128x128xf32, #tpu.memory_space<vmem>>
        %dma_wait3A_124 = arith.constant 0 : i32
        %dma_wait3A_125 = tpu.memref_slice %arg8[%add3A_75, %dma_wait3A_124] : memref<40x128xi32, #tpu.memory_space<vmem>> -> memref<1x128xi32, #tpu.memory_space<vmem>>
        %dma_wait3A_126 = tpu.memref_squeeze %dma_wait3A_125 : memref<1x128xi32, #tpu.memory_space<vmem>> -> memref<128xi32, #tpu.memory_space<vmem>>
        %dma_wait3A_127 = arith.constant 0 : i32
        %dma_wait3A_128 = arith.constant 0 : i32
        %dma_wait3A_129 = tpu.memref_slice %arg10[%dma_wait3A_127, %dma_wait3A_128] : memref<10112x128xf32, #tpu.memory_space<vmem_shared>> -> memref<10112x128xf32, #tpu.memory_space<vmem_shared>>
        tpu.wait_indirect_dma semaphore(%run_scoped3A_109 : memref<!tpu.dma_semaphore, #tpu.memory_space<semaphore_mem>>) src(%dma_wait3A_123 : memref<128x128xf32, #tpu.memory_space<vmem>>) dst(%dma_wait3A_129 : memref<10112x128xf32, #tpu.memory_space<vmem_shared>>)
        tpu.yield
      }) : () -> ()
      %lt3A = arith.constant 19 : i32
      %lt3A_86 = arith.cmpi slt, %scan3A_71, %lt3A : i32
      %convert_element_type3A = arith.extui %lt3A_86 : i1 to i32
      %cond3A = arith.constant 0 : i32
      %cond3A_87 = arith.cmpi ne, %convert_element_type3A, %cond3A : i32
      scf.if %cond3A_87 {
        %add3A_109 = arith.constant 2 : i32
        %add3A_110 = arith.addi %add3A_75, %add3A_109 : i32
        %dma_start3A_111 = arith.constant 0 : i32
        %dma_start3A_112 = arith.constant 0 : i32
        %dma_start3A_113 = arith.constant 0 : i32
        %dma_start3A_114 = tpu.memref_slice %arg9[%dma_start3A_111, %dma_start3A_112, %dma_start3A_113] : memref<2x128x128xf32, #tpu.memory_space<vmem>> -> memref<1x128x128xf32, #tpu.memory_space<vmem>>
        %dma_start3A_115 = tpu.memref_squeeze %dma_start3A_114 : memref<1x128x128xf32, #tpu.memory_space<vmem>> -> memref<128x128xf32, #tpu.memory_space<vmem>>
        %dma_start3A_116 = arith.constant 0 : i32
        %dma_start3A_117 = tpu.memref_slice %arg7[%add3A_110, %dma_start3A_116] : memref<40x128xi32, #tpu.memory_space<vmem>> -> memref<1x128xi32, #tpu.memory_space<vmem>>
        %dma_start3A_118 = tpu.memref_squeeze %dma_start3A_117 : memref<1x128xi32, #tpu.memory_space<vmem>> -> memref<128xi32, #tpu.memory_space<vmem>>
        %dma_start3A_119 = arith.constant 0 : i32
        %dma_start3A_120 = arith.constant 0 : i32
        %dma_start3A_121 = tpu.memref_slice %arg2[%dma_start3A_119, %dma_start3A_120] : memref<20000x128xf32, #tpu.memory_space<hbm>> -> memref<20000x128xf32, #tpu.memory_space<hbm>>
        tpu.enqueue_indirect_dma source(%dma_start3A_121 : memref<20000x128xf32, #tpu.memory_space<hbm>>) target(%dma_start3A_115 : memref<128x128xf32, #tpu.memory_space<vmem>>) offsets(%dma_start3A_118 : memref<128xi32, #tpu.memory_space<vmem>>) semaphore(%arg11 : memref<!tpu.dma_semaphore, #tpu.memory_space<semaphore_mem>>)
      } else {
      }
      %mul3A_88 = arith.constant 2 : i32
      %mul3A_89 = arith.muli %scan3A_71, %mul3A_88 : i32
      %add3A_90 = arith.constant 1 : i32
      %add3A_91 = arith.addi %mul3A_89, %add3A_90 : i32
      %dma_wait3A_92 = arith.constant 1 : i32
      %dma_wait3A_93 = arith.constant 0 : i32
      %dma_wait3A_94 = arith.constant 0 : i32
      %dma_wait3A_95 = tpu.memref_slice %arg9[%dma_wait3A_92, %dma_wait3A_93, %dma_wait3A_94] : memref<2x128x128xf32, #tpu.memory_space<vmem>> -> memref<1x128x128xf32, #tpu.memory_space<vmem>>
      %dma_wait3A_96 = tpu.memref_squeeze %dma_wait3A_95 : memref<1x128x128xf32, #tpu.memory_space<vmem>> -> memref<128x128xf32, #tpu.memory_space<vmem>>
      %dma_wait3A_97 = arith.constant 0 : i32
      %dma_wait3A_98 = tpu.memref_slice %arg7[%add3A_91, %dma_wait3A_97] : memref<40x128xi32, #tpu.memory_space<vmem>> -> memref<1x128xi32, #tpu.memory_space<vmem>>
      %dma_wait3A_99 = tpu.memref_squeeze %dma_wait3A_98 : memref<1x128xi32, #tpu.memory_space<vmem>> -> memref<128xi32, #tpu.memory_space<vmem>>
      %dma_wait3A_100 = arith.constant 0 : i32
      %dma_wait3A_101 = arith.constant 0 : i32
      %dma_wait3A_102 = tpu.memref_slice %arg2[%dma_wait3A_100, %dma_wait3A_101] : memref<20000x128xf32, #tpu.memory_space<hbm>> -> memref<20000x128xf32, #tpu.memory_space<hbm>>
      tpu.wait_indirect_dma semaphore(%arg12 : memref<!tpu.dma_semaphore, #tpu.memory_space<semaphore_mem>>) src(%dma_wait3A_102 : memref<20000x128xf32, #tpu.memory_space<hbm>>) dst(%dma_wait3A_96 : memref<128x128xf32, #tpu.memory_space<vmem>>)
      %run_scoped3A_103 = arith.constant 1 : i32
      "tpu.region"() ({
        %run_scoped3A_109 = tpu.sem_alloc : memref<!tpu.dma_semaphore, #tpu.memory_space<semaphore_mem>>
        %dma_start3A_110 = arith.constant 0 : i32
        %dma_start3A_111 = arith.constant 0 : i32
        %dma_start3A_112 = tpu.memref_slice %arg9[%run_scoped3A_103, %dma_start3A_110, %dma_start3A_111] : memref<2x128x128xf32, #tpu.memory_space<vmem>> -> memref<1x128x128xf32, #tpu.memory_space<vmem>>
        %dma_start3A_113 = tpu.memref_squeeze %dma_start3A_112 : memref<1x128x128xf32, #tpu.memory_space<vmem>> -> memref<128x128xf32, #tpu.memory_space<vmem>>
        %dma_start3A_114 = arith.constant 0 : i32
        %dma_start3A_115 = tpu.memref_slice %arg8[%add3A_91, %dma_start3A_114] : memref<40x128xi32, #tpu.memory_space<vmem>> -> memref<1x128xi32, #tpu.memory_space<vmem>>
        %dma_start3A_116 = tpu.memref_squeeze %dma_start3A_115 : memref<1x128xi32, #tpu.memory_space<vmem>> -> memref<128xi32, #tpu.memory_space<vmem>>
        %dma_start3A_117 = arith.constant 0 : i32
        %dma_start3A_118 = arith.constant 0 : i32
        %dma_start3A_119 = tpu.memref_slice %arg10[%dma_start3A_117, %dma_start3A_118] : memref<10112x128xf32, #tpu.memory_space<vmem_shared>> -> memref<10112x128xf32, #tpu.memory_space<vmem_shared>>
        tpu.enqueue_indirect_dma source(%dma_start3A_113 : memref<128x128xf32, #tpu.memory_space<vmem>>) target(%dma_start3A_119 : memref<10112x128xf32, #tpu.memory_space<vmem_shared>>) offsets(%dma_start3A_116 : memref<128xi32, #tpu.memory_space<vmem>>) semaphore(%run_scoped3A_109 : memref<!tpu.dma_semaphore, #tpu.memory_space<semaphore_mem>>) {add = true}
        %dma_wait3A_120 = arith.constant 0 : i32
        %dma_wait3A_121 = arith.constant 0 : i32
        %dma_wait3A_122 = tpu.memref_slice %arg9[%run_scoped3A_103, %dma_wait3A_120, %dma_wait3A_121] : memref<2x128x128xf32, #tpu.memory_space<vmem>> -> memref<1x128x128xf32, #tpu.memory_space<vmem>>
        %dma_wait3A_123 = tpu.memref_squeeze %dma_wait3A_122 : memref<1x128x128xf32, #tpu.memory_space<vmem>> -> memref<128x128xf32, #tpu.memory_space<vmem>>
        %dma_wait3A_124 = arith.constant 0 : i32
        %dma_wait3A_125 = tpu.memref_slice %arg8[%add3A_91, %dma_wait3A_124] : memref<40x128xi32, #tpu.memory_space<vmem>> -> memref<1x128xi32, #tpu.memory_space<vmem>>
        %dma_wait3A_126 = tpu.memref_squeeze %dma_wait3A_125 : memref<1x128xi32, #tpu.memory_space<vmem>> -> memref<128xi32, #tpu.memory_space<vmem>>
        %dma_wait3A_127 = arith.constant 0 : i32
        %dma_wait3A_128 = arith.constant 0 : i32
        %dma_wait3A_129 = tpu.memref_slice %arg10[%dma_wait3A_127, %dma_wait3A_128] : memref<10112x128xf32, #tpu.memory_space<vmem_shared>> -> memref<10112x128xf32, #tpu.memory_space<vmem_shared>>
        tpu.wait_indirect_dma semaphore(%run_scoped3A_109 : memref<!tpu.dma_semaphore, #tpu.memory_space<semaphore_mem>>) src(%dma_wait3A_123 : memref<128x128xf32, #tpu.memory_space<vmem>>) dst(%dma_wait3A_129 : memref<10112x128xf32, #tpu.memory_space<vmem_shared>>)
        tpu.yield
      }) : () -> ()
      %lt3A_104 = arith.constant 19 : i32
      %lt3A_105 = arith.cmpi slt, %scan3A_71, %lt3A_104 : i32
      %convert_element_type3A_106 = arith.extui %lt3A_105 : i1 to i32
      %cond3A_107 = arith.constant 0 : i32
      %cond3A_108 = arith.cmpi ne, %convert_element_type3A_106, %cond3A_107 : i32
      scf.if %cond3A_108 {
        %add3A_109 = arith.constant 2 : i32
        %add3A_110 = arith.addi %add3A_91, %add3A_109 : i32
        %dma_start3A_111 = arith.constant 1 : i32
        %dma_start3A_112 = arith.constant 0 : i32
        %dma_start3A_113 = arith.constant 0 : i32
        %dma_start3A_114 = tpu.memref_slice %arg9[%dma_start3A_111, %dma_start3A_112, %dma_start3A_113] : memref<2x128x128xf32, #tpu.memory_space<vmem>> -> memref<1x128x128xf32, #tpu.memory_space<vmem>>
        %dma_start3A_115 = tpu.memref_squeeze %dma_start3A_114 : memref<1x128x128xf32, #tpu.memory_space<vmem>> -> memref<128x128xf32, #tpu.memory_space<vmem>>
        %dma_start3A_116 = arith.constant 0 : i32
        %dma_start3A_117 = tpu.memref_slice %arg7[%add3A_110, %dma_start3A_116] : memref<40x128xi32, #tpu.memory_space<vmem>> -> memref<1x128xi32, #tpu.memory_space<vmem>>
        %dma_start3A_118 = tpu.memref_squeeze %dma_start3A_117 : memref<1x128xi32, #tpu.memory_space<vmem>> -> memref<128xi32, #tpu.memory_space<vmem>>
        %dma_start3A_119 = arith.constant 0 : i32
        %dma_start3A_120 = arith.constant 0 : i32
        %dma_start3A_121 = tpu.memref_slice %arg2[%dma_start3A_119, %dma_start3A_120] : memref<20000x128xf32, #tpu.memory_space<hbm>> -> memref<20000x128xf32, #tpu.memory_space<hbm>>
        tpu.enqueue_indirect_dma source(%dma_start3A_121 : memref<20000x128xf32, #tpu.memory_space<hbm>>) target(%dma_start3A_115 : memref<128x128xf32, #tpu.memory_space<vmem>>) offsets(%dma_start3A_118 : memref<128xi32, #tpu.memory_space<vmem>>) semaphore(%arg12 : memref<!tpu.dma_semaphore, #tpu.memory_space<semaphore_mem>>)
      } else {
      }
    }
    %scan3A_33 = arith.constant 20 : i32
    %add3A_34 = arith.constant 40 : i32
    %add3A_35 = arith.addi %mul3A_4, %add3A_34 : i32
    "tpu.region"() ({
      %run_scoped3A = tpu.sem_alloc : memref<!tpu.dma_semaphore, #tpu.memory_space<semaphore_mem>>
      %dma_start3A_71 = arith.constant 0 : i32
      %dma_start3A_72 = tpu.memref_slice %arg3[%arg0, %add3A_35, %dma_start3A_71] : memref<2x1280x128xi32, #tpu.memory_space<hbm>> -> memref<1x40x128xi32, #tpu.memory_space<hbm>>
      %dma_start3A_73 = tpu.memref_squeeze %dma_start3A_72 : memref<1x40x128xi32, #tpu.memory_space<hbm>> -> memref<40x128xi32, #tpu.memory_space<hbm>>
      %dma_start3A_74 = arith.constant 0 : i32
      %dma_start3A_75 = tpu.memref_slice %arg3[%arg0, %add3A_35, %dma_start3A_74] : memref<2x1280x128xi32, #tpu.memory_space<hbm>> -> memref<1x40x128xi32, #tpu.memory_space<hbm>>
      %dma_start3A_76 = tpu.memref_squeeze %dma_start3A_75 : memref<1x40x128xi32, #tpu.memory_space<hbm>> -> memref<40x128xi32, #tpu.memory_space<hbm>>
      tpu.enqueue_dma source(%dma_start3A_76 : memref<40x128xi32, #tpu.memory_space<hbm>>) target(%arg7 : memref<40x128xi32, #tpu.memory_space<vmem>>) target_semaphore(%run_scoped3A : memref<!tpu.dma_semaphore, #tpu.memory_space<semaphore_mem>>)
      %dma_wait3A = arith.constant 0 : i32
      %dma_wait3A_77 = tpu.memref_slice %arg3[%arg0, %add3A_35, %dma_wait3A] : memref<2x1280x128xi32, #tpu.memory_space<hbm>> -> memref<1x40x128xi32, #tpu.memory_space<hbm>>
      %dma_wait3A_78 = tpu.memref_squeeze %dma_wait3A_77 : memref<1x40x128xi32, #tpu.memory_space<hbm>> -> memref<40x128xi32, #tpu.memory_space<hbm>>
      %dma_wait3A_79 = arith.constant 0 : i32
      %dma_wait3A_80 = tpu.memref_slice %arg3[%arg0, %add3A_35, %dma_wait3A_79] : memref<2x1280x128xi32, #tpu.memory_space<hbm>> -> memref<1x40x128xi32, #tpu.memory_space<hbm>>
      %dma_wait3A_81 = tpu.memref_squeeze %dma_wait3A_80 : memref<1x40x128xi32, #tpu.memory_space<hbm>> -> memref<40x128xi32, #tpu.memory_space<hbm>>
      tpu.wait_dma2 semaphore(%run_scoped3A : memref<!tpu.dma_semaphore, #tpu.memory_space<semaphore_mem>>) src(%dma_wait3A_81 : memref<40x128xi32, #tpu.memory_space<hbm>>) dst(%arg7 : memref<40x128xi32, #tpu.memory_space<vmem>>)
      tpu.yield
    }) : () -> ()
    "tpu.region"() ({
      %run_scoped3A = tpu.sem_alloc : memref<!tpu.dma_semaphore, #tpu.memory_space<semaphore_mem>>
      %dma_start3A_71 = arith.constant 0 : i32
      %dma_start3A_72 = tpu.memref_slice %arg4[%add3A_35, %dma_start3A_71] : memref<1280x128xi32, #tpu.memory_space<hbm>> -> memref<40x128xi32, #tpu.memory_space<hbm>>
      %dma_start3A_73 = arith.constant 0 : i32
      %dma_start3A_74 = tpu.memref_slice %arg4[%add3A_35, %dma_start3A_73] : memref<1280x128xi32, #tpu.memory_space<hbm>> -> memref<40x128xi32, #tpu.memory_space<hbm>>
      tpu.enqueue_dma source(%dma_start3A_74 : memref<40x128xi32, #tpu.memory_space<hbm>>) target(%arg8 : memref<40x128xi32, #tpu.memory_space<vmem>>) target_semaphore(%run_scoped3A : memref<!tpu.dma_semaphore, #tpu.memory_space<semaphore_mem>>)
      %dma_wait3A = arith.constant 0 : i32
      %dma_wait3A_75 = tpu.memref_slice %arg4[%add3A_35, %dma_wait3A] : memref<1280x128xi32, #tpu.memory_space<hbm>> -> memref<40x128xi32, #tpu.memory_space<hbm>>
      %dma_wait3A_76 = arith.constant 0 : i32
      %dma_wait3A_77 = tpu.memref_slice %arg4[%add3A_35, %dma_wait3A_76] : memref<1280x128xi32, #tpu.memory_space<hbm>> -> memref<40x128xi32, #tpu.memory_space<hbm>>
      tpu.wait_dma2 semaphore(%run_scoped3A : memref<!tpu.dma_semaphore, #tpu.memory_space<semaphore_mem>>) src(%dma_wait3A_77 : memref<40x128xi32, #tpu.memory_space<hbm>>) dst(%arg8 : memref<40x128xi32, #tpu.memory_space<vmem>>)
      tpu.yield
    }) : () -> ()
    %dma_start3A_36 = arith.constant 0 : i32
    %dma_start3A_37 = arith.constant 0 : i32
    %dma_start3A_38 = arith.constant 0 : i32
    %dma_start3A_39 = arith.constant 0 : i32
    %dma_start3A_40 = tpu.memref_slice %arg9[%dma_start3A_37, %dma_start3A_38, %dma_start3A_39] : memref<2x128x128xf32, #tpu.memory_space<vmem>> -> memref<1x128x128xf32, #tpu.memory_space<vmem>>
    %dma_start3A_41 = tpu.memref_squeeze %dma_start3A_40 : memref<1x128x128xf32, #tpu.memory_space<vmem>> -> memref<128x128xf32, #tpu.memory_space<vmem>>
    %dma_start3A_42 = arith.constant 0 : i32
    %dma_start3A_43 = tpu.memref_slice %arg7[%dma_start3A_36, %dma_start3A_42] : memref<40x128xi32, #tpu.memory_space<vmem>> -> memref<1x128xi32, #tpu.memory_space<vmem>>
    %dma_start3A_44 = tpu.memref_squeeze %dma_start3A_43 : memref<1x128xi32, #tpu.memory_space<vmem>> -> memref<128xi32, #tpu.memory_space<vmem>>
    %dma_start3A_45 = arith.constant 0 : i32
    %dma_start3A_46 = arith.constant 0 : i32
    %dma_start3A_47 = tpu.memref_slice %arg2[%dma_start3A_45, %dma_start3A_46] : memref<20000x128xf32, #tpu.memory_space<hbm>> -> memref<20000x128xf32, #tpu.memory_space<hbm>>
    tpu.enqueue_indirect_dma source(%dma_start3A_47 : memref<20000x128xf32, #tpu.memory_space<hbm>>) target(%dma_start3A_41 : memref<128x128xf32, #tpu.memory_space<vmem>>) offsets(%dma_start3A_44 : memref<128xi32, #tpu.memory_space<vmem>>) semaphore(%arg11 : memref<!tpu.dma_semaphore, #tpu.memory_space<semaphore_mem>>)
    %dma_start3A_48 = arith.constant 1 : i32
    %dma_start3A_49 = arith.constant 1 : i32
    %dma_start3A_50 = arith.constant 0 : i32
    %dma_start3A_51 = arith.constant 0 : i32
    %dma_start3A_52 = tpu.memref_slice %arg9[%dma_start3A_49, %dma_start3A_50, %dma_start3A_51] : memref<2x128x128xf32, #tpu.memory_space<vmem>> -> memref<1x128x128xf32, #tpu.memory_space<vmem>>
    %dma_start3A_53 = tpu.memref_squeeze %dma_start3A_52 : memref<1x128x128xf32, #tpu.memory_space<vmem>> -> memref<128x128xf32, #tpu.memory_space<vmem>>
    %dma_start3A_54 = arith.constant 0 : i32
    %dma_start3A_55 = tpu.memref_slice %arg7[%dma_start3A_48, %dma_start3A_54] : memref<40x128xi32, #tpu.memory_space<vmem>> -> memref<1x128xi32, #tpu.memory_space<vmem>>
    %dma_start3A_56 = tpu.memref_squeeze %dma_start3A_55 : memref<1x128xi32, #tpu.memory_space<vmem>> -> memref<128xi32, #tpu.memory_space<vmem>>
    %dma_start3A_57 = arith.constant 0 : i32
    %dma_start3A_58 = arith.constant 0 : i32
    %dma_start3A_59 = tpu.memref_slice %arg2[%dma_start3A_57, %dma_start3A_58] : memref<20000x128xf32, #tpu.memory_space<hbm>> -> memref<20000x128xf32, #tpu.memory_space<hbm>>
    tpu.enqueue_indirect_dma source(%dma_start3A_59 : memref<20000x128xf32, #tpu.memory_space<hbm>>) target(%dma_start3A_53 : memref<128x128xf32, #tpu.memory_space<vmem>>) offsets(%dma_start3A_56 : memref<128xi32, #tpu.memory_space<vmem>>) semaphore(%arg12 : memref<!tpu.dma_semaphore, #tpu.memory_space<semaphore_mem>>)
    %scan3A_60 = arith.constant 0 : i32
    %scan3A_61 = arith.constant 0 : i32
    %scan3A_62 = arith.constant 20 : i32
    %scan3A_63 = arith.addi %scan3A_61, %scan3A_62 : i32
    %scan3A_64 = arith.constant 1 : i32
    scf.for %scan3A_71 = %scan3A_61 to %scan3A_63 step %scan3A_64  : i32 {
      %mul3A_72 = arith.constant 2 : i32
      %mul3A_73 = arith.muli %scan3A_71, %mul3A_72 : i32
      %add3A_74 = arith.constant 0 : i32
      %add3A_75 = arith.addi %mul3A_73, %add3A_74 : i32
      %dma_wait3A = arith.constant 0 : i32
      %dma_wait3A_76 = arith.constant 0 : i32
      %dma_wait3A_77 = arith.constant 0 : i32
      %dma_wait3A_78 = tpu.memref_slice %arg9[%dma_wait3A, %dma_wait3A_76, %dma_wait3A_77] : memref<2x128x128xf32, #tpu.memory_space<vmem>> -> memref<1x128x128xf32, #tpu.memory_space<vmem>>
      %dma_wait3A_79 = tpu.memref_squeeze %dma_wait3A_78 : memref<1x128x128xf32, #tpu.memory_space<vmem>> -> memref<128x128xf32, #tpu.memory_space<vmem>>
      %dma_wait3A_80 = arith.constant 0 : i32
      %dma_wait3A_81 = tpu.memref_slice %arg7[%add3A_75, %dma_wait3A_80] : memref<40x128xi32, #tpu.memory_space<vmem>> -> memref<1x128xi32, #tpu.memory_space<vmem>>
      %dma_wait3A_82 = tpu.memref_squeeze %dma_wait3A_81 : memref<1x128xi32, #tpu.memory_space<vmem>> -> memref<128xi32, #tpu.memory_space<vmem>>
      %dma_wait3A_83 = arith.constant 0 : i32
      %dma_wait3A_84 = arith.constant 0 : i32
      %dma_wait3A_85 = tpu.memref_slice %arg2[%dma_wait3A_83, %dma_wait3A_84] : memref<20000x128xf32, #tpu.memory_space<hbm>> -> memref<20000x128xf32, #tpu.memory_space<hbm>>
      tpu.wait_indirect_dma semaphore(%arg11 : memref<!tpu.dma_semaphore, #tpu.memory_space<semaphore_mem>>) src(%dma_wait3A_85 : memref<20000x128xf32, #tpu.memory_space<hbm>>) dst(%dma_wait3A_79 : memref<128x128xf32, #tpu.memory_space<vmem>>)
      %run_scoped3A = arith.constant 0 : i32
      "tpu.region"() ({
        %run_scoped3A_109 = tpu.sem_alloc : memref<!tpu.dma_semaphore, #tpu.memory_space<semaphore_mem>>
        %dma_start3A_110 = arith.constant 0 : i32
        %dma_start3A_111 = arith.constant 0 : i32
        %dma_start3A_112 = tpu.memref_slice %arg9[%run_scoped3A, %dma_start3A_110, %dma_start3A_111] : memref<2x128x128xf32, #tpu.memory_space<vmem>> -> memref<1x128x128xf32, #tpu.memory_space<vmem>>
        %dma_start3A_113 = tpu.memref_squeeze %dma_start3A_112 : memref<1x128x128xf32, #tpu.memory_space<vmem>> -> memref<128x128xf32, #tpu.memory_space<vmem>>
        %dma_start3A_114 = arith.constant 0 : i32
        %dma_start3A_115 = tpu.memref_slice %arg8[%add3A_75, %dma_start3A_114] : memref<40x128xi32, #tpu.memory_space<vmem>> -> memref<1x128xi32, #tpu.memory_space<vmem>>
        %dma_start3A_116 = tpu.memref_squeeze %dma_start3A_115 : memref<1x128xi32, #tpu.memory_space<vmem>> -> memref<128xi32, #tpu.memory_space<vmem>>
        %dma_start3A_117 = arith.constant 0 : i32
        %dma_start3A_118 = arith.constant 0 : i32
        %dma_start3A_119 = tpu.memref_slice %arg10[%dma_start3A_117, %dma_start3A_118] : memref<10112x128xf32, #tpu.memory_space<vmem_shared>> -> memref<10112x128xf32, #tpu.memory_space<vmem_shared>>
        tpu.enqueue_indirect_dma source(%dma_start3A_113 : memref<128x128xf32, #tpu.memory_space<vmem>>) target(%dma_start3A_119 : memref<10112x128xf32, #tpu.memory_space<vmem_shared>>) offsets(%dma_start3A_116 : memref<128xi32, #tpu.memory_space<vmem>>) semaphore(%run_scoped3A_109 : memref<!tpu.dma_semaphore, #tpu.memory_space<semaphore_mem>>) {add = true}
        %dma_wait3A_120 = arith.constant 0 : i32
        %dma_wait3A_121 = arith.constant 0 : i32
        %dma_wait3A_122 = tpu.memref_slice %arg9[%run_scoped3A, %dma_wait3A_120, %dma_wait3A_121] : memref<2x128x128xf32, #tpu.memory_space<vmem>> -> memref<1x128x128xf32, #tpu.memory_space<vmem>>
        %dma_wait3A_123 = tpu.memref_squeeze %dma_wait3A_122 : memref<1x128x128xf32, #tpu.memory_space<vmem>> -> memref<128x128xf32, #tpu.memory_space<vmem>>
        %dma_wait3A_124 = arith.constant 0 : i32
        %dma_wait3A_125 = tpu.memref_slice %arg8[%add3A_75, %dma_wait3A_124] : memref<40x128xi32, #tpu.memory_space<vmem>> -> memref<1x128xi32, #tpu.memory_space<vmem>>
        %dma_wait3A_126 = tpu.memref_squeeze %dma_wait3A_125 : memref<1x128xi32, #tpu.memory_space<vmem>> -> memref<128xi32, #tpu.memory_space<vmem>>
        %dma_wait3A_127 = arith.constant 0 : i32
        %dma_wait3A_128 = arith.constant 0 : i32
        %dma_wait3A_129 = tpu.memref_slice %arg10[%dma_wait3A_127, %dma_wait3A_128] : memref<10112x128xf32, #tpu.memory_space<vmem_shared>> -> memref<10112x128xf32, #tpu.memory_space<vmem_shared>>
        tpu.wait_indirect_dma semaphore(%run_scoped3A_109 : memref<!tpu.dma_semaphore, #tpu.memory_space<semaphore_mem>>) src(%dma_wait3A_123 : memref<128x128xf32, #tpu.memory_space<vmem>>) dst(%dma_wait3A_129 : memref<10112x128xf32, #tpu.memory_space<vmem_shared>>)
        tpu.yield
      }) : () -> ()
      %lt3A = arith.constant 19 : i32
      %lt3A_86 = arith.cmpi slt, %scan3A_71, %lt3A : i32
      %convert_element_type3A = arith.extui %lt3A_86 : i1 to i32
      %cond3A = arith.constant 0 : i32
      %cond3A_87 = arith.cmpi ne, %convert_element_type3A, %cond3A : i32
      scf.if %cond3A_87 {
        %add3A_109 = arith.constant 2 : i32
        %add3A_110 = arith.addi %add3A_75, %add3A_109 : i32
        %dma_start3A_111 = arith.constant 0 : i32
        %dma_start3A_112 = arith.constant 0 : i32
        %dma_start3A_113 = arith.constant 0 : i32
        %dma_start3A_114 = tpu.memref_slice %arg9[%dma_start3A_111, %dma_start3A_112, %dma_start3A_113] : memref<2x128x128xf32, #tpu.memory_space<vmem>> -> memref<1x128x128xf32, #tpu.memory_space<vmem>>
        %dma_start3A_115 = tpu.memref_squeeze %dma_start3A_114 : memref<1x128x128xf32, #tpu.memory_space<vmem>> -> memref<128x128xf32, #tpu.memory_space<vmem>>
        %dma_start3A_116 = arith.constant 0 : i32
        %dma_start3A_117 = tpu.memref_slice %arg7[%add3A_110, %dma_start3A_116] : memref<40x128xi32, #tpu.memory_space<vmem>> -> memref<1x128xi32, #tpu.memory_space<vmem>>
        %dma_start3A_118 = tpu.memref_squeeze %dma_start3A_117 : memref<1x128xi32, #tpu.memory_space<vmem>> -> memref<128xi32, #tpu.memory_space<vmem>>
        %dma_start3A_119 = arith.constant 0 : i32
        %dma_start3A_120 = arith.constant 0 : i32
        %dma_start3A_121 = tpu.memref_slice %arg2[%dma_start3A_119, %dma_start3A_120] : memref<20000x128xf32, #tpu.memory_space<hbm>> -> memref<20000x128xf32, #tpu.memory_space<hbm>>
        tpu.enqueue_indirect_dma source(%dma_start3A_121 : memref<20000x128xf32, #tpu.memory_space<hbm>>) target(%dma_start3A_115 : memref<128x128xf32, #tpu.memory_space<vmem>>) offsets(%dma_start3A_118 : memref<128xi32, #tpu.memory_space<vmem>>) semaphore(%arg11 : memref<!tpu.dma_semaphore, #tpu.memory_space<semaphore_mem>>)
      } else {
      }
      %mul3A_88 = arith.constant 2 : i32
      %mul3A_89 = arith.muli %scan3A_71, %mul3A_88 : i32
      %add3A_90 = arith.constant 1 : i32
      %add3A_91 = arith.addi %mul3A_89, %add3A_90 : i32
      %dma_wait3A_92 = arith.constant 1 : i32
      %dma_wait3A_93 = arith.constant 0 : i32
      %dma_wait3A_94 = arith.constant 0 : i32
      %dma_wait3A_95 = tpu.memref_slice %arg9[%dma_wait3A_92, %dma_wait3A_93, %dma_wait3A_94] : memref<2x128x128xf32, #tpu.memory_space<vmem>> -> memref<1x128x128xf32, #tpu.memory_space<vmem>>
      %dma_wait3A_96 = tpu.memref_squeeze %dma_wait3A_95 : memref<1x128x128xf32, #tpu.memory_space<vmem>> -> memref<128x128xf32, #tpu.memory_space<vmem>>
      %dma_wait3A_97 = arith.constant 0 : i32
      %dma_wait3A_98 = tpu.memref_slice %arg7[%add3A_91, %dma_wait3A_97] : memref<40x128xi32, #tpu.memory_space<vmem>> -> memref<1x128xi32, #tpu.memory_space<vmem>>
      %dma_wait3A_99 = tpu.memref_squeeze %dma_wait3A_98 : memref<1x128xi32, #tpu.memory_space<vmem>> -> memref<128xi32, #tpu.memory_space<vmem>>
      %dma_wait3A_100 = arith.constant 0 : i32
      %dma_wait3A_101 = arith.constant 0 : i32
      %dma_wait3A_102 = tpu.memref_slice %arg2[%dma_wait3A_100, %dma_wait3A_101] : memref<20000x128xf32, #tpu.memory_space<hbm>> -> memref<20000x128xf32, #tpu.memory_space<hbm>>
      tpu.wait_indirect_dma semaphore(%arg12 : memref<!tpu.dma_semaphore, #tpu.memory_space<semaphore_mem>>) src(%dma_wait3A_102 : memref<20000x128xf32, #tpu.memory_space<hbm>>) dst(%dma_wait3A_96 : memref<128x128xf32, #tpu.memory_space<vmem>>)
      %run_scoped3A_103 = arith.constant 1 : i32
      "tpu.region"() ({
        %run_scoped3A_109 = tpu.sem_alloc : memref<!tpu.dma_semaphore, #tpu.memory_space<semaphore_mem>>
        %dma_start3A_110 = arith.constant 0 : i32
        %dma_start3A_111 = arith.constant 0 : i32
        %dma_start3A_112 = tpu.memref_slice %arg9[%run_scoped3A_103, %dma_start3A_110, %dma_start3A_111] : memref<2x128x128xf32, #tpu.memory_space<vmem>> -> memref<1x128x128xf32, #tpu.memory_space<vmem>>
        %dma_start3A_113 = tpu.memref_squeeze %dma_start3A_112 : memref<1x128x128xf32, #tpu.memory_space<vmem>> -> memref<128x128xf32, #tpu.memory_space<vmem>>
        %dma_start3A_114 = arith.constant 0 : i32
        %dma_start3A_115 = tpu.memref_slice %arg8[%add3A_91, %dma_start3A_114] : memref<40x128xi32, #tpu.memory_space<vmem>> -> memref<1x128xi32, #tpu.memory_space<vmem>>
        %dma_start3A_116 = tpu.memref_squeeze %dma_start3A_115 : memref<1x128xi32, #tpu.memory_space<vmem>> -> memref<128xi32, #tpu.memory_space<vmem>>
        %dma_start3A_117 = arith.constant 0 : i32
        %dma_start3A_118 = arith.constant 0 : i32
        %dma_start3A_119 = tpu.memref_slice %arg10[%dma_start3A_117, %dma_start3A_118] : memref<10112x128xf32, #tpu.memory_space<vmem_shared>> -> memref<10112x128xf32, #tpu.memory_space<vmem_shared>>
        tpu.enqueue_indirect_dma source(%dma_start3A_113 : memref<128x128xf32, #tpu.memory_space<vmem>>) target(%dma_start3A_119 : memref<10112x128xf32, #tpu.memory_space<vmem_shared>>) offsets(%dma_start3A_116 : memref<128xi32, #tpu.memory_space<vmem>>) semaphore(%run_scoped3A_109 : memref<!tpu.dma_semaphore, #tpu.memory_space<semaphore_mem>>) {add = true}
        %dma_wait3A_120 = arith.constant 0 : i32
        %dma_wait3A_121 = arith.constant 0 : i32
        %dma_wait3A_122 = tpu.memref_slice %arg9[%run_scoped3A_103, %dma_wait3A_120, %dma_wait3A_121] : memref<2x128x128xf32, #tpu.memory_space<vmem>> -> memref<1x128x128xf32, #tpu.memory_space<vmem>>
        %dma_wait3A_123 = tpu.memref_squeeze %dma_wait3A_122 : memref<1x128x128xf32, #tpu.memory_space<vmem>> -> memref<128x128xf32, #tpu.memory_space<vmem>>
        %dma_wait3A_124 = arith.constant 0 : i32
        %dma_wait3A_125 = tpu.memref_slice %arg8[%add3A_91, %dma_wait3A_124] : memref<40x128xi32, #tpu.memory_space<vmem>> -> memref<1x128xi32, #tpu.memory_space<vmem>>
        %dma_wait3A_126 = tpu.memref_squeeze %dma_wait3A_125 : memref<1x128xi32, #tpu.memory_space<vmem>> -> memref<128xi32, #tpu.memory_space<vmem>>
        %dma_wait3A_127 = arith.constant 0 : i32
        %dma_wait3A_128 = arith.constant 0 : i32
        %dma_wait3A_129 = tpu.memref_slice %arg10[%dma_wait3A_127, %dma_wait3A_128] : memref<10112x128xf32, #tpu.memory_space<vmem_shared>> -> memref<10112x128xf32, #tpu.memory_space<vmem_shared>>
        tpu.wait_indirect_dma semaphore(%run_scoped3A_109 : memref<!tpu.dma_semaphore, #tpu.memory_space<semaphore_mem>>) src(%dma_wait3A_123 : memref<128x128xf32, #tpu.memory_space<vmem>>) dst(%dma_wait3A_129 : memref<10112x128xf32, #tpu.memory_space<vmem_shared>>)
        tpu.yield
      }) : () -> ()
      %lt3A_104 = arith.constant 19 : i32
      %lt3A_105 = arith.cmpi slt, %scan3A_71, %lt3A_104 : i32
      %convert_element_type3A_106 = arith.extui %lt3A_105 : i1 to i32
      %cond3A_107 = arith.constant 0 : i32
      %cond3A_108 = arith.cmpi ne, %convert_element_type3A_106, %cond3A_107 : i32
      scf.if %cond3A_108 {
        %add3A_109 = arith.constant 2 : i32
        %add3A_110 = arith.addi %add3A_91, %add3A_109 : i32
        %dma_start3A_111 = arith.constant 1 : i32
        %dma_start3A_112 = arith.constant 0 : i32
        %dma_start3A_113 = arith.constant 0 : i32
        %dma_start3A_114 = tpu.memref_slice %arg9[%dma_start3A_111, %dma_start3A_112, %dma_start3A_113] : memref<2x128x128xf32, #tpu.memory_space<vmem>> -> memref<1x128x128xf32, #tpu.memory_space<vmem>>
        %dma_start3A_115 = tpu.memref_squeeze %dma_start3A_114 : memref<1x128x128xf32, #tpu.memory_space<vmem>> -> memref<128x128xf32, #tpu.memory_space<vmem>>
        %dma_start3A_116 = arith.constant 0 : i32
        %dma_start3A_117 = tpu.memref_slice %arg7[%add3A_110, %dma_start3A_116] : memref<40x128xi32, #tpu.memory_space<vmem>> -> memref<1x128xi32, #tpu.memory_space<vmem>>
        %dma_start3A_118 = tpu.memref_squeeze %dma_start3A_117 : memref<1x128xi32, #tpu.memory_space<vmem>> -> memref<128xi32, #tpu.memory_space<vmem>>
        %dma_start3A_119 = arith.constant 0 : i32
        %dma_start3A_120 = arith.constant 0 : i32
        %dma_start3A_121 = tpu.memref_slice %arg2[%dma_start3A_119, %dma_start3A_120] : memref<20000x128xf32, #tpu.memory_space<hbm>> -> memref<20000x128xf32, #tpu.memory_space<hbm>>
        tpu.enqueue_indirect_dma source(%dma_start3A_121 : memref<20000x128xf32, #tpu.memory_space<hbm>>) target(%dma_start3A_115 : memref<128x128xf32, #tpu.memory_space<vmem>>) offsets(%dma_start3A_118 : memref<128xi32, #tpu.memory_space<vmem>>) semaphore(%arg12 : memref<!tpu.dma_semaphore, #tpu.memory_space<semaphore_mem>>)
      } else {
      }
    }
    %scan3A_65 = arith.constant 20 : i32
    %barrier3A_66 = arith.constant 0 : index
    tpu.barrier barrier_id(%barrier3A_66)
    %mul3A_67 = arith.constant 632 : i32
    %mul3A_68 = arith.muli %arg1, %mul3A_67 : i32
    %mul3A_69 = arith.constant 632 : i32
    %mul3A_70 = arith.muli %arg1, %mul3A_69 : i32
    "tpu.region"() ({
      %run_scoped3A = tpu.sem_alloc : memref<!tpu.dma_semaphore, #tpu.memory_space<semaphore_mem>>
      %dma_start3A_71 = arith.constant 0 : i32
      %dma_start3A_72 = tpu.memref_slice %arg6[%arg0, %mul3A_70, %dma_start3A_71] : memref<2x10112x128xf32, #tpu.memory_space<hbm>> -> memref<1x632x128xf32, #tpu.memory_space<hbm>>
      %dma_start3A_73 = tpu.memref_squeeze %dma_start3A_72 : memref<1x632x128xf32, #tpu.memory_space<hbm>> -> memref<632x128xf32, #tpu.memory_space<hbm>>
      %dma_start3A_74 = arith.constant 0 : i32
      %dma_start3A_75 = tpu.memref_slice %arg10[%mul3A_68, %dma_start3A_74] : memref<10112x128xf32, #tpu.memory_space<vmem_shared>> -> memref<632x128xf32, #tpu.memory_space<vmem_shared>>
      tpu.enqueue_dma source(%dma_start3A_75 : memref<632x128xf32, #tpu.memory_space<vmem_shared>>) target(%dma_start3A_73 : memref<632x128xf32, #tpu.memory_space<hbm>>) target_semaphore(%run_scoped3A : memref<!tpu.dma_semaphore, #tpu.memory_space<semaphore_mem>>)
      %dma_wait3A = arith.constant 0 : i32
      %dma_wait3A_76 = tpu.memref_slice %arg6[%arg0, %mul3A_70, %dma_wait3A] : memref<2x10112x128xf32, #tpu.memory_space<hbm>> -> memref<1x632x128xf32, #tpu.memory_space<hbm>>
      %dma_wait3A_77 = tpu.memref_squeeze %dma_wait3A_76 : memref<1x632x128xf32, #tpu.memory_space<hbm>> -> memref<632x128xf32, #tpu.memory_space<hbm>>
      %dma_wait3A_78 = arith.constant 0 : i32
      %dma_wait3A_79 = tpu.memref_slice %arg10[%mul3A_68, %dma_wait3A_78] : memref<10112x128xf32, #tpu.memory_space<vmem_shared>> -> memref<632x128xf32, #tpu.memory_space<vmem_shared>>
      tpu.wait_dma2 semaphore(%run_scoped3A : memref<!tpu.dma_semaphore, #tpu.memory_space<semaphore_mem>>) src(%dma_wait3A_79 : memref<632x128xf32, #tpu.memory_space<vmem_shared>>) dst(%dma_wait3A_77 : memref<632x128xf32, #tpu.memory_space<hbm>>)
      tpu.yield
    }) : () -> ()
    return
  }
}

module attributes {stable_mosaic.version = 14 : i64} {
  func.func @_mlp_body(%arg0: i32, %arg1: memref<1000x128xf32, #tpu.memory_space<vmem>>, %arg2: memref<1000x128xf32, #tpu.memory_space<vmem>>, %arg3: memref<1x1000x128xf32, #tpu.memory_space<vmem>>, %arg4: memref<1x1000x128xf32, #tpu.memory_space<vmem>>, %arg5: memref<256x256xf32, #tpu.memory_space<vmem>>, %arg6: memref<1x256xf32, #tpu.memory_space<vmem>>, %arg7: memref<256x256xf32, #tpu.memory_space<vmem>>, %arg8: memref<1x256xf32, #tpu.memory_space<vmem>>, %arg9: memref<1000x128xf32, #tpu.memory_space<vmem>>, %arg10: memref<1000x128xf32, #tpu.memory_space<vmem>>) attributes {dimension_semantics = [#tpu.dimension_semantics<arbitrary>], iteration_bounds = array<i64: 10>, scalar_prefetch = 0 : i64, scratch_operands = 0 : i64, tpu.core_type = #tpu.core_type<tc>, window_params = [{transform_indices = @transform_0, window_bounds = array<i64: 1000, 128>}, {transform_indices = @transform_1, window_bounds = array<i64: 1000, 128>}, {transform_indices = @transform_2, window_bounds = array<i64: 1, 1000, 128>}, {transform_indices = @transform_3, window_bounds = array<i64: 1, 1000, 128>}, {pipeline_mode = #tpu.pipeline_mode<synchronous>, transform_indices = @transform_4, window_bounds = array<i64: 256, 256>}, {pipeline_mode = #tpu.pipeline_mode<synchronous>, transform_indices = @transform_5, window_bounds = array<i64: 1, 256>}, {pipeline_mode = #tpu.pipeline_mode<synchronous>, transform_indices = @transform_6, window_bounds = array<i64: 256, 256>}, {pipeline_mode = #tpu.pipeline_mode<synchronous>, transform_indices = @transform_7, window_bounds = array<i64: 1, 256>}, {transform_indices = @transform_8, window_bounds = array<i64: 1000, 128>}, {transform_indices = @transform_9, window_bounds = array<i64: 1000, 128>}]} {
    %get3A = arith.constant 0 : index
    %get3A_0 = arith.constant 0 : index
    %get3A_1 = vector.load %arg1[%get3A, %get3A_0] : memref<1000x128xf32, #tpu.memory_space<vmem>>, vector<1000x128xf32>
    %get3A_2 = arith.constant 0 : index
    %get3A_3 = arith.constant 0 : index
    %get3A_4 = vector.load %arg2[%get3A_2, %get3A_3] : memref<1000x128xf32, #tpu.memory_space<vmem>>, vector<1000x128xf32>
    %get3A_5 = arith.constant 0 : index
    %get3A_6 = arith.constant 0 : index
    %get3A_7 = arith.constant 0 : index
    %get3A_8 = vector.load %arg3[%get3A_5, %get3A_6, %get3A_7] : memref<1x1000x128xf32, #tpu.memory_space<vmem>>, vector<1x1000x128xf32>
    %get3A_9 = vector.shape_cast %get3A_8 : vector<1x1000x128xf32> to vector<1000x128xf32>
    %get3A_10 = arith.constant 0 : index
    %get3A_11 = arith.constant 0 : index
    %get3A_12 = arith.constant 0 : index
    %get3A_13 = vector.load %arg4[%get3A_10, %get3A_11, %get3A_12] : memref<1x1000x128xf32, #tpu.memory_space<vmem>>, vector<1x1000x128xf32>
    %get3A_14 = vector.shape_cast %get3A_13 : vector<1x1000x128xf32> to vector<1000x128xf32>
    %add3A = arith.addf %get3A_1, %get3A_9 : vector<1000x128xf32>
    %add3A_15 = arith.addf %get3A_4, %get3A_14 : vector<1000x128xf32>
    %concatenate3A = tpu.concatenate %add3A, %add3A_15 in 1 : vector<1000x128xf32>, vector<1000x128xf32> -> vector<1000x256xf32>
    %get3A_16 = arith.constant 0 : index
    %get3A_17 = arith.constant 0 : index
    %get3A_18 = vector.load %arg5[%get3A_16, %get3A_17] : memref<256x256xf32, #tpu.memory_space<vmem>>, vector<256x256xf32>
    %dot_general3A = arith.constant dense<0.000000e+00> : vector<1000x256xf32>
    %dot_general3A_19 = tpu.matmul %concatenate3A, %get3A_18, %dot_general3A {dimension_numbers = #tpu.dot_dimension_numbers<[1], [0], [0], [1], [0, 0, 1, 1], [], []>, transpose_lhs_hint = false} : vector<1000x256xf32>, vector<256x256xf32>, vector<1000x256xf32> -> vector<1000x256xf32>
    %get3A_20 = arith.constant 0 : index
    %get3A_21 = arith.constant 0 : index
    %get3A_22 = vector.load %arg6[%get3A_20, %get3A_21] : memref<1x256xf32, #tpu.memory_space<vmem>>, vector<1x256xf32>
    %add3A_23 = vector.broadcast %get3A_22 : vector<1x256xf32> to vector<1000x256xf32>
    %add3A_24 = arith.addf %dot_general3A_19, %add3A_23 : vector<1000x256xf32>
    %max3A = arith.constant 0.000000e+00 : f32
    %max3A_25 = vector.broadcast %max3A : f32 to vector<1000x256xf32>
    %max3A_26 = arith.maximumf %add3A_24, %max3A_25 : vector<1000x256xf32>
    %get3A_27 = arith.constant 0 : index
    %get3A_28 = arith.constant 0 : index
    %get3A_29 = vector.load %arg7[%get3A_27, %get3A_28] : memref<256x256xf32, #tpu.memory_space<vmem>>, vector<256x256xf32>
    %dot_general3A_30 = arith.constant dense<0.000000e+00> : vector<1000x256xf32>
    %dot_general3A_31 = tpu.matmul %max3A_26, %get3A_29, %dot_general3A_30 {dimension_numbers = #tpu.dot_dimension_numbers<[1], [0], [0], [1], [0, 0, 1, 1], [], []>, transpose_lhs_hint = false} : vector<1000x256xf32>, vector<256x256xf32>, vector<1000x256xf32> -> vector<1000x256xf32>
    %get3A_32 = arith.constant 0 : index
    %get3A_33 = arith.constant 0 : index
    %get3A_34 = vector.load %arg8[%get3A_32, %get3A_33] : memref<1x256xf32, #tpu.memory_space<vmem>>, vector<1x256xf32>
    %add3A_35 = vector.broadcast %get3A_34 : vector<1x256xf32> to vector<1000x256xf32>
    %add3A_36 = arith.addf %dot_general3A_31, %add3A_35 : vector<1000x256xf32>
    %max3A_37 = arith.constant 0.000000e+00 : f32
    %max3A_38 = vector.broadcast %max3A_37 : f32 to vector<1000x256xf32>
    %max3A_39 = arith.maximumf %add3A_36, %max3A_38 : vector<1000x256xf32>
    %slice3A = vector.extract_strided_slice %max3A_39 {offsets = [0, 0], sizes = [1000, 128], strides = [1, 1]} : vector<1000x256xf32> to vector<1000x128xf32>
    %swap3A = arith.constant 0 : index
    %swap3A_40 = arith.constant 0 : index
    %swap3A_41 = vector.load %arg9[%swap3A, %swap3A_40] : memref<1000x128xf32, #tpu.memory_space<vmem>>, vector<1000x128xf32>
    tpu.vector_store %arg9[%swap3A, %swap3A_40], %slice3A {strides = array<i32>} : memref<1000x128xf32, #tpu.memory_space<vmem>>, vector<1000x128xf32>,
    %slice3A_42 = vector.extract_strided_slice %max3A_39 {offsets = [0, 128], sizes = [1000, 128], strides = [1, 1]} : vector<1000x256xf32> to vector<1000x128xf32>
    %swap3A_43 = arith.constant 0 : index
    %swap3A_44 = arith.constant 0 : index
    %swap3A_45 = vector.load %arg10[%swap3A_43, %swap3A_44] : memref<1000x128xf32, #tpu.memory_space<vmem>>, vector<1000x128xf32>
    tpu.vector_store %arg10[%swap3A_43, %swap3A_44], %slice3A_42 {strides = array<i32>} : memref<1000x128xf32, #tpu.memory_space<vmem>>, vector<1000x128xf32>,
    return
  }
  func.func @transform_0(%arg0: i32) -> (i32, i32) {
    %c0_i32 = arith.constant 0 : i32
    %c0_i32_0 = arith.constant 0 : i32
    return %arg0, %c0_i32 : i32, i32
  }
  func.func @transform_1(%arg0: i32) -> (i32, i32) {
    %c1_i32 = arith.constant 1 : i32
    %c0_i32 = arith.constant 0 : i32
    return %arg0, %c1_i32 : i32, i32
  }
  func.func @transform_2(%arg0: i32) -> (i32, i32, i32) {
    %c0_i32 = arith.constant 0 : i32
    %c0_i32_0 = arith.constant 0 : i32
    %c0_i32_1 = arith.constant 0 : i32
    return %c0_i32, %arg0, %c0_i32_0 : i32, i32, i32
  }
  func.func @transform_3(%arg0: i32) -> (i32, i32, i32) {
    %c1_i32 = arith.constant 1 : i32
    %c0_i32 = arith.constant 0 : i32
    %c0_i32_0 = arith.constant 0 : i32
    return %c1_i32, %arg0, %c0_i32 : i32, i32, i32
  }
  func.func @transform_4(%arg0: i32) -> (i32, i32) {
    %c0_i32 = arith.constant 0 : i32
    %c0_i32_0 = arith.constant 0 : i32
    %c0_i32_1 = arith.constant 0 : i32
    return %c0_i32, %c0_i32_0 : i32, i32
  }
  func.func @transform_5(%arg0: i32) -> (i32, i32) {
    %c0_i32 = arith.constant 0 : i32
    %c0_i32_0 = arith.constant 0 : i32
    %c0_i32_1 = arith.constant 0 : i32
    return %c0_i32, %c0_i32_0 : i32, i32
  }
  func.func @transform_6(%arg0: i32) -> (i32, i32) {
    %c0_i32 = arith.constant 0 : i32
    %c0_i32_0 = arith.constant 0 : i32
    %c0_i32_1 = arith.constant 0 : i32
    return %c0_i32, %c0_i32_0 : i32, i32
  }
  func.func @transform_7(%arg0: i32) -> (i32, i32) {
    %c0_i32 = arith.constant 0 : i32
    %c0_i32_0 = arith.constant 0 : i32
    %c0_i32_1 = arith.constant 0 : i32
    return %c0_i32, %c0_i32_0 : i32, i32
  }
  func.func @transform_8(%arg0: i32) -> (i32, i32) {
    %c0_i32 = arith.constant 0 : i32
    %c0_i32_0 = arith.constant 0 : i32
    return %arg0, %c0_i32 : i32, i32
  }
  func.func @transform_9(%arg0: i32) -> (i32, i32) {
    %c0_i32 = arith.constant 0 : i32
    %c0_i32_0 = arith.constant 0 : i32
    return %arg0, %c0_i32 : i32, i32
  }
}

module attributes {stable_mosaic.version = 14 : i64} {
  func.func @_mlp_body(%arg0: i32, %arg1: memref<1000x128xf32, #tpu.memory_space<vmem>>, %arg2: memref<1000x128xf32, #tpu.memory_space<vmem>>, %arg3: memref<1x1000x128xf32, #tpu.memory_space<vmem>>, %arg4: memref<1x1000x128xf32, #tpu.memory_space<vmem>>, %arg5: memref<256x256xf32, #tpu.memory_space<vmem>>, %arg6: memref<1x256xf32, #tpu.memory_space<vmem>>, %arg7: memref<256x256xf32, #tpu.memory_space<vmem>>, %arg8: memref<1x256xf32, #tpu.memory_space<vmem>>, %arg9: memref<1000x128xf32, #tpu.memory_space<vmem>>, %arg10: memref<1000x128xf32, #tpu.memory_space<vmem>>) attributes {dimension_semantics = [#tpu.dimension_semantics<arbitrary>], iteration_bounds = array<i64: 10>, scalar_prefetch = 0 : i64, scratch_operands = 0 : i64, tpu.core_type = #tpu.core_type<tc>, window_params = [{transform_indices = @transform_0, window_bounds = array<i64: 1000, 128>}, {transform_indices = @transform_1, window_bounds = array<i64: 1000, 128>}, {transform_indices = @transform_2, window_bounds = array<i64: 1, 1000, 128>}, {transform_indices = @transform_3, window_bounds = array<i64: 1, 1000, 128>}, {pipeline_mode = #tpu.pipeline_mode<synchronous>, transform_indices = @transform_4, window_bounds = array<i64: 256, 256>}, {pipeline_mode = #tpu.pipeline_mode<synchronous>, transform_indices = @transform_5, window_bounds = array<i64: 1, 256>}, {pipeline_mode = #tpu.pipeline_mode<synchronous>, transform_indices = @transform_6, window_bounds = array<i64: 256, 256>}, {pipeline_mode = #tpu.pipeline_mode<synchronous>, transform_indices = @transform_7, window_bounds = array<i64: 1, 256>}, {transform_indices = @transform_8, window_bounds = array<i64: 1000, 128>}, {transform_indices = @transform_9, window_bounds = array<i64: 1000, 128>}]} {
    %get3A = arith.constant 0 : index
    %get3A_0 = arith.constant 0 : index
    %get3A_1 = vector.load %arg1[%get3A, %get3A_0] : memref<1000x128xf32, #tpu.memory_space<vmem>>, vector<1000x128xf32>
    %get3A_2 = arith.constant 0 : index
    %get3A_3 = arith.constant 0 : index
    %get3A_4 = vector.load %arg2[%get3A_2, %get3A_3] : memref<1000x128xf32, #tpu.memory_space<vmem>>, vector<1000x128xf32>
    %get3A_5 = arith.constant 0 : index
    %get3A_6 = arith.constant 0 : index
    %get3A_7 = arith.constant 0 : index
    %get3A_8 = vector.load %arg3[%get3A_5, %get3A_6, %get3A_7] : memref<1x1000x128xf32, #tpu.memory_space<vmem>>, vector<1x1000x128xf32>
    %get3A_9 = vector.shape_cast %get3A_8 : vector<1x1000x128xf32> to vector<1000x128xf32>
    %get3A_10 = arith.constant 0 : index
    %get3A_11 = arith.constant 0 : index
    %get3A_12 = arith.constant 0 : index
    %get3A_13 = vector.load %arg4[%get3A_10, %get3A_11, %get3A_12] : memref<1x1000x128xf32, #tpu.memory_space<vmem>>, vector<1x1000x128xf32>
    %get3A_14 = vector.shape_cast %get3A_13 : vector<1x1000x128xf32> to vector<1000x128xf32>
    %add3A = arith.addf %get3A_1, %get3A_9 : vector<1000x128xf32>
    %add3A_15 = arith.addf %get3A_4, %get3A_14 : vector<1000x128xf32>
    %concatenate3A = tpu.concatenate %add3A, %add3A_15 in 1 : vector<1000x128xf32>, vector<1000x128xf32> -> vector<1000x256xf32>
    %get3A_16 = arith.constant 0 : index
    %get3A_17 = arith.constant 0 : index
    %get3A_18 = vector.load %arg5[%get3A_16, %get3A_17] : memref<256x256xf32, #tpu.memory_space<vmem>>, vector<256x256xf32>
    %dot_general3A = arith.constant dense<0.000000e+00> : vector<1000x256xf32>
    %dot_general3A_19 = tpu.matmul %concatenate3A, %get3A_18, %dot_general3A {dimension_numbers = #tpu.dot_dimension_numbers<[1], [0], [0], [1], [0, 0, 1, 1], [], []>, transpose_lhs_hint = false} : vector<1000x256xf32>, vector<256x256xf32>, vector<1000x256xf32> -> vector<1000x256xf32>
    %get3A_20 = arith.constant 0 : index
    %get3A_21 = arith.constant 0 : index
    %get3A_22 = vector.load %arg6[%get3A_20, %get3A_21] : memref<1x256xf32, #tpu.memory_space<vmem>>, vector<1x256xf32>
    %add3A_23 = vector.broadcast %get3A_22 : vector<1x256xf32> to vector<1000x256xf32>
    %add3A_24 = arith.addf %dot_general3A_19, %add3A_23 : vector<1000x256xf32>
    %max3A = arith.constant 0.000000e+00 : f32
    %max3A_25 = vector.broadcast %max3A : f32 to vector<1000x256xf32>
    %max3A_26 = arith.maximumf %add3A_24, %max3A_25 : vector<1000x256xf32>
    %get3A_27 = arith.constant 0 : index
    %get3A_28 = arith.constant 0 : index
    %get3A_29 = vector.load %arg7[%get3A_27, %get3A_28] : memref<256x256xf32, #tpu.memory_space<vmem>>, vector<256x256xf32>
    %dot_general3A_30 = arith.constant dense<0.000000e+00> : vector<1000x256xf32>
    %dot_general3A_31 = tpu.matmul %max3A_26, %get3A_29, %dot_general3A_30 {dimension_numbers = #tpu.dot_dimension_numbers<[1], [0], [0], [1], [0, 0, 1, 1], [], []>, transpose_lhs_hint = false} : vector<1000x256xf32>, vector<256x256xf32>, vector<1000x256xf32> -> vector<1000x256xf32>
    %get3A_32 = arith.constant 0 : index
    %get3A_33 = arith.constant 0 : index
    %get3A_34 = vector.load %arg8[%get3A_32, %get3A_33] : memref<1x256xf32, #tpu.memory_space<vmem>>, vector<1x256xf32>
    %add3A_35 = vector.broadcast %get3A_34 : vector<1x256xf32> to vector<1000x256xf32>
    %add3A_36 = arith.addf %dot_general3A_31, %add3A_35 : vector<1000x256xf32>
    %max3A_37 = arith.constant 0.000000e+00 : f32
    %max3A_38 = vector.broadcast %max3A_37 : f32 to vector<1000x256xf32>
    %max3A_39 = arith.maximumf %add3A_36, %max3A_38 : vector<1000x256xf32>
    %slice3A = vector.extract_strided_slice %max3A_39 {offsets = [0, 0], sizes = [1000, 128], strides = [1, 1]} : vector<1000x256xf32> to vector<1000x128xf32>
    %swap3A = arith.constant 0 : index
    %swap3A_40 = arith.constant 0 : index
    %swap3A_41 = vector.load %arg9[%swap3A, %swap3A_40] : memref<1000x128xf32, #tpu.memory_space<vmem>>, vector<1000x128xf32>
    tpu.vector_store %arg9[%swap3A, %swap3A_40], %slice3A {strides = array<i32>} : memref<1000x128xf32, #tpu.memory_space<vmem>>, vector<1000x128xf32>,
    %slice3A_42 = vector.extract_strided_slice %max3A_39 {offsets = [0, 128], sizes = [1000, 128], strides = [1, 1]} : vector<1000x256xf32> to vector<1000x128xf32>
    %swap3A_43 = arith.constant 0 : index
    %swap3A_44 = arith.constant 0 : index
    %swap3A_45 = vector.load %arg10[%swap3A_43, %swap3A_44] : memref<1000x128xf32, #tpu.memory_space<vmem>>, vector<1000x128xf32>
    tpu.vector_store %arg10[%swap3A_43, %swap3A_44], %slice3A_42 {strides = array<i32>} : memref<1000x128xf32, #tpu.memory_space<vmem>>, vector<1000x128xf32>,
    return
  }
  func.func @transform_0(%arg0: i32) -> (i32, i32) {
    %c0_i32 = arith.constant 0 : i32
    %c0_i32_0 = arith.constant 0 : i32
    return %arg0, %c0_i32 : i32, i32
  }
  func.func @transform_1(%arg0: i32) -> (i32, i32) {
    %c0_i32 = arith.constant 0 : i32
    %c0_i32_0 = arith.constant 0 : i32
    return %arg0, %c0_i32 : i32, i32
  }
  func.func @transform_2(%arg0: i32) -> (i32, i32, i32) {
    %c0_i32 = arith.constant 0 : i32
    %c0_i32_0 = arith.constant 0 : i32
    %c0_i32_1 = arith.constant 0 : i32
    return %c0_i32, %arg0, %c0_i32_0 : i32, i32, i32
  }
  func.func @transform_3(%arg0: i32) -> (i32, i32, i32) {
    %c1_i32 = arith.constant 1 : i32
    %c0_i32 = arith.constant 0 : i32
    %c0_i32_0 = arith.constant 0 : i32
    return %c1_i32, %arg0, %c0_i32 : i32, i32, i32
  }
  func.func @transform_4(%arg0: i32) -> (i32, i32) {
    %c0_i32 = arith.constant 0 : i32
    %c0_i32_0 = arith.constant 0 : i32
    %c0_i32_1 = arith.constant 0 : i32
    return %c0_i32, %c0_i32_0 : i32, i32
  }
  func.func @transform_5(%arg0: i32) -> (i32, i32) {
    %c0_i32 = arith.constant 0 : i32
    %c0_i32_0 = arith.constant 0 : i32
    %c0_i32_1 = arith.constant 0 : i32
    return %c0_i32, %c0_i32_0 : i32, i32
  }
  func.func @transform_6(%arg0: i32) -> (i32, i32) {
    %c0_i32 = arith.constant 0 : i32
    %c0_i32_0 = arith.constant 0 : i32
    %c0_i32_1 = arith.constant 0 : i32
    return %c0_i32, %c0_i32_0 : i32, i32
  }
  func.func @transform_7(%arg0: i32) -> (i32, i32) {
    %c0_i32 = arith.constant 0 : i32
    %c0_i32_0 = arith.constant 0 : i32
    %c0_i32_1 = arith.constant 0 : i32
    return %c0_i32, %c0_i32_0 : i32, i32
  }
  func.func @transform_8(%arg0: i32) -> (i32, i32) {
    %c0_i32 = arith.constant 0 : i32
    %c0_i32_0 = arith.constant 0 : i32
    return %arg0, %c0_i32 : i32, i32
  }
  func.func @transform_9(%arg0: i32) -> (i32, i32) {
    %c0_i32 = arith.constant 0 : i32
    %c0_i32_0 = arith.constant 0 : i32
    return %arg0, %c0_i32 : i32, i32
  }
}

module attributes {stable_mosaic.version = 14 : i64} {
  func.func @_mlp_pool_body(%arg0: i32, %arg1: memref<1000x1xi32, #tpu.memory_space<vmem>>, %arg2: memref<1000x128xf32, #tpu.memory_space<vmem>>, %arg3: memref<1000x128xf32, #tpu.memory_space<vmem>>, %arg4: memref<1x1000x128xf32, #tpu.memory_space<vmem>>, %arg5: memref<1x1000x128xf32, #tpu.memory_space<vmem>>, %arg6: memref<256x256xf32, #tpu.memory_space<vmem>>, %arg7: memref<1x256xf32, #tpu.memory_space<vmem>>, %arg8: memref<256x256xf32, #tpu.memory_space<vmem>>, %arg9: memref<1x256xf32, #tpu.memory_space<vmem>>, %arg10: memref<64x256xf32, #tpu.memory_space<vmem>>, %arg11: memref<64x384xf32, #tpu.memory_space<vmem>>) attributes {dimension_semantics = [#tpu.dimension_semantics<arbitrary>], iteration_bounds = array<i64: 10>, scalar_prefetch = 0 : i64, scratch_operands = 1 : i64, tpu.core_type = #tpu.core_type<tc>, window_params = [{transform_indices = @transform_0, window_bounds = array<i64: 1000, 1>}, {transform_indices = @transform_1, window_bounds = array<i64: 1000, 128>}, {transform_indices = @transform_2, window_bounds = array<i64: 1000, 128>}, {transform_indices = @transform_3, window_bounds = array<i64: 1, 1000, 128>}, {transform_indices = @transform_4, window_bounds = array<i64: 1, 1000, 128>}, {pipeline_mode = #tpu.pipeline_mode<synchronous>, transform_indices = @transform_5, window_bounds = array<i64: 256, 256>}, {pipeline_mode = #tpu.pipeline_mode<synchronous>, transform_indices = @transform_6, window_bounds = array<i64: 1, 256>}, {pipeline_mode = #tpu.pipeline_mode<synchronous>, transform_indices = @transform_7, window_bounds = array<i64: 256, 256>}, {pipeline_mode = #tpu.pipeline_mode<synchronous>, transform_indices = @transform_8, window_bounds = array<i64: 1, 256>}, {pipeline_mode = #tpu.pipeline_mode<synchronous>, transform_indices = @transform_9, window_bounds = array<i64: 64, 256>}]} {
    %eq3A = arith.constant 0 : i32
    %eq3A_0 = arith.cmpi eq, %arg0, %eq3A : i32
    %convert_element_type3A = arith.extui %eq3A_0 : i1 to i32
    %cond3A = arith.constant 0 : i32
    %cond3A_1 = arith.cmpi ne, %convert_element_type3A, %cond3A : i32
    scf.if %cond3A_1 {
      %broadcast_in_dim3A_61 = arith.constant 0.000000e+00 : f32
      %broadcast_in_dim3A_62 = vector.broadcast %broadcast_in_dim3A_61 : f32 to vector<64x384xf32>
      %swap3A_63 = arith.constant 0 : index
      %swap3A_64 = arith.constant 0 : index
      %swap3A_65 = vector.load %arg11[%swap3A_63, %swap3A_64] : memref<64x384xf32, #tpu.memory_space<vmem>>, vector<64x384xf32>
      tpu.vector_store %arg11[%swap3A_63, %swap3A_64], %broadcast_in_dim3A_62 {strides = array<i32>} : memref<64x384xf32, #tpu.memory_space<vmem>>, vector<64x384xf32>,
    } else {
    }
    %get3A = arith.constant 0 : index
    %get3A_2 = arith.constant 0 : index
    %get3A_3 = vector.load %arg2[%get3A, %get3A_2] : memref<1000x128xf32, #tpu.memory_space<vmem>>, vector<1000x128xf32>
    %get3A_4 = arith.constant 0 : index
    %get3A_5 = arith.constant 0 : index
    %get3A_6 = vector.load %arg3[%get3A_4, %get3A_5] : memref<1000x128xf32, #tpu.memory_space<vmem>>, vector<1000x128xf32>
    %get3A_7 = arith.constant 0 : index
    %get3A_8 = arith.constant 0 : index
    %get3A_9 = arith.constant 0 : index
    %get3A_10 = vector.load %arg4[%get3A_7, %get3A_8, %get3A_9] : memref<1x1000x128xf32, #tpu.memory_space<vmem>>, vector<1x1000x128xf32>
    %get3A_11 = vector.shape_cast %get3A_10 : vector<1x1000x128xf32> to vector<1000x128xf32>
    %get3A_12 = arith.constant 0 : index
    %get3A_13 = arith.constant 0 : index
    %get3A_14 = arith.constant 0 : index
    %get3A_15 = vector.load %arg5[%get3A_12, %get3A_13, %get3A_14] : memref<1x1000x128xf32, #tpu.memory_space<vmem>>, vector<1x1000x128xf32>
    %get3A_16 = vector.shape_cast %get3A_15 : vector<1x1000x128xf32> to vector<1000x128xf32>
    %add3A = arith.addf %get3A_3, %get3A_11 : vector<1000x128xf32>
    %add3A_17 = arith.addf %get3A_6, %get3A_16 : vector<1000x128xf32>
    %concatenate3A = tpu.concatenate %add3A, %add3A_17 in 1 : vector<1000x128xf32>, vector<1000x128xf32> -> vector<1000x256xf32>
    %get3A_18 = arith.constant 0 : index
    %get3A_19 = arith.constant 0 : index
    %get3A_20 = vector.load %arg6[%get3A_18, %get3A_19] : memref<256x256xf32, #tpu.memory_space<vmem>>, vector<256x256xf32>
    %dot_general3A = arith.constant dense<0.000000e+00> : vector<1000x256xf32>
    %dot_general3A_21 = tpu.matmul %concatenate3A, %get3A_20, %dot_general3A {dimension_numbers = #tpu.dot_dimension_numbers<[1], [0], [0], [1], [0, 0, 1, 1], [], []>, transpose_lhs_hint = false} : vector<1000x256xf32>, vector<256x256xf32>, vector<1000x256xf32> -> vector<1000x256xf32>
    %get3A_22 = arith.constant 0 : index
    %get3A_23 = arith.constant 0 : index
    %get3A_24 = vector.load %arg7[%get3A_22, %get3A_23] : memref<1x256xf32, #tpu.memory_space<vmem>>, vector<1x256xf32>
    %add3A_25 = vector.broadcast %get3A_24 : vector<1x256xf32> to vector<1000x256xf32>
    %add3A_26 = arith.addf %dot_general3A_21, %add3A_25 : vector<1000x256xf32>
    %max3A = arith.constant 0.000000e+00 : f32
    %max3A_27 = vector.broadcast %max3A : f32 to vector<1000x256xf32>
    %max3A_28 = arith.maximumf %add3A_26, %max3A_27 : vector<1000x256xf32>
    %get3A_29 = arith.constant 0 : index
    %get3A_30 = arith.constant 0 : index
    %get3A_31 = vector.load %arg8[%get3A_29, %get3A_30] : memref<256x256xf32, #tpu.memory_space<vmem>>, vector<256x256xf32>
    %dot_general3A_32 = arith.constant dense<0.000000e+00> : vector<1000x256xf32>
    %dot_general3A_33 = tpu.matmul %max3A_28, %get3A_31, %dot_general3A_32 {dimension_numbers = #tpu.dot_dimension_numbers<[1], [0], [0], [1], [0, 0, 1, 1], [], []>, transpose_lhs_hint = false} : vector<1000x256xf32>, vector<256x256xf32>, vector<1000x256xf32> -> vector<1000x256xf32>
    %get3A_34 = arith.constant 0 : index
    %get3A_35 = arith.constant 0 : index
    %get3A_36 = vector.load %arg9[%get3A_34, %get3A_35] : memref<1x256xf32, #tpu.memory_space<vmem>>, vector<1x256xf32>
    %add3A_37 = vector.broadcast %get3A_36 : vector<1x256xf32> to vector<1000x256xf32>
    %add3A_38 = arith.addf %dot_general3A_33, %add3A_37 : vector<1000x256xf32>
    %get3A_39 = arith.constant 0 : index
    %get3A_40 = arith.constant 0 : index
    %get3A_41 = vector.load %arg1[%get3A_39, %get3A_40] : memref<1000x1xi32, #tpu.memory_space<vmem>>, vector<1000x1xi32>
    %iota3A = tpu.iota {dimensions = array<i32: 1>} : vector<1000x64xi32>
    %eq3A_42 = vector.broadcast %get3A_41 : vector<1000x1xi32> to vector<1000x64xi32>
    %eq3A_43 = arith.cmpi eq, %eq3A_42, %iota3A : vector<1000x64xi32>
    %convert_element_type3A_44 = arith.extui %eq3A_43 : vector<1000x64xi1> to vector<1000x64xi32>
    %convert_element_type3A_45 = arith.sitofp %convert_element_type3A_44 : vector<1000x64xi32> to vector<1000x64xf32>
    %broadcast_in_dim3A = arith.constant 1.000000e+00 : f32
    %broadcast_in_dim3A_46 = vector.broadcast %broadcast_in_dim3A : f32 to vector<1000x128xf32>
    %concatenate3A_47 = tpu.concatenate %add3A_38, %broadcast_in_dim3A_46 in 1 : vector<1000x256xf32>, vector<1000x128xf32> -> vector<1000x384xf32>
    %get3A_48 = arith.constant 0 : index
    %get3A_49 = arith.constant 0 : index
    %get3A_50 = vector.load %arg11[%get3A_48, %get3A_49] : memref<64x384xf32, #tpu.memory_space<vmem>>, vector<64x384xf32>
    %dot_general3A_51 = arith.constant dense<0.000000e+00> : vector<64x384xf32>
    %dot_general3A_52 = tpu.matmul %convert_element_type3A_45, %concatenate3A_47, %dot_general3A_51 {dimension_numbers = #tpu.dot_dimension_numbers<[0], [0], [1], [1], [0, 1, 1, 1], [], []>, transpose_lhs_hint = false} : vector<1000x64xf32>, vector<1000x384xf32>, vector<64x384xf32> -> vector<64x384xf32>
    %add3A_53 = arith.addf %get3A_50, %dot_general3A_52 : vector<64x384xf32>
    %swap3A = arith.constant 0 : index
    %swap3A_54 = arith.constant 0 : index
    %swap3A_55 = vector.load %arg11[%swap3A, %swap3A_54] : memref<64x384xf32, #tpu.memory_space<vmem>>, vector<64x384xf32>
    tpu.vector_store %arg11[%swap3A, %swap3A_54], %add3A_53 {strides = array<i32>} : memref<64x384xf32, #tpu.memory_space<vmem>>, vector<64x384xf32>,
    %eq3A_56 = arith.constant 9 : i32
    %eq3A_57 = arith.cmpi eq, %arg0, %eq3A_56 : i32
    %convert_element_type3A_58 = arith.extui %eq3A_57 : i1 to i32
    %cond3A_59 = arith.constant 0 : i32
    %cond3A_60 = arith.cmpi ne, %convert_element_type3A_58, %cond3A_59 : i32
    scf.if %cond3A_60 {
      %get3A_61 = arith.constant 0 : index
      %get3A_62 = arith.constant 0 : index
      %get3A_63 = vector.load %arg11[%get3A_61, %get3A_62] : memref<64x384xf32, #tpu.memory_space<vmem>>, vector<64x256xf32>
      %get3A_64 = arith.constant 0 : index
      %get3A_65 = arith.constant 256 : index
      %get3A_66 = vector.load %arg11[%get3A_64, %get3A_65] : memref<64x384xf32, #tpu.memory_space<vmem>>, vector<64x1xf32>
      %max3A_67 = arith.constant 1.000000e+00 : f32
      %max3A_68 = vector.broadcast %max3A_67 : f32 to vector<64x1xf32>
      %max3A_69 = arith.maximumf %get3A_66, %max3A_68 : vector<64x1xf32>
      %div3A = vector.broadcast %max3A_69 : vector<64x1xf32> to vector<64x256xf32>
      %div3A_70 = arith.divf %get3A_63, %div3A : vector<64x256xf32>
      %swap3A_71 = arith.constant 0 : index
      %swap3A_72 = arith.constant 0 : index
      %swap3A_73 = vector.load %arg10[%swap3A_71, %swap3A_72] : memref<64x256xf32, #tpu.memory_space<vmem>>, vector<64x256xf32>
      tpu.vector_store %arg10[%swap3A_71, %swap3A_72], %div3A_70 {strides = array<i32>} : memref<64x256xf32, #tpu.memory_space<vmem>>, vector<64x256xf32>,
    } else {
    }
    return
  }
  func.func @transform_0(%arg0: i32) -> (i32, i32) {
    %c0_i32 = arith.constant 0 : i32
    %c0_i32_0 = arith.constant 0 : i32
    return %arg0, %c0_i32 : i32, i32
  }
  func.func @transform_1(%arg0: i32) -> (i32, i32) {
    %c0_i32 = arith.constant 0 : i32
    %c0_i32_0 = arith.constant 0 : i32
    return %arg0, %c0_i32 : i32, i32
  }
  func.func @transform_2(%arg0: i32) -> (i32, i32) {
    %c0_i32 = arith.constant 0 : i32
    %c0_i32_0 = arith.constant 0 : i32
    return %arg0, %c0_i32 : i32, i32
  }
  func.func @transform_3(%arg0: i32) -> (i32, i32, i32) {
    %c0_i32 = arith.constant 0 : i32
    %c0_i32_0 = arith.constant 0 : i32
    %c0_i32_1 = arith.constant 0 : i32
    return %c0_i32, %arg0, %c0_i32_0 : i32, i32, i32
  }
  func.func @transform_4(%arg0: i32) -> (i32, i32, i32) {
    %c1_i32 = arith.constant 1 : i32
    %c0_i32 = arith.constant 0 : i32
    %c0_i32_0 = arith.constant 0 : i32
    return %c1_i32, %arg0, %c0_i32 : i32, i32, i32
  }
  func.func @transform_5(%arg0: i32) -> (i32, i32) {
    %c0_i32 = arith.constant 0 : i32
    %c0_i32_0 = arith.constant 0 : i32
    %c0_i32_1 = arith.constant 0 : i32
    return %c0_i32, %c0_i32_0 : i32, i32
  }
  func.func @transform_6(%arg0: i32) -> (i32, i32) {
    %c0_i32 = arith.constant 0 : i32
    %c0_i32_0 = arith.constant 0 : i32
    %c0_i32_1 = arith.constant 0 : i32
    return %c0_i32, %c0_i32_0 : i32, i32
  }
  func.func @transform_7(%arg0: i32) -> (i32, i32) {
    %c0_i32 = arith.constant 0 : i32
    %c0_i32_0 = arith.constant 0 : i32
    %c0_i32_1 = arith.constant 0 : i32
    return %c0_i32, %c0_i32_0 : i32, i32
  }
  func.func @transform_8(%arg0: i32) -> (i32, i32) {
    %c0_i32 = arith.constant 0 : i32
    %c0_i32_0 = arith.constant 0 : i32
    %c0_i32_1 = arith.constant 0 : i32
    return %c0_i32, %c0_i32_0 : i32, i32
  }
  func.func @transform_9(%arg0: i32) -> (i32, i32) {
    %c0_i32 = arith.constant 0 : i32
    %c0_i32_0 = arith.constant 0 : i32
    %c0_i32_1 = arith.constant 0 : i32
    return %c0_i32, %c0_i32_0 : i32, i32
  }
}

</mosaic_0001>

<sc_bundles>
// kernel: kernel.11.cloned.1.call-start
scs
__scs_entry_jumppad:
0x0: {  	(pc) =	sbr.rel $0x88, $3  }
0x1: {  	(tag) =	ssettag $0x0;
	lr =	simm.s32 $0x1  }
0x2: {  	[smem:$0x3F92] =	sst lr;
	_ =	strace $0xD0000000  }
0x3: {  	_ = 	snop  }
0x4: {  	_ = 	snop  }
0x5: {  	_ = 	snop  }
0x6: {  	_ = 	snop  }
0x7: {  	_ = 	snop  }
__scs_overlays_trampoline_lowered:
0x8: {  	[smem:$0x3FA1] =	sst s0  }
0x9: {  	[smem:$0x3FA2] =	sst s1  }
0xa: {  	[smem:$0x3FA3] =	sst s2  }
0xb: {  	[smem:$0x3FA4] =	sst s3  }
0xc: {  	[smem:$0x3FA5] =	sst s4  }
0xd: {  	[smem:$0x3FA6] =	sst s5  }
0xe: {  	[smem:$0x3FA7] =	sst s6  }
0xf: {  	[smem:$0x3FA8] =	sst s7  }
0x10: {  	[smem:$0x3FA9] =	sst s8  }
0x11: {  	[smem:$0x3FAA] =	sst s9;
	s0 =	simm.s32 @!p0 $0x0  }
0x12: {  	s1 =	sld [smem:$0x3F90];
	s0 =	simm.s32 @p0 $0x1  }
0x13: {  	[smem:$0x3FAB] =	sst s0;
	s0 =	simm.s32 @!p1 $0x0  }
0x14: {  	s2 =	sld [smem:$0x3F8F];
	s0 =	simm.s32 @p1 $0x1  }
0x15: {  	[smem:$0x3FAC] =	sst s0;
	s0 =	simm.s32 @!p2 $0x0  }
0x16: {  	s3 =	sld [smem:$0x3FDB];
	s0 =	simm.s32 @p2 $0x1  }
0x17: {  	s4 =	simm.s32 $0x1BF5;
	[smem:$0x3FAE] =	sst s0  }
0x18: {  	s0 =	sld [smem:$0x3F91];
	_ =	swait.ge [sflag:s4], $0x0  }
0x19: {  	s7 =	sld [smem:$0x3F92]  }
0x1a: {  	s8 =	sadd.s32 $0xFFFFE003, lr  }
0x1b: {  	s9 =	sadd.s32 $0xFFFFFEF7, lr;
	s5 =	simm.s32 $0xFFFFFFFF;
	p2 =	slt.u32 s8, $0xFFFFF086  }
0x1c: {  	p1 =	slt.u32 s9, $0xF7A;
	s5 =	simm.s32 @!p2 $0x0  }
0x1d: {  	s5 =	simm.s32 @p1 $0x1;
	p0 =	seq.s32 s7, s2  }
0x1e: {  	s7 =	smul.u32 @!p0 $0xF7A, s2;
	p2 =	seq.s32 @!p0 s5, $0x0  }
0x1f: {  	s9 =	smul.u32 $0xF7A, s1;
	s8 =	simm.s32 @!p0 $0x1BF5;
	p2 =	por !p2, p0  }
0x20: {  	[sflag:s8] =	ssyncset.s32 @!p0 $0xFFFFF086;
	s6 =	sadd.s32 @!p0 s3, s7;
	s7 =	simm.s32 @!p0 $0x108  }
0x21: {  	s3 =	sadd.s32 s3, s9;
	s6 =	sadd.s32 @!p0 $0x88, s6;
	s7 =	simm.s32 @p2 $0x1082  }
0x22: {  	[simem:s7], [sflag:s8] =	dma.local @!p0 [hbm:s6], $0xF7A  }
0x23: {  	s9 =	sor.u32 $0xD0000000, s2;
	s6 =	simm.s32 $0x108;
	_ =	swait.ge @!p0 [sflag:s8], $0x0  }
0x24: {  	s3 =	sadd.s32 $0x88, s3;
	s6 =	simm.s32 @!p1 $0x1082;
	[sflag:s4] =	ssyncset.s32 $0xFFFFF086  }
0x25: {  	[simem:s6], [sflag:s4] =	dma.local [hbm:s3], $0xF7A  }
0x26: {  	[smem:$0x3F92] =	sst s1;
	(tag) =	ssettag s2;
	_ =	strace s9  }
0x27: {  	s1 =	sld [smem:$0x3FA2]  }
0x28: {  	s2 =	sld [smem:$0x3FA3]  }
0x29: {  	s4 =	sld [smem:$0x3FA5]  }
0x2a: {  	p0 =	seq.s32 s5, $0x0;
	s5 =	sld [smem:$0x3FA6]  }
0x2b: {  	s6 =	sld [smem:$0x3FA7]  }
0x2c: {  	s7 =	sld [smem:$0x3FA8]  }
0x2d: {  	s3 =	simm.s32 $0x108;
	s8 =	sld [smem:$0x3FA9]  }
0x2e: {  	s3 =	simm.s32 @!p0 $0x1082;
	s9 =	sld [smem:$0x3FAA]  }
0x2f: {  	lr =	sadd.s32 s0, s3;
	s0 =	sld [smem:$0x3FA1]  }
0x30: {  	s3 =	sld [smem:$0x3FA4]  }
0x31: {  	[smem:$0x3FAD] =	sst s10  }
0x32: {  	s10 =	sld [smem:$0x3FAB];
	_ =	sdelay $0x3  }
0x33: {  	p0 =	seq.s32 s10, $0x1;
	s10 =	sld [smem:$0x3FAD];
	_ =	sdelay $0x3  }
0x34: {  	[smem:$0x3FAD] =	sst s10  }
0x35: {  	s10 =	sld [smem:$0x3FAC];
	_ =	sdelay $0x3  }
0x36: {  	p1 =	seq.s32 s10, $0x1;
	s10 =	sld [smem:$0x3FAD];
	_ =	sdelay $0x3  }
0x37: {  	[smem:$0x3FAD] =	sst s10  }
0x38: {  	s10 =	sld [smem:$0x3FAE]  }
0x39: {  	_ = 	snop;
	(pc) =	sbr.ind lr, $3  }
0x3a: {  	_ = 	snop  }
0x3b: {  	_ = 	snop  }
0x3c: {  	p2 =	seq.s32 s10, $0x1;
	s10 =	sld [smem:$0x3FAD]  }
0x3d: {  	_ =	shalt  }
0x3e: {  	_ =	shalt  }
0x3f: {  	_ =	shalt  }
0x40: {  	_ =	shalt  }
0x41: {  	_ =	shalt  }
0x42: {  	_ =	shalt  }
0x43: {  	_ =	shalt  }
0x44: {  	_ =	shalt  }
0x45: {  	_ =	shalt  }
0x46: {  	_ =	shalt  }
0x47: {  	_ =	shalt  }
0x48: {  	_ =	shalt  }
0x49: {  	_ =	shalt  }
0x4a: {  	_ =	shalt  }
0x4b: {  	_ =	shalt  }
0x4c: {  	_ =	shalt  }
0x4d: {  	_ =	shalt  }
0x4e: {  	_ =	shalt  }
0x4f: {  	_ =	shalt  }
0x50: {  	_ =	shalt  }
0x51: {  	_ =	shalt  }
0x52: {  	_ =	shalt  }
0x53: {  	_ =	shalt  }
0x54: {  	_ =	shalt  }
0x55: {  	_ =	shalt  }
0x56: {  	_ =	shalt  }
0x57: {  	_ =	shalt  }
0x58: {  	_ =	shalt  }
0x59: {  	_ =	shalt  }
0x5a: {  	_ =	shalt  }
0x5b: {  	_ =	shalt  }
0x5c: {  	_ =	shalt  }
0x5d: {  	_ =	shalt  }
0x5e: {  	_ =	shalt  }
0x5f: {  	_ =	shalt  }
0x60: {  	_ =	shalt  }
0x61: {  	_ =	shalt  }
0x62: {  	_ =	shalt  }
0x63: {  	_ =	shalt  }
0x64: {  	_ =	shalt  }
0x65: {  	_ =	shalt  }
0x66: {  	_ =	shalt  }
0x67: {  	_ =	shalt  }
0x68: {  	_ =	shalt  }
0x69: {  	_ =	shalt  }
0x6a: {  	_ =	shalt  }
0x6b: {  	_ =	shalt  }
0x6c: {  	_ =	shalt  }
0x6d: {  	_ =	shalt  }
0x6e: {  	_ =	shalt  }
0x6f: {  	_ =	shalt  }
0x70: {  	_ =	shalt  }
0x71: {  	_ =	shalt  }
0x72: {  	_ =	shalt  }
0x73: {  	_ =	shalt  }
0x74: {  	_ =	shalt  }
0x75: {  	_ =	shalt  }
0x76: {  	_ =	shalt  }
0x77: {  	_ =	shalt  }
0x78: {  	_ =	shalt  }
0x79: {  	_ =	shalt  }
0x7a: {  	_ =	shalt  }
0x7b: {  	_ =	shalt  }
0x7c: {  	_ =	shalt  }
0x7d: {  	_ =	shalt  }
0x7e: {  	_ =	shalt  }
0x7f: {  	_ =	shalt  }
0x80: {  	_ =	shalt  }
0x81: {  	_ =	shalt  }
0x82: {  	_ =	shalt  }
0x83: {  	_ =	shalt  }
0x84: {  	_ =	shalt  }
0x85: {  	_ =	shalt  }
0x86: {  	_ =	shalt  }
0x87: {  	_ =	shalt  }
.Lfunc_end0:
.L_simem_size_0:
called_computation.1_lowered:
.L_overlay_start_0:
0x88: {  	s2 =	sld [smem:$0x3FD9]  }
0x89: {  	s3 =	sld [smem:$0x3FFE];
	_ =	sdelay $0x1  }
0x8a: {  	s1 =	srdreg.scid  }
0x8b: {  	s0 =	sand.u32 $0x1, s1  }
0x8c: {  	s16 =	sshll.u32 s0, $0xA;
	s2 =	sadd.s32 s3, s2  }
0x8d: {  	s2 =	sadd.s32 s2, s16  }
0x8e: {  	[smem:$0x3FB9] =	sst s2  }
0x8f: {  	_ = 	snop  }
0x90: {  	(tm) =	ssettm $0x1  }
0x91: {  	s17 =	sld [smem:$0x3FFB];
	_ =	sdelay $0x3  }
0x92: {  	_ =	strace s17  }
0x93: {  	s2 =	sld [smem:$0x3FFC];
	_ =	sdelay $0x3  }
0x94: {  	_ =	strace s2  }
0x95: {  	s2 =	sld [smem:$0x3FFD];
	_ =	sdelay $0x3  }
0x96: {  	_ =	strace s2  }
0x97: {  	_ =	strace $0x8FFFFFFF  }
0x98: {  	s18 =	sld [smem:$0x3FDB];
	_ =	sdelay $0x1  }
0x99: {  	s19 =	simm.s32 $_scs_section_size  }
0x9a: {  	s4 =	simm.s32 $_size__tile_overlayer_lowered;
	s5 =	simm.s32 $_tile_overlayer_lowered  }
0x9b: {  	s22 =	simm.s32 $0x1BFF;
	s21 =	sshll.u32 s5, $0x1;
	s2 =	sadd.s32 s19, s18  }
0x9c: {  	s6 =	simm.s32 $0x0;
	s20 =	sshll.u32 s4, $0x1;
	s4 =	sadd.s32 s21, s2  }
0x9d: {  	[timem:s6], [sflag:s22] =	dma.local [hbm:s4], s20  }
0x9e: {  	_ =	swait.ge [sflag:s22], s20  }
0x9f: {  	s3 =	ssub.s32 $0x0, s20;
	[sflag:s22] =	ssyncset.done $0x0  }
0xa0: {  	[sflag:s22] =	ssyncadd.s32 s3;
	_ =	sdelay $0x1  }
0xa1: {  	s23 =	simm.s32 $0x1B8B  }
0xa2: {  	_ =	swait.ge [sflag:s23], $0x1  }
0xa3: {  	[sflag:s23] =	ssyncset.done $0x0  }
0xa4: {  	s25 =	simm.s32 $0x1B8E;
	s24 =	sld [smem:$0x3FFE];
	[sflag:s23] =	ssyncadd.s32 $0xFFFFFFFF  }
0xa5: {  	s26 =	simm.s32 $execute0_lowered;
	[smem:$0x3FD2] =	sst s25  }
0xa6: {  	s4 =	sshll.u32 s26, $0x1;
	_ =	strace $0x80000049;
	[dreg:$0x1] =	wrdreg $0xFFFFFFFF  }
0xa7: {  	s28 =	simm.s32 $_size_execute0_lowered;
	s2 =	sadd.s32 s2, s4;
	[dreg:$0x0] =	wrdreg $0x0  }
0xa8: {  	s4 =	sshll.u32 s28, $0x1;
	[dreg:$0x2] =	wrdreg s2  }
0xa9: {  	[dreg:$0x3] =	wrdreg s4  }
0xaa: {  	[dreg:$0x4] =	wrdreg $0xC0  }
0xab: {  	_ =	task [dreg:s6], $0x5FFFF  }
0xac: {  	[dreg:$0x1] =	wrdreg $0xFFFFFFFF  }
0xad: {  	[dreg:$0x0] =	wrdreg $0x60  }
0xae: {  	[dreg:$0x2] =	wrdreg s24  }
0xaf: {  	[dreg:$0x3] =	wrdreg $0xA8000  }
0xb0: {  	[dreg:$0x4] =	wrdreg $0x9  }
0xb1: {  	_ =	task.clear_ibuf [dreg:s6], $0x5FFFF;
	_ =	strace $0x90000049  }
0xb2: {  	s29 =	simm.s32 $0x9;
	_ =	strace $0x8000004B  }
0xb3: {  	_ =	swait.ge [sflag:s29], $0x1  }
0xb4: {  	[sflag:s29] =	ssyncadd.s32 $0xFFFFFFFF  }
0xb5: {  	_ =	strace $0x9000004B  }
0xb6: {  	_ =	sfence  }
0xb7: {  	s30 =	sld [smem:$0x0];
	_ =	sdelay $0x2  }
0xb8: {  	s31 =	sshll.u32 s1, $0xD;
	s1 =	sshrl.u32 s1, $0x2  }
0xb9: {  	s3 =	sand.u32 $0x4000, s31;
	s1 =	sadd.s32 s1, s30  }
0xba: {  	s0 =	sor.u32 s3, s0;
	s1 =	sshll.u32 s1, $0x11  }
0xbb: {  	s0 =	sor.u32 s1, s0  }
0xbc: {  	s0 =	sadd.s32 $0x8F2B, s0  }
0xbd: {  	[sflag:s0] =	ssyncadd.remote.s32 $0x1  }
0xbe: {  	_ =	sfence.sel $0xFFFF  }
0xbf: {  	[dreg:$0x0] =	wrdreg $0xFFFFFFFF;
	(pc) =	sbr.abs _section_cstart, $3  }
0xc0: {  	[dreg:$0x1] =	wrdreg $0xFFFFFFFF  }
0xc1: {  	_ =	task.clear_ibuf [dreg:s6], $0x2FFFF;
	_ =	strace $0x9FFFFFFF  }
0xc2: {  	(tm) =	ssettm $0x7FFFFFFF  }
0xc3: {  	_ =	shalt  }
tec
execute0_lowered:
.L_overlay_start_1:
0x0: {  	(tag) =	ssettag $0x1  }
0x1: {  	s5 =	rddreg [dreg:$0x0]  }
0x2: {  	s2 =	rddreg [dreg:$0x1]  }
0x3: {  	s0 =	rddreg [dreg:$0x2]  }
0x4: {  	s3 =	simm.s32 $0x0;
	s1 =	stileid.u32;
	s4 =	srdreg.scid  }
0x5: {  	s17 =	simm.s32 $0x2800;
	s18 =	simm.s32 $0x6800;
	s19 =	simm.s32 $0x1  }
0x6: {  	s20 =	simm.s32 $0x2;
	s21 =	simm.s32 $0x2700;
	s22 =	simm.s32 $0x2780  }
0x7: {  	s23 =	simm.s32 $0x0;
	[smem:$0x7FF] =	sst s3;
	s6 =	smul.u32 $0x13C00, s1  }
0x8: {  	s7 =	sand.u32 $0x1, s4;
	s4 =	sadd.s32 $0x12200, s5;
	s25 =	smul.u32 $0x4F000, s1  }
0x9: {  	s9 =	sadd.s32 $0x8200, s5;
	s10 =	sadd.s32 $0x3200, s5;
	s14 =	smul.u32 $0x2800, s1  }
0xa: {  	s28 =	sshll.u32 s1, $0x6;
	_ =	strace $0x8000004A;
	s8 =	smul.u32 $0x13C000, s7  }
0xb: {  	s12 =	ssub.s32 $0x2, s7;
	s13 =	smul.u32 $0x28000, s7;
	s11 =	sshrl.u32 s6, $0x3  }
0xc: {  	s26 =	sshrl.u32 s12, $0x1;
	s30 =	sadd.s32 $0x1400, s14;
	s31 =	sshrl.u32 s14, $0x3  }
0xd: {  	s11 =	sadd.s32 s11, s5;
	s6 =	sadd.s32 s6, s8;
	s8 =	sshrl.u32 s25, $0x2  }
0xe: {  	s12 =	ssub.s32 s12, s26;
	s29 =	sadd.s32 s14, s13;
	s13 =	sadd.s32 s13, s30  }
0xf: {  	s14 =	simm.s32 $0x3;
	s6 =	sshrl.u32 s6, $0x3;
	s16 =	sadd.s32 s8, s2  }
0x10: {  	s7 =	sshrl.u32 s29, $0x3;
	s8 =	sadd.s32 s10, s31;
	s13 =	sshrl.u32 s13, $0x3  }
0x11: {  	s12 =	smax.u32 s12, $0x1;
	s15 =	sadd.s32 s6, s5;
	s5 =	sadd.s32 $0x60400, s11  }
0x12: {  	s6 =	sor.u32 $0x1C03, s28;
	s7 =	sadd.s32 s9, s7;
	s11 =	sshrl.u32 s30, $0x3  }
0x13: {  	s9 =	sadd.s32 s9, s13;
	s13 =	sshrl.u32 s16, $0x3;
	s16 =	simm.s32 $0x80  }
0x14: {  	s10 =	sadd.s32 s10, s11;
	s11 =	sadd.s32 $0x87C00, s15;
	s15 =	simm.s32 $0x1400  }
.LBB2_1:
0x15: {  	[spmem:s13], [sflag:s6] =	dma.local [hbm:s5], $0x2780  }
0x16: {  	_ =	swait.ge [sflag:s14], $0x2780  }
0x17: {  	[sflag:s14] =	ssyncset.done $0x0  }
0x18: {  	[sflag:s14] =	ssyncadd.s32 $0xFFFFD880  }
0x19: {  	[bflag:$0x0] =	sbarrier.arrive $0xFFFF  }
0x1a: {  	[tilespmem:s3], [sflag:$0x3] =	stream.linear.gather [hbm4b:s7+s3], $0x1400, $0x38;
	[tilespmem:$0x1E400] =	vst v63  }
0x1b: {  	_ =	swait.ge [sflag:s14], $0x1400  }
0x1c: {  	[sflag:s14] =	ssyncset.done $0x0  }
0x1d: {  	[sflag:s14] =	ssyncadd.s32 $0xFFFFEC00  }
0x1e: {  	[tilespmem:s15], [sflag:$0x3] =	stream.linear.gather [hbm4b:s8+s3], $0x1400, $0x38;
	[tilespmem:$0x1E400] =	vst v63  }
0x1f: {  	_ =	swait.ge [sflag:s14], $0x1400  }
0x20: {  	[sflag:s14] =	ssyncset.done $0x0  }
0x21: {  	[sflag:s14] =	ssyncadd.s32 $0xFFFFEC00  }
0x22: {  	[tilespmem:s17], [sflag:$0x1] =	stream.indirect.gather [hbm4b:s4+s16], $0x80, s3, s16, $0xb8;
	[tilespmem:$0x1E400] =	vst v63  }
0x23: {  	_ = 	snop  }
0x24: {  	[tilespmem:s18], [sflag:$0x2] =	stream.indirect.gather [hbm4b:s4+s16], $0x80, s16, s16, $0xb8;
	[tilespmem:$0x1E400] =	vst v63  }
0x25: {  	_ =	swait.ge [sflag:s19], $0x4000  }
0x26: {  	[sflag:s19] =	ssyncset.done $0x0  }
0x27: {  	s24 =	simm.s32 $0x1400;
	[sflag:s19] =	ssyncadd.s32 $0xFFFFC000  }
0x28: {  	[spmem:s2] =	stream.indirect.scatter.add.f32 [tilespmem:s17], [sflag:$0x3], $0x80, s24, s16, $0xb8;
	[tilespmem:$0x1E400] =	vst v63  }
0x29: {  	_ =	swait.ge [sflag:s14], $0x4000  }
0x2a: {  	[sflag:s14] =	ssyncset.done $0x0  }
0x2b: {  	s30 =	simm.s32 $0x100;
	[sflag:s14] =	ssyncadd.s32 $0xFFFFC000  }
0x2c: {  	[tilespmem:s17], [sflag:$0x1] =	stream.indirect.gather [hbm4b:s4+s16], $0x80, s30, s16, $0xb8;
	[tilespmem:$0x1E400] =	vst v63  }
0x2d: {  	_ =	swait.ge [sflag:s20], $0x4000  }
0x2e: {  	[sflag:s20] =	ssyncset.done $0x0  }
0x2f: {  	s31 =	simm.s32 $0x1480;
	[sflag:s20] =	ssyncadd.s32 $0xFFFFC000  }
0x30: {  	[spmem:s2] =	stream.indirect.scatter.add.f32 [tilespmem:s18], [sflag:$0x3], $0x80, s31, s16, $0xb8;
	[tilespmem:$0x1E400] =	vst v63  }
0x31: {  	_ =	swait.ge [sflag:s14], $0x4000  }
0x32: {  	[sflag:s14] =	ssyncset.done $0x0  }
0x33: {  	s25 =	simm.s32 $0x180;
	s24 =	simm.s32 $0x400;
	[sflag:s14] =	ssyncadd.s32 $0xFFFFC000  }
.LBB2_2:
0x34: {  	[tilespmem:s18], [sflag:$0x2] =	stream.indirect.gather [hbm4b:s4+s16], $0x80, s25, s16, $0xb8;
	[tilespmem:$0x1E400] =	vst v63  }
0x35: {  	s25 =	smov.u32 s24  }
0x36: {  	p0 =	sne.s32 s24, $0x4800;
	s24 =	sadd.s32 $0x400, s24;
	_ =	swait.ge [sflag:s19], $0x4000  }
0x37: {  	s25 =	sshra.s32 s25, $0x2;
	[sflag:s19] =	ssyncset.done $0x0  }
0x38: {  	s26 =	sadd.s32 $0x1400, s25;
	[sflag:s19] =	ssyncadd.s32 $0xFFFFC000  }
0x39: {  	[spmem:s2] =	stream.indirect.scatter.add.f32 [tilespmem:s17], [sflag:$0x3], $0x80, s26, s16, $0xb8;
	[tilespmem:$0x1E400] =	vst v63  }
0x3a: {  	_ =	swait.ge [sflag:s14], $0x4000  }
0x3b: {  	[sflag:s14] =	ssyncset.done $0x0  }
0x3c: {  	s26 =	sadd.s32 $0x100, s25;
	[sflag:s14] =	ssyncadd.s32 $0xFFFFC000  }
0x3d: {  	[tilespmem:s17], [sflag:$0x1] =	stream.indirect.gather [hbm4b:s4+s16], $0x80, s26, s16, $0xb8;
	[tilespmem:$0x1E400] =	vst v63  }
0x3e: {  	_ =	swait.ge [sflag:s20], $0x4000  }
0x3f: {  	[sflag:s20] =	ssyncset.done $0x0  }
.Ltmp0:
0x40: {  	s26 =	sadd.s32 $0x1480, s25;
	[sflag:s20] =	ssyncadd.s32 $0xFFFFC000;
	(pc) =	sbr.rel @p0 .LBB2_2-.Ltmp0, $4  }
0x41: {  	[spmem:s2] =	stream.indirect.scatter.add.f32 [tilespmem:s18], [sflag:$0x3], $0x80, s26, s16, $0xb8;
	[tilespmem:$0x1E400] =	vst v63  }
0x42: {  	_ =	swait.ge [sflag:s14], $0x4000  }
0x43: {  	[sflag:s14] =	ssyncset.done $0x0  }
0x44: {  	s25 =	sadd.s32 $0x180, s25;
	[sflag:s14] =	ssyncadd.s32 $0xFFFFC000  }
0x45: {  	[tilespmem:s18], [sflag:$0x2] =	stream.indirect.gather [hbm4b:s4+s16], $0x80, s25, s16, $0xb8;
	[tilespmem:$0x1E400] =	vst v63  }
0x46: {  	_ =	swait.ge [sflag:s19], $0x4000  }
0x47: {  	[sflag:s19] =	ssyncset.done $0x0  }
0x48: {  	[sflag:s19] =	ssyncadd.s32 $0xFFFFC000  }
0x49: {  	[spmem:s2] =	stream.indirect.scatter.add.f32 [tilespmem:s17], [sflag:$0x3], $0x80, s21, s16, $0xb8;
	[tilespmem:$0x1E400] =	vst v63  }
0x4a: {  	_ =	swait.ge [sflag:s14], $0x4000  }
0x4b: {  	[sflag:s14] =	ssyncset.done $0x0  }
0x4c: {  	[sflag:s14] =	ssyncadd.s32 $0xFFFFC000  }
0x4d: {  	_ =	swait.ge [sflag:s20], $0x4000  }
0x4e: {  	[sflag:s20] =	ssyncset.done $0x0  }
0x4f: {  	[sflag:s20] =	ssyncadd.s32 $0xFFFFC000  }
0x50: {  	[spmem:s2] =	stream.indirect.scatter.add.f32 [tilespmem:s18], [sflag:$0x3], $0x80, s22, s16, $0xb8;
	[tilespmem:$0x1E400] =	vst v63  }
0x51: {  	_ =	swait.ge [sflag:s14], $0x4000  }
0x52: {  	[sflag:s14] =	ssyncset.done $0x0  }
0x53: {  	s24 =	simm.s32 $0x0;
	[sflag:s14] =	ssyncadd.s32 $0xFFFFC000  }
0x54: {  	[tilespmem:s24], [sflag:$0x3] =	stream.linear.gather [hbm4b:s9+s24], $0x1400, $0x38;
	[tilespmem:$0x1E400] =	vst v63  }
0x55: {  	_ =	swait.ge [sflag:s14], $0x1400  }
0x56: {  	[sflag:s14] =	ssyncset.done $0x0  }
0x57: {  	[sflag:s14] =	ssyncadd.s32 $0xFFFFEC00  }
0x58: {  	[tilespmem:s15], [sflag:$0x3] =	stream.linear.gather [hbm4b:s10+s24], $0x1400, $0x38;
	[tilespmem:$0x1E400] =	vst v63  }
0x59: {  	_ =	swait.ge [sflag:s14], $0x1400  }
0x5a: {  	[sflag:s14] =	ssyncset.done $0x0  }
0x5b: {  	[sflag:s14] =	ssyncadd.s32 $0xFFFFEC00  }
0x5c: {  	[tilespmem:s17], [sflag:$0x1] =	stream.indirect.gather [hbm4b:s4+s16], $0x80, s24, s16, $0xb8;
	[tilespmem:$0x1E400] =	vst v63  }
0x5d: {  	_ = 	snop  }
0x5e: {  	[tilespmem:s18], [sflag:$0x2] =	stream.indirect.gather [hbm4b:s4+s16], $0x80, s16, s16, $0xb8;
	[tilespmem:$0x1E400] =	vst v63  }
0x5f: {  	_ =	swait.ge [sflag:s19], $0x4000  }
0x60: {  	[sflag:s19] =	ssyncset.done $0x0  }
0x61: {  	s29 =	simm.s32 $0x1400;
	[sflag:s19] =	ssyncadd.s32 $0xFFFFC000  }
0x62: {  	[spmem:s2] =	stream.indirect.scatter.add.f32 [tilespmem:s17], [sflag:$0x3], $0x80, s29, s16, $0xb8;
	[tilespmem:$0x1E400] =	vst v63  }
0x63: {  	_ =	swait.ge [sflag:s14], $0x4000  }
0x64: {  	[sflag:s14] =	ssyncset.done $0x0  }
0x65: {  	s30 =	simm.s32 $0x100;
	[sflag:s14] =	ssyncadd.s32 $0xFFFFC000  }
0x66: {  	[tilespmem:s17], [sflag:$0x1] =	stream.indirect.gather [hbm4b:s4+s16], $0x80, s30, s16, $0xb8;
	[tilespmem:$0x1E400] =	vst v63  }
0x67: {  	_ =	swait.ge [sflag:s20], $0x4000  }
0x68: {  	[sflag:s20] =	ssyncset.done $0x0  }
0x69: {  	s31 =	simm.s32 $0x1480;
	[sflag:s20] =	ssyncadd.s32 $0xFFFFC000  }
0x6a: {  	[spmem:s2] =	stream.indirect.scatter.add.f32 [tilespmem:s18], [sflag:$0x3], $0x80, s31, s16, $0xb8;
	[tilespmem:$0x1E400] =	vst v63  }
0x6b: {  	_ =	swait.ge [sflag:s14], $0x4000  }
0x6c: {  	[sflag:s14] =	ssyncset.done $0x0  }
0x6d: {  	s25 =	simm.s32 $0x180;
	s24 =	simm.s32 $0x400;
	[sflag:s14] =	ssyncadd.s32 $0xFFFFC000  }
.LBB2_4:
0x6e: {  	[tilespmem:s18], [sflag:$0x2] =	stream.indirect.gather [hbm4b:s4+s16], $0x80, s25, s16, $0xb8;
	[tilespmem:$0x1E400] =	vst v63  }
0x6f: {  	s25 =	smov.u32 s24  }
0x70: {  	p0 =	sne.s32 s24, $0x4800;
	s24 =	sadd.s32 $0x400, s24;
	_ =	swait.ge [sflag:s19], $0x4000  }
0x71: {  	s25 =	sshra.s32 s25, $0x2;
	[sflag:s19] =	ssyncset.done $0x0  }
0x72: {  	s26 =	sadd.s32 $0x1400, s25;
	[sflag:s19] =	ssyncadd.s32 $0xFFFFC000  }
0x73: {  	[spmem:s2] =	stream.indirect.scatter.add.f32 [tilespmem:s17], [sflag:$0x3], $0x80, s26, s16, $0xb8;
	[tilespmem:$0x1E400] =	vst v63  }
0x74: {  	_ =	swait.ge [sflag:s14], $0x4000  }
0x75: {  	[sflag:s14] =	ssyncset.done $0x0  }
0x76: {  	s26 =	sadd.s32 $0x100, s25;
	[sflag:s14] =	ssyncadd.s32 $0xFFFFC000  }
0x77: {  	[tilespmem:s17], [sflag:$0x1] =	stream.indirect.gather [hbm4b:s4+s16], $0x80, s26, s16, $0xb8;
	[tilespmem:$0x1E400] =	vst v63  }
0x78: {  	_ =	swait.ge [sflag:s20], $0x4000  }
0x79: {  	[sflag:s20] =	ssyncset.done $0x0  }
.Ltmp1:
0x7a: {  	s26 =	sadd.s32 $0x1480, s25;
	[sflag:s20] =	ssyncadd.s32 $0xFFFFC000;
	(pc) =	sbr.rel @p0 .LBB2_4-.Ltmp1, $4  }
0x7b: {  	[spmem:s2] =	stream.indirect.scatter.add.f32 [tilespmem:s18], [sflag:$0x3], $0x80, s26, s16, $0xb8;
	[tilespmem:$0x1E400] =	vst v63  }
0x7c: {  	_ =	swait.ge [sflag:s14], $0x4000  }
0x7d: {  	[sflag:s14] =	ssyncset.done $0x0  }
0x7e: {  	s25 =	sadd.s32 $0x180, s25;
	[sflag:s14] =	ssyncadd.s32 $0xFFFFC000  }
0x7f: {  	[tilespmem:s18], [sflag:$0x2] =	stream.indirect.gather [hbm4b:s4+s16], $0x80, s25, s16, $0xb8;
	[tilespmem:$0x1E400] =	vst v63  }
0x80: {  	_ =	swait.ge [sflag:s19], $0x4000  }
0x81: {  	[sflag:s19] =	ssyncset.done $0x0  }
0x82: {  	[sflag:s19] =	ssyncadd.s32 $0xFFFFC000  }
0x83: {  	[spmem:s2] =	stream.indirect.scatter.add.f32 [tilespmem:s17], [sflag:$0x3], $0x80, s21, s16, $0xb8;
	[tilespmem:$0x1E400] =	vst v63  }
0x84: {  	_ =	swait.ge [sflag:s14], $0x4000  }
0x85: {  	[sflag:s14] =	ssyncset.done $0x0  }
0x86: {  	[sflag:s14] =	ssyncadd.s32 $0xFFFFC000  }
0x87: {  	_ =	swait.ge [sflag:s20], $0x4000  }
0x88: {  	[sflag:s20] =	ssyncset.done $0x0  }
0x89: {  	[sflag:s20] =	ssyncadd.s32 $0xFFFFC000  }
0x8a: {  	[spmem:s2] =	stream.indirect.scatter.add.f32 [tilespmem:s18], [sflag:$0x3], $0x80, s22, s16, $0xb8;
	[tilespmem:$0x1E400] =	vst v63  }
0x8b: {  	_ =	swait.ge [sflag:s14], $0x4000  }
0x8c: {  	s23 =	sadd.s32 $0x1, s23;
	[sflag:s14] =	ssyncset.done $0x0  }
0x8d: {  	p0 =	sne.s32 s23, s12;
	[sflag:s14] =	ssyncadd.s32 $0xFFFFC000  }
.Ltmp2:
0x8e: {  	[bflag:$0x0] =	sbarrier.arrive $0xFFFF;
	(pc) =	sbr.rel @p0 .LBB2_1-.Ltmp2, $4  }
0x8f: {  	[hbm:s11], [sflag:s6] =	dma.local [spmem:s13], $0x2780  }
0x90: {  	_ =	swait.ge [sflag:s14], $0x2780  }
0x91: {  	[sflag:s14] =	ssyncset.done $0x0  }
0x92: {  	[sflag:s14] =	ssyncadd.s32 $0xFFFFD880  }
0x93: {  	_ =	sfence.sel $0x180000  }
0x94: {  	[bflag:$0x0] =	sbarrier.arrive $0xFFFF  }
0x95: {  	p0 =	sne.s32 s1, $0x0;
	_ =	strace $0x9000004A  }
0x96: {  	s0 =	sadd.s32 @!p0 $0x100000, s0;
	[bflag:$0x2] =	sbarrier.arrive $0xFFFF  }
0x97: {  	[sflag:s0] =	ssyncadd.tile.s32 @!p0 $0x1;
	_ =	shalt  }
.Lfunc_end2:
_tile_overlayer_lowered:
.L_overlay_start_2:
0x98: {  	(tag) =	ssettag $0x2  }
0x99: {  	s0 =	rddreg [dreg:$0x0];
	s2 =	stileid.u32  }
0x9a: {  	s1 =	rddreg [dreg:$0x1];
	p0 =	sne.s32 s2, $0x0  }
0x9b: {  	s3 =	rddreg [dreg:$0x2];
	[bflag:$0x3] =	sbarrier.arrive $0xFFFF;
	s2 =	simm.s32 @!p0 $0x1C03  }
0x9c: {  	[timem:s3], [sflag:s2] =	dma.local @!p0 [hbm:s0], s1  }
0x9d: {  	s0 =	simm.s32 @!p0 $0x3  }
0x9e: {  	_ =	swait.ge @!p0 [sflag:s0], s1  }
0x9f: {  	s1 =	ssub.s32 @!p0 $0x0, s1;
	[sflag:s0] =	ssyncset.done @!p0 $0x0  }
0xa0: {  	[sflag:s0] =	ssyncadd.s32 @!p0 s1  }
0xa1: {  	[bflag:$0x3] =	sbarrier.arrive $0xFFFF  }
0xa2: {  	_ =	shalt  }

// kernel: kernel.14.cloned.1.call-start
scs
__scs_entry_jumppad:
0x0: {  	(pc) =	sbr.rel $0x88, $3  }
0x1: {  	(tag) =	ssettag $0x0;
	lr =	simm.s32 $0x1  }
0x2: {  	[smem:$0x3F92] =	sst lr;
	_ =	strace $0xD0000000  }
0x3: {  	_ = 	snop  }
0x4: {  	_ = 	snop  }
0x5: {  	_ = 	snop  }
0x6: {  	_ = 	snop  }
0x7: {  	_ = 	snop  }
__scs_overlays_trampoline_lowered:
0x8: {  	[smem:$0x3FA1] =	sst s0  }
0x9: {  	[smem:$0x3FA2] =	sst s1  }
0xa: {  	[smem:$0x3FA3] =	sst s2  }
0xb: {  	[smem:$0x3FA4] =	sst s3  }
0xc: {  	[smem:$0x3FA5] =	sst s4  }
0xd: {  	[smem:$0x3FA6] =	sst s5  }
0xe: {  	[smem:$0x3FA7] =	sst s6  }
0xf: {  	[smem:$0x3FA8] =	sst s7  }
0x10: {  	[smem:$0x3FA9] =	sst s8  }
0x11: {  	[smem:$0x3FAA] =	sst s9;
	s0 =	simm.s32 @!p0 $0x0  }
0x12: {  	s1 =	sld [smem:$0x3F90];
	s0 =	simm.s32 @p0 $0x1  }
0x13: {  	[smem:$0x3FAB] =	sst s0;
	s0 =	simm.s32 @!p1 $0x0  }
0x14: {  	s2 =	sld [smem:$0x3F8F];
	s0 =	simm.s32 @p1 $0x1  }
0x15: {  	[smem:$0x3FAC] =	sst s0;
	s0 =	simm.s32 @!p2 $0x0  }
0x16: {  	s3 =	sld [smem:$0x3FDB];
	s0 =	simm.s32 @p2 $0x1  }
0x17: {  	s4 =	simm.s32 $0x1BF5;
	[smem:$0x3FAE] =	sst s0  }
0x18: {  	s0 =	sld [smem:$0x3F91];
	_ =	swait.ge [sflag:s4], $0x0  }
0x19: {  	s7 =	sld [smem:$0x3F92]  }
0x1a: {  	s8 =	sadd.s32 $0xFFFFE003, lr  }
0x1b: {  	s9 =	sadd.s32 $0xFFFFFEF7, lr;
	s5 =	simm.s32 $0xFFFFFFFF;
	p2 =	slt.u32 s8, $0xFFFFF086  }
0x1c: {  	p1 =	slt.u32 s9, $0xF7A;
	s5 =	simm.s32 @!p2 $0x0  }
0x1d: {  	s5 =	simm.s32 @p1 $0x1;
	p0 =	seq.s32 s7, s2  }
0x1e: {  	s7 =	smul.u32 @!p0 $0xF7A, s2;
	p2 =	seq.s32 @!p0 s5, $0x0  }
0x1f: {  	s9 =	smul.u32 $0xF7A, s1;
	s8 =	simm.s32 @!p0 $0x1BF5;
	p2 =	por !p2, p0  }
0x20: {  	[sflag:s8] =	ssyncset.s32 @!p0 $0xFFFFF086;
	s6 =	sadd.s32 @!p0 s3, s7;
	s7 =	simm.s32 @!p0 $0x108  }
0x21: {  	s3 =	sadd.s32 s3, s9;
	s6 =	sadd.s32 @!p0 $0x88, s6;
	s7 =	simm.s32 @p2 $0x1082  }
0x22: {  	[simem:s7], [sflag:s8] =	dma.local @!p0 [hbm:s6], $0xF7A  }
0x23: {  	s9 =	sor.u32 $0xD0000000, s2;
	s6 =	simm.s32 $0x108;
	_ =	swait.ge @!p0 [sflag:s8], $0x0  }
0x24: {  	s3 =	sadd.s32 $0x88, s3;
	s6 =	simm.s32 @!p1 $0x1082;
	[sflag:s4] =	ssyncset.s32 $0xFFFFF086  }
0x25: {  	[simem:s6], [sflag:s4] =	dma.local [hbm:s3], $0xF7A  }
0x26: {  	[smem:$0x3F92] =	sst s1;
	(tag) =	ssettag s2;
	_ =	strace s9  }
0x27: {  	s1 =	sld [smem:$0x3FA2]  }
0x28: {  	s2 =	sld [smem:$0x3FA3]  }
0x29: {  	s4 =	sld [smem:$0x3FA5]  }
0x2a: {  	p0 =	seq.s32 s5, $0x0;
	s5 =	sld [smem:$0x3FA6]  }
0x2b: {  	s6 =	sld [smem:$0x3FA7]  }
0x2c: {  	s7 =	sld [smem:$0x3FA8]  }
0x2d: {  	s3 =	simm.s32 $0x108;
	s8 =	sld [smem:$0x3FA9]  }
0x2e: {  	s3 =	simm.s32 @!p0 $0x1082;
	s9 =	sld [smem:$0x3FAA]  }
0x2f: {  	lr =	sadd.s32 s0, s3;
	s0 =	sld [smem:$0x3FA1]  }
0x30: {  	s3 =	sld [smem:$0x3FA4]  }
0x31: {  	[smem:$0x3FAD] =	sst s10  }
0x32: {  	s10 =	sld [smem:$0x3FAB];
	_ =	sdelay $0x3  }
0x33: {  	p0 =	seq.s32 s10, $0x1;
	s10 =	sld [smem:$0x3FAD];
	_ =	sdelay $0x3  }
0x34: {  	[smem:$0x3FAD] =	sst s10  }
0x35: {  	s10 =	sld [smem:$0x3FAC];
	_ =	sdelay $0x3  }
0x36: {  	p1 =	seq.s32 s10, $0x1;
	s10 =	sld [smem:$0x3FAD];
	_ =	sdelay $0x3  }
0x37: {  	[smem:$0x3FAD] =	sst s10  }
0x38: {  	s10 =	sld [smem:$0x3FAE]  }
0x39: {  	_ = 	snop;
	(pc) =	sbr.ind lr, $3  }
0x3a: {  	_ = 	snop  }
0x3b: {  	_ = 	snop  }
0x3c: {  	p2 =	seq.s32 s10, $0x1;
	s10 =	sld [smem:$0x3FAD]  }
0x3d: {  	_ =	shalt  }
0x3e: {  	_ =	shalt  }
0x3f: {  	_ =	shalt  }
0x40: {  	_ =	shalt  }
0x41: {  	_ =	shalt  }
0x42: {  	_ =	shalt  }
0x43: {  	_ =	shalt  }
0x44: {  	_ =	shalt  }
0x45: {  	_ =	shalt  }
0x46: {  	_ =	shalt  }
0x47: {  	_ =	shalt  }
0x48: {  	_ =	shalt  }
0x49: {  	_ =	shalt  }
0x4a: {  	_ =	shalt  }
0x4b: {  	_ =	shalt  }
0x4c: {  	_ =	shalt  }
0x4d: {  	_ =	shalt  }
0x4e: {  	_ =	shalt  }
0x4f: {  	_ =	shalt  }
0x50: {  	_ =	shalt  }
0x51: {  	_ =	shalt  }
0x52: {  	_ =	shalt  }
0x53: {  	_ =	shalt  }
0x54: {  	_ =	shalt  }
0x55: {  	_ =	shalt  }
0x56: {  	_ =	shalt  }
0x57: {  	_ =	shalt  }
0x58: {  	_ =	shalt  }
0x59: {  	_ =	shalt  }
0x5a: {  	_ =	shalt  }
0x5b: {  	_ =	shalt  }
0x5c: {  	_ =	shalt  }
0x5d: {  	_ =	shalt  }
0x5e: {  	_ =	shalt  }
0x5f: {  	_ =	shalt  }
0x60: {  	_ =	shalt  }
0x61: {  	_ =	shalt  }
0x62: {  	_ =	shalt  }
0x63: {  	_ =	shalt  }
0x64: {  	_ =	shalt  }
0x65: {  	_ =	shalt  }
0x66: {  	_ =	shalt  }
0x67: {  	_ =	shalt  }
0x68: {  	_ =	shalt  }
0x69: {  	_ =	shalt  }
0x6a: {  	_ =	shalt  }
0x6b: {  	_ =	shalt  }
0x6c: {  	_ =	shalt  }
0x6d: {  	_ =	shalt  }
0x6e: {  	_ =	shalt  }
0x6f: {  	_ =	shalt  }
0x70: {  	_ =	shalt  }
0x71: {  	_ =	shalt  }
0x72: {  	_ =	shalt  }
0x73: {  	_ =	shalt  }
0x74: {  	_ =	shalt  }
0x75: {  	_ =	shalt  }
0x76: {  	_ =	shalt  }
0x77: {  	_ =	shalt  }
0x78: {  	_ =	shalt  }
0x79: {  	_ =	shalt  }
0x7a: {  	_ =	shalt  }
0x7b: {  	_ =	shalt  }
0x7c: {  	_ =	shalt  }
0x7d: {  	_ =	shalt  }
0x7e: {  	_ =	shalt  }
0x7f: {  	_ =	shalt  }
0x80: {  	_ =	shalt  }
0x81: {  	_ =	shalt  }
0x82: {  	_ =	shalt  }
0x83: {  	_ =	shalt  }
0x84: {  	_ =	shalt  }
0x85: {  	_ =	shalt  }
0x86: {  	_ =	shalt  }
0x87: {  	_ =	shalt  }
.Lfunc_end0:
.L_simem_size_0:
called_computation.2_lowered:
.L_overlay_start_0:
0x88: {  	s2 =	sld [smem:$0x3FD9]  }
0x89: {  	s3 =	sld [smem:$0x3FFE];
	_ =	sdelay $0x1  }
0x8a: {  	s1 =	srdreg.scid  }
0x8b: {  	s0 =	sand.u32 $0x1, s1  }
0x8c: {  	s16 =	sshll.u32 s0, $0xA;
	s2 =	sadd.s32 s3, s2  }
0x8d: {  	s2 =	sadd.s32 s2, s16  }
0x8e: {  	[smem:$0x3FB9] =	sst s2  }
0x8f: {  	_ = 	snop  }
0x90: {  	(tm) =	ssettm $0x1  }
0x91: {  	s17 =	sld [smem:$0x3FFB];
	_ =	sdelay $0x3  }
0x92: {  	_ =	strace s17  }
0x93: {  	s2 =	sld [smem:$0x3FFC];
	_ =	sdelay $0x3  }
0x94: {  	_ =	strace s2  }
0x95: {  	s2 =	sld [smem:$0x3FFD];
	_ =	sdelay $0x3  }
0x96: {  	_ =	strace s2  }
0x97: {  	_ =	strace $0x8FFFFFFF  }
0x98: {  	s18 =	sld [smem:$0x3FDB];
	_ =	sdelay $0x1  }
0x99: {  	s19 =	simm.s32 $_scs_section_size  }
0x9a: {  	s4 =	simm.s32 $_size__tile_overlayer_lowered;
	s5 =	simm.s32 $_tile_overlayer_lowered  }
0x9b: {  	s22 =	simm.s32 $0x1BFF;
	s21 =	sshll.u32 s5, $0x1;
	s2 =	sadd.s32 s19, s18  }
0x9c: {  	s6 =	simm.s32 $0x0;
	s20 =	sshll.u32 s4, $0x1;
	s4 =	sadd.s32 s21, s2  }
0x9d: {  	[timem:s6], [sflag:s22] =	dma.local [hbm:s4], s20  }
0x9e: {  	_ =	swait.ge [sflag:s22], s20  }
0x9f: {  	s3 =	ssub.s32 $0x0, s20;
	[sflag:s22] =	ssyncset.done $0x0  }
0xa0: {  	[sflag:s22] =	ssyncadd.s32 s3;
	_ =	sdelay $0x1  }
0xa1: {  	s23 =	simm.s32 $0x1B8B  }
0xa2: {  	_ =	swait.ge [sflag:s23], $0x1  }
0xa3: {  	[sflag:s23] =	ssyncset.done $0x0  }
0xa4: {  	s25 =	simm.s32 $0x1B8E;
	s24 =	sld [smem:$0x3FFE];
	[sflag:s23] =	ssyncadd.s32 $0xFFFFFFFF  }
0xa5: {  	s26 =	simm.s32 $execute0_lowered;
	[smem:$0x3FD2] =	sst s25  }
0xa6: {  	s4 =	sshll.u32 s26, $0x1;
	_ =	strace $0x8000004C;
	[dreg:$0x1] =	wrdreg $0xFFFFFFFF  }
0xa7: {  	s28 =	simm.s32 $_size_execute0_lowered;
	s2 =	sadd.s32 s2, s4;
	[dreg:$0x0] =	wrdreg $0x0  }
0xa8: {  	s4 =	sshll.u32 s28, $0x1;
	[dreg:$0x2] =	wrdreg s2  }
0xa9: {  	[dreg:$0x3] =	wrdreg s4  }
0xaa: {  	[dreg:$0x4] =	wrdreg $0xC0  }
0xab: {  	_ =	task [dreg:s6], $0x5FFFF  }
0xac: {  	[dreg:$0x1] =	wrdreg $0xFFFFFFFF  }
0xad: {  	[dreg:$0x0] =	wrdreg $0x60  }
0xae: {  	[dreg:$0x2] =	wrdreg s24  }
0xaf: {  	[dreg:$0x3] =	wrdreg $0xA8000  }
0xb0: {  	[dreg:$0x4] =	wrdreg $0x9  }
0xb1: {  	_ =	task.clear_ibuf [dreg:s6], $0x5FFFF;
	_ =	strace $0x9000004C  }
0xb2: {  	s29 =	simm.s32 $0x9;
	_ =	strace $0x8000004E  }
0xb3: {  	_ =	swait.ge [sflag:s29], $0x1  }
0xb4: {  	[sflag:s29] =	ssyncadd.s32 $0xFFFFFFFF  }
0xb5: {  	_ =	strace $0x9000004E  }
0xb6: {  	_ =	sfence  }
0xb7: {  	s30 =	sld [smem:$0x0];
	_ =	sdelay $0x2  }
0xb8: {  	s31 =	sshll.u32 s1, $0xD;
	s1 =	sshrl.u32 s1, $0x2  }
0xb9: {  	s3 =	sand.u32 $0x4000, s31;
	s1 =	sadd.s32 s1, s30  }
0xba: {  	s0 =	sor.u32 s3, s0;
	s1 =	sshll.u32 s1, $0x11  }
0xbb: {  	s0 =	sor.u32 s1, s0  }
0xbc: {  	s0 =	sadd.s32 $0x8F2B, s0  }
0xbd: {  	[sflag:s0] =	ssyncadd.remote.s32 $0x1  }
0xbe: {  	_ =	sfence.sel $0xFFFF  }
0xbf: {  	[dreg:$0x0] =	wrdreg $0xFFFFFFFF;
	(pc) =	sbr.abs _section_cstart, $3  }
0xc0: {  	[dreg:$0x1] =	wrdreg $0xFFFFFFFF  }
0xc1: {  	_ =	task.clear_ibuf [dreg:s6], $0x2FFFF;
	_ =	strace $0x9FFFFFFF  }
0xc2: {  	(tm) =	ssettm $0x7FFFFFFF  }
0xc3: {  	_ =	shalt  }
tec
execute0_lowered:
.L_overlay_start_1:
0x0: {  	(tag) =	ssettag $0x1  }
0x1: {  	s5 =	rddreg [dreg:$0x0]  }
0x2: {  	s2 =	rddreg [dreg:$0x1]  }
0x3: {  	s0 =	rddreg [dreg:$0x2]  }
0x4: {  	s3 =	simm.s32 $0x0;
	s1 =	stileid.u32;
	s4 =	srdreg.scid  }
0x5: {  	s17 =	simm.s32 $0x2800;
	s18 =	simm.s32 $0x6800;
	s19 =	simm.s32 $0x1  }
0x6: {  	s20 =	simm.s32 $0x2;
	s21 =	simm.s32 $0x2700;
	s22 =	simm.s32 $0x2780  }
0x7: {  	s23 =	simm.s32 $0x0;
	[smem:$0x7FF] =	sst s3;
	s6 =	smul.u32 $0x13C00, s1  }
0x8: {  	s7 =	sand.u32 $0x1, s4;
	s4 =	sadd.s32 $0x12200, s5;
	s25 =	smul.u32 $0x4F000, s1  }
0x9: {  	s9 =	sadd.s32 $0x8200, s5;
	s10 =	sadd.s32 $0x3200, s5;
	s14 =	smul.u32 $0x2800, s1  }
0xa: {  	s28 =	sshll.u32 s1, $0x6;
	_ =	strace $0x8000004D;
	s8 =	smul.u32 $0x13C000, s7  }
0xb: {  	s12 =	ssub.s32 $0x2, s7;
	s13 =	smul.u32 $0x28000, s7;
	s11 =	sshrl.u32 s6, $0x3  }
0xc: {  	s26 =	sshrl.u32 s12, $0x1;
	s30 =	sadd.s32 $0x1400, s14;
	s31 =	sshrl.u32 s14, $0x3  }
0xd: {  	s11 =	sadd.s32 s11, s5;
	s6 =	sadd.s32 s6, s8;
	s8 =	sshrl.u32 s25, $0x2  }
0xe: {  	s12 =	ssub.s32 s12, s26;
	s29 =	sadd.s32 s14, s13;
	s13 =	sadd.s32 s13, s30  }
0xf: {  	s14 =	simm.s32 $0x3;
	s6 =	sshrl.u32 s6, $0x3;
	s16 =	sadd.s32 s8, s2  }
0x10: {  	s7 =	sshrl.u32 s29, $0x3;
	s8 =	sadd.s32 s10, s31;
	s13 =	sshrl.u32 s13, $0x3  }
0x11: {  	s12 =	smax.u32 s12, $0x1;
	s15 =	sadd.s32 s6, s5;
	s5 =	sadd.s32 $0x60400, s11  }
0x12: {  	s6 =	sor.u32 $0x1C03, s28;
	s7 =	sadd.s32 s9, s7;
	s11 =	sshrl.u32 s30, $0x3  }
0x13: {  	s9 =	sadd.s32 s9, s13;
	s13 =	sshrl.u32 s16, $0x3;
	s16 =	simm.s32 $0x80  }
0x14: {  	s10 =	sadd.s32 s10, s11;
	s11 =	sadd.s32 $0x87C00, s15;
	s15 =	simm.s32 $0x1400  }
.LBB2_1:
0x15: {  	[spmem:s13], [sflag:s6] =	dma.local [hbm:s5], $0x2780  }
0x16: {  	_ =	swait.ge [sflag:s14], $0x2780  }
0x17: {  	[sflag:s14] =	ssyncset.done $0x0  }
0x18: {  	[sflag:s14] =	ssyncadd.s32 $0xFFFFD880  }
0x19: {  	[bflag:$0x0] =	sbarrier.arrive $0xFFFF  }
0x1a: {  	[tilespmem:s3], [sflag:$0x3] =	stream.linear.gather [hbm4b:s7+s3], $0x1400, $0x38;
	[tilespmem:$0x1E400] =	vst v63  }
0x1b: {  	_ =	swait.ge [sflag:s14], $0x1400  }
0x1c: {  	[sflag:s14] =	ssyncset.done $0x0  }
0x1d: {  	[sflag:s14] =	ssyncadd.s32 $0xFFFFEC00  }
0x1e: {  	[tilespmem:s15], [sflag:$0x3] =	stream.linear.gather [hbm4b:s8+s3], $0x1400, $0x38;
	[tilespmem:$0x1E400] =	vst v63  }
0x1f: {  	_ =	swait.ge [sflag:s14], $0x1400  }
0x20: {  	[sflag:s14] =	ssyncset.done $0x0  }
0x21: {  	[sflag:s14] =	ssyncadd.s32 $0xFFFFEC00  }
0x22: {  	[tilespmem:s17], [sflag:$0x1] =	stream.indirect.gather [hbm4b:s4+s16], $0x80, s3, s16, $0xb8;
	[tilespmem:$0x1E400] =	vst v63  }
0x23: {  	_ = 	snop  }
0x24: {  	[tilespmem:s18], [sflag:$0x2] =	stream.indirect.gather [hbm4b:s4+s16], $0x80, s16, s16, $0xb8;
	[tilespmem:$0x1E400] =	vst v63  }
0x25: {  	_ =	swait.ge [sflag:s19], $0x4000  }
0x26: {  	[sflag:s19] =	ssyncset.done $0x0  }
0x27: {  	s24 =	simm.s32 $0x1400;
	[sflag:s19] =	ssyncadd.s32 $0xFFFFC000  }
0x28: {  	[spmem:s2] =	stream.indirect.scatter.add.f32 [tilespmem:s17], [sflag:$0x3], $0x80, s24, s16, $0xb8;
	[tilespmem:$0x1E400] =	vst v63  }
0x29: {  	_ =	swait.ge [sflag:s14], $0x4000  }
0x2a: {  	[sflag:s14] =	ssyncset.done $0x0  }
0x2b: {  	s30 =	simm.s32 $0x100;
	[sflag:s14] =	ssyncadd.s32 $0xFFFFC000  }
0x2c: {  	[tilespmem:s17], [sflag:$0x1] =	stream.indirect.gather [hbm4b:s4+s16], $0x80, s30, s16, $0xb8;
	[tilespmem:$0x1E400] =	vst v63  }
0x2d: {  	_ =	swait.ge [sflag:s20], $0x4000  }
0x2e: {  	[sflag:s20] =	ssyncset.done $0x0  }
0x2f: {  	s31 =	simm.s32 $0x1480;
	[sflag:s20] =	ssyncadd.s32 $0xFFFFC000  }
0x30: {  	[spmem:s2] =	stream.indirect.scatter.add.f32 [tilespmem:s18], [sflag:$0x3], $0x80, s31, s16, $0xb8;
	[tilespmem:$0x1E400] =	vst v63  }
0x31: {  	_ =	swait.ge [sflag:s14], $0x4000  }
0x32: {  	[sflag:s14] =	ssyncset.done $0x0  }
0x33: {  	s25 =	simm.s32 $0x180;
	s24 =	simm.s32 $0x400;
	[sflag:s14] =	ssyncadd.s32 $0xFFFFC000  }
.LBB2_2:
0x34: {  	[tilespmem:s18], [sflag:$0x2] =	stream.indirect.gather [hbm4b:s4+s16], $0x80, s25, s16, $0xb8;
	[tilespmem:$0x1E400] =	vst v63  }
0x35: {  	s25 =	smov.u32 s24  }
0x36: {  	p0 =	sne.s32 s24, $0x4800;
	s24 =	sadd.s32 $0x400, s24;
	_ =	swait.ge [sflag:s19], $0x4000  }
0x37: {  	s25 =	sshra.s32 s25, $0x2;
	[sflag:s19] =	ssyncset.done $0x0  }
0x38: {  	s26 =	sadd.s32 $0x1400, s25;
	[sflag:s19] =	ssyncadd.s32 $0xFFFFC000  }
0x39: {  	[spmem:s2] =	stream.indirect.scatter.add.f32 [tilespmem:s17], [sflag:$0x3], $0x80, s26, s16, $0xb8;
	[tilespmem:$0x1E400] =	vst v63  }
0x3a: {  	_ =	swait.ge [sflag:s14], $0x4000  }
0x3b: {  	[sflag:s14] =	ssyncset.done $0x0  }
0x3c: {  	s26 =	sadd.s32 $0x100, s25;
	[sflag:s14] =	ssyncadd.s32 $0xFFFFC000  }
0x3d: {  	[tilespmem:s17], [sflag:$0x1] =	stream.indirect.gather [hbm4b:s4+s16], $0x80, s26, s16, $0xb8;
	[tilespmem:$0x1E400] =	vst v63  }
0x3e: {  	_ =	swait.ge [sflag:s20], $0x4000  }
0x3f: {  	[sflag:s20] =	ssyncset.done $0x0  }
.Ltmp0:
0x40: {  	s26 =	sadd.s32 $0x1480, s25;
	[sflag:s20] =	ssyncadd.s32 $0xFFFFC000;
	(pc) =	sbr.rel @p0 .LBB2_2-.Ltmp0, $4  }
0x41: {  	[spmem:s2] =	stream.indirect.scatter.add.f32 [tilespmem:s18], [sflag:$0x3], $0x80, s26, s16, $0xb8;
	[tilespmem:$0x1E400] =	vst v63  }
0x42: {  	_ =	swait.ge [sflag:s14], $0x4000  }
0x43: {  	[sflag:s14] =	ssyncset.done $0x0  }
0x44: {  	s25 =	sadd.s32 $0x180, s25;
	[sflag:s14] =	ssyncadd.s32 $0xFFFFC000  }
0x45: {  	[tilespmem:s18], [sflag:$0x2] =	stream.indirect.gather [hbm4b:s4+s16], $0x80, s25, s16, $0xb8;
	[tilespmem:$0x1E400] =	vst v63  }
0x46: {  	_ =	swait.ge [sflag:s19], $0x4000  }
0x47: {  	[sflag:s19] =	ssyncset.done $0x0  }
0x48: {  	[sflag:s19] =	ssyncadd.s32 $0xFFFFC000  }
0x49: {  	[spmem:s2] =	stream.indirect.scatter.add.f32 [tilespmem:s17], [sflag:$0x3], $0x80, s21, s16, $0xb8;
	[tilespmem:$0x1E400] =	vst v63  }
0x4a: {  	_ =	swait.ge [sflag:s14], $0x4000  }
0x4b: {  	[sflag:s14] =	ssyncset.done $0x0  }
0x4c: {  	[sflag:s14] =	ssyncadd.s32 $0xFFFFC000  }
0x4d: {  	_ =	swait.ge [sflag:s20], $0x4000  }
0x4e: {  	[sflag:s20] =	ssyncset.done $0x0  }
0x4f: {  	[sflag:s20] =	ssyncadd.s32 $0xFFFFC000  }
0x50: {  	[spmem:s2] =	stream.indirect.scatter.add.f32 [tilespmem:s18], [sflag:$0x3], $0x80, s22, s16, $0xb8;
	[tilespmem:$0x1E400] =	vst v63  }
0x51: {  	_ =	swait.ge [sflag:s14], $0x4000  }
0x52: {  	[sflag:s14] =	ssyncset.done $0x0  }
0x53: {  	s24 =	simm.s32 $0x0;
	[sflag:s14] =	ssyncadd.s32 $0xFFFFC000  }
0x54: {  	[tilespmem:s24], [sflag:$0x3] =	stream.linear.gather [hbm4b:s9+s24], $0x1400, $0x38;
	[tilespmem:$0x1E400] =	vst v63  }
0x55: {  	_ =	swait.ge [sflag:s14], $0x1400  }
0x56: {  	[sflag:s14] =	ssyncset.done $0x0  }
0x57: {  	[sflag:s14] =	ssyncadd.s32 $0xFFFFEC00  }
0x58: {  	[tilespmem:s15], [sflag:$0x3] =	stream.linear.gather [hbm4b:s10+s24], $0x1400, $0x38;
	[tilespmem:$0x1E400] =	vst v63  }
0x59: {  	_ =	swait.ge [sflag:s14], $0x1400  }
0x5a: {  	[sflag:s14] =	ssyncset.done $0x0  }
0x5b: {  	[sflag:s14] =	ssyncadd.s32 $0xFFFFEC00  }
0x5c: {  	[tilespmem:s17], [sflag:$0x1] =	stream.indirect.gather [hbm4b:s4+s16], $0x80, s24, s16, $0xb8;
	[tilespmem:$0x1E400] =	vst v63  }
0x5d: {  	_ = 	snop  }
0x5e: {  	[tilespmem:s18], [sflag:$0x2] =	stream.indirect.gather [hbm4b:s4+s16], $0x80, s16, s16, $0xb8;
	[tilespmem:$0x1E400] =	vst v63  }
0x5f: {  	_ =	swait.ge [sflag:s19], $0x4000  }
0x60: {  	[sflag:s19] =	ssyncset.done $0x0  }
0x61: {  	s29 =	simm.s32 $0x1400;
	[sflag:s19] =	ssyncadd.s32 $0xFFFFC000  }
0x62: {  	[spmem:s2] =	stream.indirect.scatter.add.f32 [tilespmem:s17], [sflag:$0x3], $0x80, s29, s16, $0xb8;
	[tilespmem:$0x1E400] =	vst v63  }
0x63: {  	_ =	swait.ge [sflag:s14], $0x4000  }
0x64: {  	[sflag:s14] =	ssyncset.done $0x0  }
0x65: {  	s30 =	simm.s32 $0x100;
	[sflag:s14] =	ssyncadd.s32 $0xFFFFC000  }
0x66: {  	[tilespmem:s17], [sflag:$0x1] =	stream.indirect.gather [hbm4b:s4+s16], $0x80, s30, s16, $0xb8;
	[tilespmem:$0x1E400] =	vst v63  }
0x67: {  	_ =	swait.ge [sflag:s20], $0x4000  }
0x68: {  	[sflag:s20] =	ssyncset.done $0x0  }
0x69: {  	s31 =	simm.s32 $0x1480;
	[sflag:s20] =	ssyncadd.s32 $0xFFFFC000  }
0x6a: {  	[spmem:s2] =	stream.indirect.scatter.add.f32 [tilespmem:s18], [sflag:$0x3], $0x80, s31, s16, $0xb8;
	[tilespmem:$0x1E400] =	vst v63  }
0x6b: {  	_ =	swait.ge [sflag:s14], $0x4000  }
0x6c: {  	[sflag:s14] =	ssyncset.done $0x0  }
0x6d: {  	s25 =	simm.s32 $0x180;
	s24 =	simm.s32 $0x400;
	[sflag:s14] =	ssyncadd.s32 $0xFFFFC000  }
.LBB2_4:
0x6e: {  	[tilespmem:s18], [sflag:$0x2] =	stream.indirect.gather [hbm4b:s4+s16], $0x80, s25, s16, $0xb8;
	[tilespmem:$0x1E400] =	vst v63  }
0x6f: {  	s25 =	smov.u32 s24  }
0x70: {  	p0 =	sne.s32 s24, $0x4800;
	s24 =	sadd.s32 $0x400, s24;
	_ =	swait.ge [sflag:s19], $0x4000  }
0x71: {  	s25 =	sshra.s32 s25, $0x2;
	[sflag:s19] =	ssyncset.done $0x0  }
0x72: {  	s26 =	sadd.s32 $0x1400, s25;
	[sflag:s19] =	ssyncadd.s32 $0xFFFFC000  }
0x73: {  	[spmem:s2] =	stream.indirect.scatter.add.f32 [tilespmem:s17], [sflag:$0x3], $0x80, s26, s16, $0xb8;
	[tilespmem:$0x1E400] =	vst v63  }
0x74: {  	_ =	swait.ge [sflag:s14], $0x4000  }
0x75: {  	[sflag:s14] =	ssyncset.done $0x0  }
0x76: {  	s26 =	sadd.s32 $0x100, s25;
	[sflag:s14] =	ssyncadd.s32 $0xFFFFC000  }
0x77: {  	[tilespmem:s17], [sflag:$0x1] =	stream.indirect.gather [hbm4b:s4+s16], $0x80, s26, s16, $0xb8;
	[tilespmem:$0x1E400] =	vst v63  }
0x78: {  	_ =	swait.ge [sflag:s20], $0x4000  }
0x79: {  	[sflag:s20] =	ssyncset.done $0x0  }
.Ltmp1:
0x7a: {  	s26 =	sadd.s32 $0x1480, s25;
	[sflag:s20] =	ssyncadd.s32 $0xFFFFC000;
	(pc) =	sbr.rel @p0 .LBB2_4-.Ltmp1, $4  }
0x7b: {  	[spmem:s2] =	stream.indirect.scatter.add.f32 [tilespmem:s18], [sflag:$0x3], $0x80, s26, s16, $0xb8;
	[tilespmem:$0x1E400] =	vst v63  }
0x7c: {  	_ =	swait.ge [sflag:s14], $0x4000  }
0x7d: {  	[sflag:s14] =	ssyncset.done $0x0  }
0x7e: {  	s25 =	sadd.s32 $0x180, s25;
	[sflag:s14] =	ssyncadd.s32 $0xFFFFC000  }
0x7f: {  	[tilespmem:s18], [sflag:$0x2] =	stream.indirect.gather [hbm4b:s4+s16], $0x80, s25, s16, $0xb8;
	[tilespmem:$0x1E400] =	vst v63  }
0x80: {  	_ =	swait.ge [sflag:s19], $0x4000  }
0x81: {  	[sflag:s19] =	ssyncset.done $0x0  }
0x82: {  	[sflag:s19] =	ssyncadd.s32 $0xFFFFC000  }
0x83: {  	[spmem:s2] =	stream.indirect.scatter.add.f32 [tilespmem:s17], [sflag:$0x3], $0x80, s21, s16, $0xb8;
	[tilespmem:$0x1E400] =	vst v63  }
0x84: {  	_ =	swait.ge [sflag:s14], $0x4000  }
0x85: {  	[sflag:s14] =	ssyncset.done $0x0  }
0x86: {  	[sflag:s14] =	ssyncadd.s32 $0xFFFFC000  }
0x87: {  	_ =	swait.ge [sflag:s20], $0x4000  }
0x88: {  	[sflag:s20] =	ssyncset.done $0x0  }
0x89: {  	[sflag:s20] =	ssyncadd.s32 $0xFFFFC000  }
0x8a: {  	[spmem:s2] =	stream.indirect.scatter.add.f32 [tilespmem:s18], [sflag:$0x3], $0x80, s22, s16, $0xb8;
	[tilespmem:$0x1E400] =	vst v63  }
0x8b: {  	_ =	swait.ge [sflag:s14], $0x4000  }
0x8c: {  	s23 =	sadd.s32 $0x1, s23;
	[sflag:s14] =	ssyncset.done $0x0  }
0x8d: {  	p0 =	sne.s32 s23, s12;
	[sflag:s14] =	ssyncadd.s32 $0xFFFFC000  }
.Ltmp2:
0x8e: {  	[bflag:$0x0] =	sbarrier.arrive $0xFFFF;
	(pc) =	sbr.rel @p0 .LBB2_1-.Ltmp2, $4  }
0x8f: {  	[hbm:s11], [sflag:s6] =	dma.local [spmem:s13], $0x2780  }
0x90: {  	_ =	swait.ge [sflag:s14], $0x2780  }
0x91: {  	[sflag:s14] =	ssyncset.done $0x0  }
0x92: {  	[sflag:s14] =	ssyncadd.s32 $0xFFFFD880  }
0x93: {  	_ =	sfence.sel $0x180000  }
0x94: {  	[bflag:$0x0] =	sbarrier.arrive $0xFFFF  }
0x95: {  	p0 =	sne.s32 s1, $0x0;
	_ =	strace $0x9000004D  }
0x96: {  	s0 =	sadd.s32 @!p0 $0x100000, s0;
	[bflag:$0x2] =	sbarrier.arrive $0xFFFF  }
0x97: {  	[sflag:s0] =	ssyncadd.tile.s32 @!p0 $0x1;
	_ =	shalt  }
.Lfunc_end2:
_tile_overlayer_lowered:
.L_overlay_start_2:
0x98: {  	(tag) =	ssettag $0x2  }
0x99: {  	s0 =	rddreg [dreg:$0x0];
	s2 =	stileid.u32  }
0x9a: {  	s1 =	rddreg [dreg:$0x1];
	p0 =	sne.s32 s2, $0x0  }
0x9b: {  	s3 =	rddreg [dreg:$0x2];
	[bflag:$0x3] =	sbarrier.arrive $0xFFFF;
	s2 =	simm.s32 @!p0 $0x1C03  }
0x9c: {  	[timem:s3], [sflag:s2] =	dma.local @!p0 [hbm:s0], s1  }
0x9d: {  	s0 =	simm.s32 @!p0 $0x3  }
0x9e: {  	_ =	swait.ge @!p0 [sflag:s0], s1  }
0x9f: {  	s1 =	ssub.s32 @!p0 $0x0, s1;
	[sflag:s0] =	ssyncset.done @!p0 $0x0  }
0xa0: {  	[sflag:s0] =	ssyncadd.s32 @!p0 s1  }
0xa1: {  	[bflag:$0x3] =	sbarrier.arrive $0xFFFF  }
0xa2: {  	_ =	shalt  }

// kernel: kernel.8.cloned.1.call-start
scs
__scs_entry_jumppad:
0x0: {  	(pc) =	sbr.rel $0x88, $3  }
0x1: {  	(tag) =	ssettag $0x0;
	lr =	simm.s32 $0x1  }
0x2: {  	[smem:$0x3F92] =	sst lr;
	_ =	strace $0xD0000000  }
0x3: {  	_ = 	snop  }
0x4: {  	_ = 	snop  }
0x5: {  	_ = 	snop  }
0x6: {  	_ = 	snop  }
0x7: {  	_ = 	snop  }
__scs_overlays_trampoline_lowered:
0x8: {  	[smem:$0x3FA1] =	sst s0  }
0x9: {  	[smem:$0x3FA2] =	sst s1  }
0xa: {  	[smem:$0x3FA3] =	sst s2  }
0xb: {  	[smem:$0x3FA4] =	sst s3  }
0xc: {  	[smem:$0x3FA5] =	sst s4  }
0xd: {  	[smem:$0x3FA6] =	sst s5  }
0xe: {  	[smem:$0x3FA7] =	sst s6  }
0xf: {  	[smem:$0x3FA8] =	sst s7  }
0x10: {  	[smem:$0x3FA9] =	sst s8  }
0x11: {  	[smem:$0x3FAA] =	sst s9;
	s0 =	simm.s32 @!p0 $0x0  }
0x12: {  	s1 =	sld [smem:$0x3F90];
	s0 =	simm.s32 @p0 $0x1  }
0x13: {  	[smem:$0x3FAB] =	sst s0;
	s0 =	simm.s32 @!p1 $0x0  }
0x14: {  	s2 =	sld [smem:$0x3F8F];
	s0 =	simm.s32 @p1 $0x1  }
0x15: {  	[smem:$0x3FAC] =	sst s0;
	s0 =	simm.s32 @!p2 $0x0  }
0x16: {  	s3 =	sld [smem:$0x3FDB];
	s0 =	simm.s32 @p2 $0x1  }
0x17: {  	s4 =	simm.s32 $0x1BF5;
	[smem:$0x3FAE] =	sst s0  }
0x18: {  	s0 =	sld [smem:$0x3F91];
	_ =	swait.ge [sflag:s4], $0x0  }
0x19: {  	s7 =	sld [smem:$0x3F92]  }
0x1a: {  	s8 =	sadd.s32 $0xFFFFE003, lr  }
0x1b: {  	s9 =	sadd.s32 $0xFFFFFEF7, lr;
	s5 =	simm.s32 $0xFFFFFFFF;
	p2 =	slt.u32 s8, $0xFFFFF086  }
0x1c: {  	p1 =	slt.u32 s9, $0xF7A;
	s5 =	simm.s32 @!p2 $0x0  }
0x1d: {  	s5 =	simm.s32 @p1 $0x1;
	p0 =	seq.s32 s7, s2  }
0x1e: {  	s7 =	smul.u32 @!p0 $0xF7A, s2;
	p2 =	seq.s32 @!p0 s5, $0x0  }
0x1f: {  	s9 =	smul.u32 $0xF7A, s1;
	s8 =	simm.s32 @!p0 $0x1BF5;
	p2 =	por !p2, p0  }
0x20: {  	[sflag:s8] =	ssyncset.s32 @!p0 $0xFFFFF086;
	s6 =	sadd.s32 @!p0 s3, s7;
	s7 =	simm.s32 @!p0 $0x108  }
0x21: {  	s3 =	sadd.s32 s3, s9;
	s6 =	sadd.s32 @!p0 $0x88, s6;
	s7 =	simm.s32 @p2 $0x1082  }
0x22: {  	[simem:s7], [sflag:s8] =	dma.local @!p0 [hbm:s6], $0xF7A  }
0x23: {  	s9 =	sor.u32 $0xD0000000, s2;
	s6 =	simm.s32 $0x108;
	_ =	swait.ge @!p0 [sflag:s8], $0x0  }
0x24: {  	s3 =	sadd.s32 $0x88, s3;
	s6 =	simm.s32 @!p1 $0x1082;
	[sflag:s4] =	ssyncset.s32 $0xFFFFF086  }
0x25: {  	[simem:s6], [sflag:s4] =	dma.local [hbm:s3], $0xF7A  }
0x26: {  	[smem:$0x3F92] =	sst s1;
	(tag) =	ssettag s2;
	_ =	strace s9  }
0x27: {  	s1 =	sld [smem:$0x3FA2]  }
0x28: {  	s2 =	sld [smem:$0x3FA3]  }
0x29: {  	s4 =	sld [smem:$0x3FA5]  }
0x2a: {  	p0 =	seq.s32 s5, $0x0;
	s5 =	sld [smem:$0x3FA6]  }
0x2b: {  	s6 =	sld [smem:$0x3FA7]  }
0x2c: {  	s7 =	sld [smem:$0x3FA8]  }
0x2d: {  	s3 =	simm.s32 $0x108;
	s8 =	sld [smem:$0x3FA9]  }
0x2e: {  	s3 =	simm.s32 @!p0 $0x1082;
	s9 =	sld [smem:$0x3FAA]  }
0x2f: {  	lr =	sadd.s32 s0, s3;
	s0 =	sld [smem:$0x3FA1]  }
0x30: {  	s3 =	sld [smem:$0x3FA4]  }
0x31: {  	[smem:$0x3FAD] =	sst s10  }
0x32: {  	s10 =	sld [smem:$0x3FAB];
	_ =	sdelay $0x3  }
0x33: {  	p0 =	seq.s32 s10, $0x1;
	s10 =	sld [smem:$0x3FAD];
	_ =	sdelay $0x3  }
0x34: {  	[smem:$0x3FAD] =	sst s10  }
0x35: {  	s10 =	sld [smem:$0x3FAC];
	_ =	sdelay $0x3  }
0x36: {  	p1 =	seq.s32 s10, $0x1;
	s10 =	sld [smem:$0x3FAD];
	_ =	sdelay $0x3  }
0x37: {  	[smem:$0x3FAD] =	sst s10  }
0x38: {  	s10 =	sld [smem:$0x3FAE]  }
0x39: {  	_ = 	snop;
	(pc) =	sbr.ind lr, $3  }
0x3a: {  	_ = 	snop  }
0x3b: {  	_ = 	snop  }
0x3c: {  	p2 =	seq.s32 s10, $0x1;
	s10 =	sld [smem:$0x3FAD]  }
0x3d: {  	_ =	shalt  }
0x3e: {  	_ =	shalt  }
0x3f: {  	_ =	shalt  }
0x40: {  	_ =	shalt  }
0x41: {  	_ =	shalt  }
0x42: {  	_ =	shalt  }
0x43: {  	_ =	shalt  }
0x44: {  	_ =	shalt  }
0x45: {  	_ =	shalt  }
0x46: {  	_ =	shalt  }
0x47: {  	_ =	shalt  }
0x48: {  	_ =	shalt  }
0x49: {  	_ =	shalt  }
0x4a: {  	_ =	shalt  }
0x4b: {  	_ =	shalt  }
0x4c: {  	_ =	shalt  }
0x4d: {  	_ =	shalt  }
0x4e: {  	_ =	shalt  }
0x4f: {  	_ =	shalt  }
0x50: {  	_ =	shalt  }
0x51: {  	_ =	shalt  }
0x52: {  	_ =	shalt  }
0x53: {  	_ =	shalt  }
0x54: {  	_ =	shalt  }
0x55: {  	_ =	shalt  }
0x56: {  	_ =	shalt  }
0x57: {  	_ =	shalt  }
0x58: {  	_ =	shalt  }
0x59: {  	_ =	shalt  }
0x5a: {  	_ =	shalt  }
0x5b: {  	_ =	shalt  }
0x5c: {  	_ =	shalt  }
0x5d: {  	_ =	shalt  }
0x5e: {  	_ =	shalt  }
0x5f: {  	_ =	shalt  }
0x60: {  	_ =	shalt  }
0x61: {  	_ =	shalt  }
0x62: {  	_ =	shalt  }
0x63: {  	_ =	shalt  }
0x64: {  	_ =	shalt  }
0x65: {  	_ =	shalt  }
0x66: {  	_ =	shalt  }
0x67: {  	_ =	shalt  }
0x68: {  	_ =	shalt  }
0x69: {  	_ =	shalt  }
0x6a: {  	_ =	shalt  }
0x6b: {  	_ =	shalt  }
0x6c: {  	_ =	shalt  }
0x6d: {  	_ =	shalt  }
0x6e: {  	_ =	shalt  }
0x6f: {  	_ =	shalt  }
0x70: {  	_ =	shalt  }
0x71: {  	_ =	shalt  }
0x72: {  	_ =	shalt  }
0x73: {  	_ =	shalt  }
0x74: {  	_ =	shalt  }
0x75: {  	_ =	shalt  }
0x76: {  	_ =	shalt  }
0x77: {  	_ =	shalt  }
0x78: {  	_ =	shalt  }
0x79: {  	_ =	shalt  }
0x7a: {  	_ =	shalt  }
0x7b: {  	_ =	shalt  }
0x7c: {  	_ =	shalt  }
0x7d: {  	_ =	shalt  }
0x7e: {  	_ =	shalt  }
0x7f: {  	_ =	shalt  }
0x80: {  	_ =	shalt  }
0x81: {  	_ =	shalt  }
0x82: {  	_ =	shalt  }
0x83: {  	_ =	shalt  }
0x84: {  	_ =	shalt  }
0x85: {  	_ =	shalt  }
0x86: {  	_ =	shalt  }
0x87: {  	_ =	shalt  }
.Lfunc_end0:
.L_simem_size_0:
called_computation_lowered:
.L_overlay_start_0:
0x88: {  	s2 =	sld [smem:$0x3FD9]  }
0x89: {  	s3 =	sld [smem:$0x3FFE];
	_ =	sdelay $0x1  }
0x8a: {  	s1 =	srdreg.scid  }
0x8b: {  	s0 =	sand.u32 $0x1, s1  }
0x8c: {  	s16 =	sshll.u32 s0, $0xA;
	s2 =	sadd.s32 s3, s2  }
0x8d: {  	s2 =	sadd.s32 s2, s16  }
0x8e: {  	[smem:$0x3FB9] =	sst s2  }
0x8f: {  	_ = 	snop  }
0x90: {  	(tm) =	ssettm $0x1  }
0x91: {  	s17 =	sld [smem:$0x3FFB];
	_ =	sdelay $0x3  }
0x92: {  	_ =	strace s17  }
0x93: {  	s2 =	sld [smem:$0x3FFC];
	_ =	sdelay $0x3  }
0x94: {  	_ =	strace s2  }
0x95: {  	s2 =	sld [smem:$0x3FFD];
	_ =	sdelay $0x3  }
0x96: {  	_ =	strace s2  }
0x97: {  	_ =	strace $0x8FFFFFFF  }
0x98: {  	s18 =	sld [smem:$0x3FDB];
	_ =	sdelay $0x1  }
0x99: {  	s19 =	simm.s32 $_scs_section_size  }
0x9a: {  	s4 =	simm.s32 $_size__tile_overlayer_lowered;
	s5 =	simm.s32 $_tile_overlayer_lowered  }
0x9b: {  	s22 =	simm.s32 $0x1BFF;
	s21 =	sshll.u32 s5, $0x1;
	s2 =	sadd.s32 s19, s18  }
0x9c: {  	s6 =	simm.s32 $0x0;
	s20 =	sshll.u32 s4, $0x1;
	s4 =	sadd.s32 s21, s2  }
0x9d: {  	[timem:s6], [sflag:s22] =	dma.local [hbm:s4], s20  }
0x9e: {  	_ =	swait.ge [sflag:s22], s20  }
0x9f: {  	s3 =	ssub.s32 $0x0, s20;
	[sflag:s22] =	ssyncset.done $0x0  }
0xa0: {  	[sflag:s22] =	ssyncadd.s32 s3;
	_ =	sdelay $0x1  }
0xa1: {  	s23 =	simm.s32 $0x1B8B  }
0xa2: {  	_ =	swait.ge [sflag:s23], $0x1  }
0xa3: {  	[sflag:s23] =	ssyncset.done $0x0  }
0xa4: {  	s25 =	simm.s32 $0x1B8E;
	s24 =	sld [smem:$0x3FFE];
	[sflag:s23] =	ssyncadd.s32 $0xFFFFFFFF  }
0xa5: {  	s26 =	simm.s32 $execute0_lowered;
	[smem:$0x3FD2] =	sst s25  }
0xa6: {  	s4 =	sshll.u32 s26, $0x1;
	_ =	strace $0x80000046;
	[dreg:$0x1] =	wrdreg $0xFFFFFFFF  }
0xa7: {  	s28 =	simm.s32 $_size_execute0_lowered;
	s2 =	sadd.s32 s2, s4;
	[dreg:$0x0] =	wrdreg $0x0  }
0xa8: {  	s4 =	sshll.u32 s28, $0x1;
	[dreg:$0x2] =	wrdreg s2  }
0xa9: {  	[dreg:$0x3] =	wrdreg s4  }
0xaa: {  	[dreg:$0x4] =	wrdreg $0xC0  }
0xab: {  	_ =	task [dreg:s6], $0x5FFFF  }
0xac: {  	[dreg:$0x1] =	wrdreg $0xFFFFFFFF  }
0xad: {  	[dreg:$0x0] =	wrdreg $0x60  }
0xae: {  	[dreg:$0x2] =	wrdreg s24  }
0xaf: {  	[dreg:$0x3] =	wrdreg $0xA8000  }
0xb0: {  	[dreg:$0x4] =	wrdreg $0x9  }
0xb1: {  	_ =	task.clear_ibuf [dreg:s6], $0x5FFFF;
	_ =	strace $0x90000046  }
0xb2: {  	s29 =	simm.s32 $0x9;
	_ =	strace $0x80000048  }
0xb3: {  	_ =	swait.ge [sflag:s29], $0x1  }
0xb4: {  	[sflag:s29] =	ssyncadd.s32 $0xFFFFFFFF  }
0xb5: {  	_ =	strace $0x90000048  }
0xb6: {  	_ =	sfence  }
0xb7: {  	s30 =	sld [smem:$0x0];
	_ =	sdelay $0x2  }
0xb8: {  	s31 =	sshll.u32 s1, $0xD;
	s1 =	sshrl.u32 s1, $0x2  }
0xb9: {  	s3 =	sand.u32 $0x4000, s31;
	s1 =	sadd.s32 s1, s30  }
0xba: {  	s0 =	sor.u32 s3, s0;
	s1 =	sshll.u32 s1, $0x11  }
0xbb: {  	s0 =	sor.u32 s1, s0  }
0xbc: {  	s0 =	sadd.s32 $0x8F2B, s0  }
0xbd: {  	[sflag:s0] =	ssyncadd.remote.s32 $0x1  }
0xbe: {  	_ =	sfence.sel $0xFFFF  }
0xbf: {  	[dreg:$0x0] =	wrdreg $0xFFFFFFFF;
	(pc) =	sbr.abs _section_cstart, $3  }
0xc0: {  	[dreg:$0x1] =	wrdreg $0xFFFFFFFF  }
0xc1: {  	_ =	task.clear_ibuf [dreg:s6], $0x2FFFF;
	_ =	strace $0x9FFFFFFF  }
0xc2: {  	(tm) =	ssettm $0x7FFFFFFF  }
0xc3: {  	_ =	shalt  }
tec
execute0_lowered:
.L_overlay_start_1:
0x0: {  	(tag) =	ssettag $0x1  }
0x1: {  	s5 =	rddreg [dreg:$0x0]  }
0x2: {  	s2 =	rddreg [dreg:$0x1]  }
0x3: {  	s0 =	rddreg [dreg:$0x2]  }
0x4: {  	s3 =	simm.s32 $0x0;
	s1 =	stileid.u32;
	s4 =	srdreg.scid  }
0x5: {  	s17 =	simm.s32 $0x2800;
	s18 =	simm.s32 $0x6800;
	s19 =	simm.s32 $0x1  }
0x6: {  	s20 =	simm.s32 $0x2;
	s21 =	simm.s32 $0x2700;
	s22 =	simm.s32 $0x2780  }
0x7: {  	s23 =	simm.s32 $0x0;
	[smem:$0x7FF] =	sst s3;
	s6 =	smul.u32 $0x13C00, s1  }
0x8: {  	s7 =	sand.u32 $0x1, s4;
	s4 =	sadd.s32 $0x12200, s5;
	s25 =	smul.u32 $0x4F000, s1  }
0x9: {  	s9 =	sadd.s32 $0x8200, s5;
	s10 =	sadd.s32 $0x3200, s5;
	s14 =	smul.u32 $0x2800, s1  }
0xa: {  	s28 =	sshll.u32 s1, $0x6;
	_ =	strace $0x80000047;
	s8 =	smul.u32 $0x13C000, s7  }
0xb: {  	s12 =	ssub.s32 $0x2, s7;
	s13 =	smul.u32 $0x28000, s7;
	s11 =	sshrl.u32 s6, $0x3  }
0xc: {  	s26 =	sshrl.u32 s12, $0x1;
	s30 =	sadd.s32 $0x1400, s14;
	s31 =	sshrl.u32 s14, $0x3  }
0xd: {  	s11 =	sadd.s32 s11, s5;
	s6 =	sadd.s32 s6, s8;
	s8 =	sshrl.u32 s25, $0x2  }
0xe: {  	s12 =	ssub.s32 s12, s26;
	s29 =	sadd.s32 s14, s13;
	s13 =	sadd.s32 s13, s30  }
0xf: {  	s14 =	simm.s32 $0x3;
	s6 =	sshrl.u32 s6, $0x3;
	s16 =	sadd.s32 s8, s2  }
0x10: {  	s7 =	sshrl.u32 s29, $0x3;
	s8 =	sadd.s32 s10, s31;
	s13 =	sshrl.u32 s13, $0x3  }
0x11: {  	s12 =	smax.u32 s12, $0x1;
	s15 =	sadd.s32 s6, s5;
	s5 =	sadd.s32 $0x60400, s11  }
0x12: {  	s6 =	sor.u32 $0x1C03, s28;
	s7 =	sadd.s32 s9, s7;
	s11 =	sshrl.u32 s30, $0x3  }
0x13: {  	s9 =	sadd.s32 s9, s13;
	s13 =	sshrl.u32 s16, $0x3;
	s16 =	simm.s32 $0x80  }
0x14: {  	s10 =	sadd.s32 s10, s11;
	s11 =	sadd.s32 $0x87C00, s15;
	s15 =	simm.s32 $0x1400  }
.LBB2_1:
0x15: {  	[spmem:s13], [sflag:s6] =	dma.local [hbm:s5], $0x2780  }
0x16: {  	_ =	swait.ge [sflag:s14], $0x2780  }
0x17: {  	[sflag:s14] =	ssyncset.done $0x0  }
0x18: {  	[sflag:s14] =	ssyncadd.s32 $0xFFFFD880  }
0x19: {  	[bflag:$0x0] =	sbarrier.arrive $0xFFFF  }
0x1a: {  	[tilespmem:s3], [sflag:$0x3] =	stream.linear.gather [hbm4b:s7+s3], $0x1400, $0x38;
	[tilespmem:$0x1E400] =	vst v63  }
0x1b: {  	_ =	swait.ge [sflag:s14], $0x1400  }
0x1c: {  	[sflag:s14] =	ssyncset.done $0x0  }
0x1d: {  	[sflag:s14] =	ssyncadd.s32 $0xFFFFEC00  }
0x1e: {  	[tilespmem:s15], [sflag:$0x3] =	stream.linear.gather [hbm4b:s8+s3], $0x1400, $0x38;
	[tilespmem:$0x1E400] =	vst v63  }
0x1f: {  	_ =	swait.ge [sflag:s14], $0x1400  }
0x20: {  	[sflag:s14] =	ssyncset.done $0x0  }
0x21: {  	[sflag:s14] =	ssyncadd.s32 $0xFFFFEC00  }
0x22: {  	[tilespmem:s17], [sflag:$0x1] =	stream.indirect.gather [hbm4b:s4+s16], $0x80, s3, s16, $0xb8;
	[tilespmem:$0x1E400] =	vst v63  }
0x23: {  	_ = 	snop  }
0x24: {  	[tilespmem:s18], [sflag:$0x2] =	stream.indirect.gather [hbm4b:s4+s16], $0x80, s16, s16, $0xb8;
	[tilespmem:$0x1E400] =	vst v63  }
0x25: {  	_ =	swait.ge [sflag:s19], $0x4000  }
0x26: {  	[sflag:s19] =	ssyncset.done $0x0  }
0x27: {  	s24 =	simm.s32 $0x1400;
	[sflag:s19] =	ssyncadd.s32 $0xFFFFC000  }
0x28: {  	[spmem:s2] =	stream.indirect.scatter.add.f32 [tilespmem:s17], [sflag:$0x3], $0x80, s24, s16, $0xb8;
	[tilespmem:$0x1E400] =	vst v63  }
0x29: {  	_ =	swait.ge [sflag:s14], $0x4000  }
0x2a: {  	[sflag:s14] =	ssyncset.done $0x0  }
0x2b: {  	s30 =	simm.s32 $0x100;
	[sflag:s14] =	ssyncadd.s32 $0xFFFFC000  }
0x2c: {  	[tilespmem:s17], [sflag:$0x1] =	stream.indirect.gather [hbm4b:s4+s16], $0x80, s30, s16, $0xb8;
	[tilespmem:$0x1E400] =	vst v63  }
0x2d: {  	_ =	swait.ge [sflag:s20], $0x4000  }
0x2e: {  	[sflag:s20] =	ssyncset.done $0x0  }
0x2f: {  	s31 =	simm.s32 $0x1480;
	[sflag:s20] =	ssyncadd.s32 $0xFFFFC000  }
0x30: {  	[spmem:s2] =	stream.indirect.scatter.add.f32 [tilespmem:s18], [sflag:$0x3], $0x80, s31, s16, $0xb8;
	[tilespmem:$0x1E400] =	vst v63  }
0x31: {  	_ =	swait.ge [sflag:s14], $0x4000  }
0x32: {  	[sflag:s14] =	ssyncset.done $0x0  }
0x33: {  	s25 =	simm.s32 $0x180;
	s24 =	simm.s32 $0x400;
	[sflag:s14] =	ssyncadd.s32 $0xFFFFC000  }
.LBB2_2:
0x34: {  	[tilespmem:s18], [sflag:$0x2] =	stream.indirect.gather [hbm4b:s4+s16], $0x80, s25, s16, $0xb8;
	[tilespmem:$0x1E400] =	vst v63  }
0x35: {  	s25 =	smov.u32 s24  }
0x36: {  	p0 =	sne.s32 s24, $0x4800;
	s24 =	sadd.s32 $0x400, s24;
	_ =	swait.ge [sflag:s19], $0x4000  }
0x37: {  	s25 =	sshra.s32 s25, $0x2;
	[sflag:s19] =	ssyncset.done $0x0  }
0x38: {  	s26 =	sadd.s32 $0x1400, s25;
	[sflag:s19] =	ssyncadd.s32 $0xFFFFC000  }
0x39: {  	[spmem:s2] =	stream.indirect.scatter.add.f32 [tilespmem:s17], [sflag:$0x3], $0x80, s26, s16, $0xb8;
	[tilespmem:$0x1E400] =	vst v63  }
0x3a: {  	_ =	swait.ge [sflag:s14], $0x4000  }
0x3b: {  	[sflag:s14] =	ssyncset.done $0x0  }
0x3c: {  	s26 =	sadd.s32 $0x100, s25;
	[sflag:s14] =	ssyncadd.s32 $0xFFFFC000  }
0x3d: {  	[tilespmem:s17], [sflag:$0x1] =	stream.indirect.gather [hbm4b:s4+s16], $0x80, s26, s16, $0xb8;
	[tilespmem:$0x1E400] =	vst v63  }
0x3e: {  	_ =	swait.ge [sflag:s20], $0x4000  }
0x3f: {  	[sflag:s20] =	ssyncset.done $0x0  }
.Ltmp0:
0x40: {  	s26 =	sadd.s32 $0x1480, s25;
	[sflag:s20] =	ssyncadd.s32 $0xFFFFC000;
	(pc) =	sbr.rel @p0 .LBB2_2-.Ltmp0, $4  }
0x41: {  	[spmem:s2] =	stream.indirect.scatter.add.f32 [tilespmem:s18], [sflag:$0x3], $0x80, s26, s16, $0xb8;
	[tilespmem:$0x1E400] =	vst v63  }
0x42: {  	_ =	swait.ge [sflag:s14], $0x4000  }
0x43: {  	[sflag:s14] =	ssyncset.done $0x0  }
0x44: {  	s25 =	sadd.s32 $0x180, s25;
	[sflag:s14] =	ssyncadd.s32 $0xFFFFC000  }
0x45: {  	[tilespmem:s18], [sflag:$0x2] =	stream.indirect.gather [hbm4b:s4+s16], $0x80, s25, s16, $0xb8;
	[tilespmem:$0x1E400] =	vst v63  }
0x46: {  	_ =	swait.ge [sflag:s19], $0x4000  }
0x47: {  	[sflag:s19] =	ssyncset.done $0x0  }
0x48: {  	[sflag:s19] =	ssyncadd.s32 $0xFFFFC000  }
0x49: {  	[spmem:s2] =	stream.indirect.scatter.add.f32 [tilespmem:s17], [sflag:$0x3], $0x80, s21, s16, $0xb8;
	[tilespmem:$0x1E400] =	vst v63  }
0x4a: {  	_ =	swait.ge [sflag:s14], $0x4000  }
0x4b: {  	[sflag:s14] =	ssyncset.done $0x0  }
0x4c: {  	[sflag:s14] =	ssyncadd.s32 $0xFFFFC000  }
0x4d: {  	_ =	swait.ge [sflag:s20], $0x4000  }
0x4e: {  	[sflag:s20] =	ssyncset.done $0x0  }
0x4f: {  	[sflag:s20] =	ssyncadd.s32 $0xFFFFC000  }
0x50: {  	[spmem:s2] =	stream.indirect.scatter.add.f32 [tilespmem:s18], [sflag:$0x3], $0x80, s22, s16, $0xb8;
	[tilespmem:$0x1E400] =	vst v63  }
0x51: {  	_ =	swait.ge [sflag:s14], $0x4000  }
0x52: {  	[sflag:s14] =	ssyncset.done $0x0  }
0x53: {  	s24 =	simm.s32 $0x0;
	[sflag:s14] =	ssyncadd.s32 $0xFFFFC000  }
0x54: {  	[tilespmem:s24], [sflag:$0x3] =	stream.linear.gather [hbm4b:s9+s24], $0x1400, $0x38;
	[tilespmem:$0x1E400] =	vst v63  }
0x55: {  	_ =	swait.ge [sflag:s14], $0x1400  }
0x56: {  	[sflag:s14] =	ssyncset.done $0x0  }
0x57: {  	[sflag:s14] =	ssyncadd.s32 $0xFFFFEC00  }
0x58: {  	[tilespmem:s15], [sflag:$0x3] =	stream.linear.gather [hbm4b:s10+s24], $0x1400, $0x38;
	[tilespmem:$0x1E400] =	vst v63  }
0x59: {  	_ =	swait.ge [sflag:s14], $0x1400  }
0x5a: {  	[sflag:s14] =	ssyncset.done $0x0  }
0x5b: {  	[sflag:s14] =	ssyncadd.s32 $0xFFFFEC00  }
0x5c: {  	[tilespmem:s17], [sflag:$0x1] =	stream.indirect.gather [hbm4b:s4+s16], $0x80, s24, s16, $0xb8;
	[tilespmem:$0x1E400] =	vst v63  }
0x5d: {  	_ = 	snop  }
0x5e: {  	[tilespmem:s18], [sflag:$0x2] =	stream.indirect.gather [hbm4b:s4+s16], $0x80, s16, s16, $0xb8;
	[tilespmem:$0x1E400] =	vst v63  }
0x5f: {  	_ =	swait.ge [sflag:s19], $0x4000  }
0x60: {  	[sflag:s19] =	ssyncset.done $0x0  }
0x61: {  	s29 =	simm.s32 $0x1400;
	[sflag:s19] =	ssyncadd.s32 $0xFFFFC000  }
0x62: {  	[spmem:s2] =	stream.indirect.scatter.add.f32 [tilespmem:s17], [sflag:$0x3], $0x80, s29, s16, $0xb8;
	[tilespmem:$0x1E400] =	vst v63  }
0x63: {  	_ =	swait.ge [sflag:s14], $0x4000  }
0x64: {  	[sflag:s14] =	ssyncset.done $0x0  }
0x65: {  	s30 =	simm.s32 $0x100;
	[sflag:s14] =	ssyncadd.s32 $0xFFFFC000  }
0x66: {  	[tilespmem:s17], [sflag:$0x1] =	stream.indirect.gather [hbm4b:s4+s16], $0x80, s30, s16, $0xb8;
	[tilespmem:$0x1E400] =	vst v63  }
0x67: {  	_ =	swait.ge [sflag:s20], $0x4000  }
0x68: {  	[sflag:s20] =	ssyncset.done $0x0  }
0x69: {  	s31 =	simm.s32 $0x1480;
	[sflag:s20] =	ssyncadd.s32 $0xFFFFC000  }
0x6a: {  	[spmem:s2] =	stream.indirect.scatter.add.f32 [tilespmem:s18], [sflag:$0x3], $0x80, s31, s16, $0xb8;
	[tilespmem:$0x1E400] =	vst v63  }
0x6b: {  	_ =	swait.ge [sflag:s14], $0x4000  }
0x6c: {  	[sflag:s14] =	ssyncset.done $0x0  }
0x6d: {  	s25 =	simm.s32 $0x180;
	s24 =	simm.s32 $0x400;
	[sflag:s14] =	ssyncadd.s32 $0xFFFFC000  }
.LBB2_4:
0x6e: {  	[tilespmem:s18], [sflag:$0x2] =	stream.indirect.gather [hbm4b:s4+s16], $0x80, s25, s16, $0xb8;
	[tilespmem:$0x1E400] =	vst v63  }
0x6f: {  	s25 =	smov.u32 s24  }
0x70: {  	p0 =	sne.s32 s24, $0x4800;
	s24 =	sadd.s32 $0x400, s24;
	_ =	swait.ge [sflag:s19], $0x4000  }
0x71: {  	s25 =	sshra.s32 s25, $0x2;
	[sflag:s19] =	ssyncset.done $0x0  }
0x72: {  	s26 =	sadd.s32 $0x1400, s25;
	[sflag:s19] =	ssyncadd.s32 $0xFFFFC000  }
0x73: {  	[spmem:s2] =	stream.indirect.scatter.add.f32 [tilespmem:s17], [sflag:$0x3], $0x80, s26, s16, $0xb8;
	[tilespmem:$0x1E400] =	vst v63  }
0x74: {  	_ =	swait.ge [sflag:s14], $0x4000  }
0x75: {  	[sflag:s14] =	ssyncset.done $0x0  }
0x76: {  	s26 =	sadd.s32 $0x100, s25;
	[sflag:s14] =	ssyncadd.s32 $0xFFFFC000  }
0x77: {  	[tilespmem:s17], [sflag:$0x1] =	stream.indirect.gather [hbm4b:s4+s16], $0x80, s26, s16, $0xb8;
	[tilespmem:$0x1E400] =	vst v63  }
0x78: {  	_ =	swait.ge [sflag:s20], $0x4000  }
0x79: {  	[sflag:s20] =	ssyncset.done $0x0  }
.Ltmp1:
0x7a: {  	s26 =	sadd.s32 $0x1480, s25;
	[sflag:s20] =	ssyncadd.s32 $0xFFFFC000;
	(pc) =	sbr.rel @p0 .LBB2_4-.Ltmp1, $4  }
0x7b: {  	[spmem:s2] =	stream.indirect.scatter.add.f32 [tilespmem:s18], [sflag:$0x3], $0x80, s26, s16, $0xb8;
	[tilespmem:$0x1E400] =	vst v63  }
0x7c: {  	_ =	swait.ge [sflag:s14], $0x4000  }
0x7d: {  	[sflag:s14] =	ssyncset.done $0x0  }
0x7e: {  	s25 =	sadd.s32 $0x180, s25;
	[sflag:s14] =	ssyncadd.s32 $0xFFFFC000  }
0x7f: {  	[tilespmem:s18], [sflag:$0x2] =	stream.indirect.gather [hbm4b:s4+s16], $0x80, s25, s16, $0xb8;
	[tilespmem:$0x1E400] =	vst v63  }
0x80: {  	_ =	swait.ge [sflag:s19], $0x4000  }
0x81: {  	[sflag:s19] =	ssyncset.done $0x0  }
0x82: {  	[sflag:s19] =	ssyncadd.s32 $0xFFFFC000  }
0x83: {  	[spmem:s2] =	stream.indirect.scatter.add.f32 [tilespmem:s17], [sflag:$0x3], $0x80, s21, s16, $0xb8;
	[tilespmem:$0x1E400] =	vst v63  }
0x84: {  	_ =	swait.ge [sflag:s14], $0x4000  }
0x85: {  	[sflag:s14] =	ssyncset.done $0x0  }
0x86: {  	[sflag:s14] =	ssyncadd.s32 $0xFFFFC000  }
0x87: {  	_ =	swait.ge [sflag:s20], $0x4000  }
0x88: {  	[sflag:s20] =	ssyncset.done $0x0  }
0x89: {  	[sflag:s20] =	ssyncadd.s32 $0xFFFFC000  }
0x8a: {  	[spmem:s2] =	stream.indirect.scatter.add.f32 [tilespmem:s18], [sflag:$0x3], $0x80, s22, s16, $0xb8;
	[tilespmem:$0x1E400] =	vst v63  }
0x8b: {  	_ =	swait.ge [sflag:s14], $0x4000  }
0x8c: {  	s23 =	sadd.s32 $0x1, s23;
	[sflag:s14] =	ssyncset.done $0x0  }
0x8d: {  	p0 =	sne.s32 s23, s12;
	[sflag:s14] =	ssyncadd.s32 $0xFFFFC000  }
.Ltmp2:
0x8e: {  	[bflag:$0x0] =	sbarrier.arrive $0xFFFF;
	(pc) =	sbr.rel @p0 .LBB2_1-.Ltmp2, $4  }
0x8f: {  	[hbm:s11], [sflag:s6] =	dma.local [spmem:s13], $0x2780  }
0x90: {  	_ =	swait.ge [sflag:s14], $0x2780  }
0x91: {  	[sflag:s14] =	ssyncset.done $0x0  }
0x92: {  	[sflag:s14] =	ssyncadd.s32 $0xFFFFD880  }
0x93: {  	_ =	sfence.sel $0x180000  }
0x94: {  	[bflag:$0x0] =	sbarrier.arrive $0xFFFF  }
0x95: {  	p0 =	sne.s32 s1, $0x0;
	_ =	strace $0x90000047  }
0x96: {  	s0 =	sadd.s32 @!p0 $0x100000, s0;
	[bflag:$0x2] =	sbarrier.arrive $0xFFFF  }
0x97: {  	[sflag:s0] =	ssyncadd.tile.s32 @!p0 $0x1;
	_ =	shalt  }
.Lfunc_end2:
_tile_overlayer_lowered:
.L_overlay_start_2:
0x98: {  	(tag) =	ssettag $0x2  }
0x99: {  	s0 =	rddreg [dreg:$0x0];
	s2 =	stileid.u32  }
0x9a: {  	s1 =	rddreg [dreg:$0x1];
	p0 =	sne.s32 s2, $0x0  }
0x9b: {  	s3 =	rddreg [dreg:$0x2];
	[bflag:$0x3] =	sbarrier.arrive $0xFFFF;
	s2 =	simm.s32 @!p0 $0x1C03  }
0x9c: {  	[timem:s3], [sflag:s2] =	dma.local @!p0 [hbm:s0], s1  }
0x9d: {  	s0 =	simm.s32 @!p0 $0x3  }
0x9e: {  	_ =	swait.ge @!p0 [sflag:s0], s1  }
0x9f: {  	s1 =	ssub.s32 @!p0 $0x0, s1;
	[sflag:s0] =	ssyncset.done @!p0 $0x0  }
0xa0: {  	[sflag:s0] =	ssyncadd.s32 @!p0 s1  }
0xa1: {  	[bflag:$0x3] =	sbarrier.arrive $0xFFFF  }
0xa2: {  	_ =	shalt  }

</sc_bundles>
